<compile_context>
chip_gen: v7x
topology: tpu7x:2x2x1
jax: 0.10.2.dev20260603
libtpu: 0.0.44.dev20260713+nightly
codegen_flags: <defaults>
</compile_context>

<pallas_src>
import functools

import jax
import jax.numpy as jnp
from jax import lax
from jax.experimental import pallas as pl
from jax.experimental.pallas import tpu as pltpu
from jax.experimental.pallas import tpu_sc as plsc

NROWS = 16384
NCOLS = 720
NPAIR = 360
NOUT = 256
NLANES = 16
NC = 2
NS = 16
NW = NC * NS
RPW = NROWS // NW
RB = 128
NB = RPW // RB
NG = NOUT // NLANES

_mesh = plsc.VectorSubcoreMesh(core_axis_name="c", subcore_axis_name="s")


@functools.partial(
    pl.kernel,
    out_type=jax.ShapeDtypeStruct((NROWS, NOUT), jnp.float32),
    mesh=_mesh,
    compiler_params=pltpu.CompilerParams(needs_layout_passes=False),
    scratch_types=[
        pltpu.VMEM((NOUT,), jnp.int32),
        pltpu.VMEM((NCOLS, RB), jnp.float32),
        pltpu.VMEM((RB, NOUT), jnp.float32),
        pltpu.SemaphoreType.DMA,
        pltpu.SemaphoreType.DMA,
    ],
)
def _gather_k(xt_hbm, idx_hbm, out_hbm, idx_v, in_v, out_v, si, so):
    wid = lax.axis_index("s") * NC + lax.axis_index("c")
    row0 = wid * RPW

    pltpu.sync_copy(idx_hbm, idx_v)
    idxr = [idx_v[pl.ds(NLANES * g, NLANES)] for g in range(NG)]

    for blk in range(NB):
        i0 = row0 + blk * RB

        def dma_body(c1, carry):
            pltpu.async_copy(xt_hbm.at[c1, :, pl.ds(i0, RB)],
                             in_v.at[pl.ds(2 * c1, 2)], si)
            return carry

        lax.fori_loop(0, NPAIR, dma_body, 0)

        def wait_body(c1, carry):
            pltpu.make_async_copy(xt_hbm.at[0, :, pl.ds(i0, RB)],
                                  in_v.at[pl.ds(0, 2)], si).wait()
            return carry

        lax.fori_loop(0, NPAIR, wait_body, 0)

        if blk > 0:
            pltpu.make_async_copy(
                out_v, out_hbm.at[pl.ds(row0 + (blk - 1) * RB, RB)],
                so).wait()

        @plsc.parallel_loop(0, RB, 1, unroll=2)
        def row_body(r):
            rvec = jnp.full((NLANES,), r, dtype=jnp.int32)
            for g in range(NG):
                val = plsc.load_gather(in_v, [idxr[g], rvec])
                out_v[r, pl.ds(NLANES * g, NLANES)] = val

        pltpu.async_copy(out_v, out_hbm.at[pl.ds(i0, RB)], so)

    pltpu.make_async_copy(
        out_v, out_hbm.at[pl.ds(row0 + (NB - 1) * RB, RB)], so).wait()


def kernel(input, inds_idx):
    xt = input.transpose(1, 2, 0)
    return _gather_k(xt, inds_idx)

# --- scband reference (transcript-rebuilt; emitter-appended) ---
"""Pipeline reference for scband-random-features-16200616640629 (READ-ONLY COPY).

The authoritative reference and input builder live on the scoring server;
editing this copy changes nothing except your own understanding.
"""

import jax, jax.numpy as jnp
import numpy as np

NUM_FEATURES = 256
TOTAL_COLS = 360 * 2

def setup_inputs(seed: int = 0) -> dict:
    key = jax.random.key(seed)
    x = jax.random.normal(key, (16384, 360, 2), dtype=jnp.float32)
    # Module state: boolean mask from np.random.permutation(720) < num_features.
    rng = np.random.default_rng(0)
    mask = rng.permutation(TOTAL_COLS) < NUM_FEATURES
    # Precompute integer column indices for a jit-friendly gather.
    inds_idx = jnp.asarray(np.nonzero(mask)[0], dtype=jnp.int32)
    return {"input": x, "inds_idx": inds_idx}

def reference(input, inds_idx):
    # nn.Flatten(): flatten all dims except batch
    x = input.reshape(input.shape[0], -1)
    # x[..., self.inds]: boolean column selection == gather of the selected columns
    output = jnp.take(x, inds_idx, axis=-1)
    return output

if __name__ == "__main__":
    import jax
    _d = setup_inputs()
    print(jax.jit(kernel)(*tuple(_d.values())))

</pallas_src>

<mosaic_0001>
#map = affine_map<(d0, d1) -> (0, 0, 0)>
#map1 = affine_map<(d0, d1) -> (0)>
#map2 = affine_map<(d0, d1) -> (0, 0)>
module attributes {stable_mosaic.version = 14 : i64} {
  func.func @_gather_k(%arg0: i32, %arg1: i32, %arg2: memref<360x2x16384xf32, #tpu.memory_space<hbm>>, %arg3: memref<256xi32, #tpu.memory_space<hbm>>, %arg4: memref<16384x256xf32, #tpu.memory_space<hbm>>, %arg5: memref<256xi32, #tpu.memory_space<vmem>>, %arg6: memref<720x128xf32, #tpu.memory_space<vmem>>, %arg7: memref<128x256xf32, #tpu.memory_space<vmem>>, %arg8: memref<!tpu.dma_semaphore, #tpu.memory_space<semaphore_mem>>, %arg9: memref<!tpu.dma_semaphore, #tpu.memory_space<semaphore_mem>>) attributes {dimension_semantics = [#tpu.dimension_semantics<core_parallel>, #tpu.dimension_semantics<subcore_parallel>], iteration_bounds = array<i64: 2, 16>, scalar_prefetch = 0 : i64, scratch_operands = 5 : i64, tpu.core_type = #tpu.core_type<sc_vector_subcore>, window_params = [{transform_indices = #map}, {transform_indices = #map1}, {transform_indices = #map2}]} {
    %mul3A = arith.constant 2 : i32
    %mul3A_0 = arith.muli %arg1, %mul3A : i32
    %add3A = arith.addi %mul3A_0, %arg0 : i32
    %mul3A_1 = arith.constant 512 : i32
    %mul3A_2 = arith.muli %add3A, %mul3A_1 : i32
    "tpu.region"() ({
      %run_scoped3A = tpu.sem_alloc : memref<!tpu.dma_semaphore, #tpu.memory_space<semaphore_mem>>
      tpu.enqueue_dma source(%arg3 : memref<256xi32, #tpu.memory_space<hbm>>) target(%arg5 : memref<256xi32, #tpu.memory_space<vmem>>) target_semaphore(%run_scoped3A : memref<!tpu.dma_semaphore, #tpu.memory_space<semaphore_mem>>)
      tpu.wait_dma2 semaphore(%run_scoped3A : memref<!tpu.dma_semaphore, #tpu.memory_space<semaphore_mem>>) src(%arg3 : memref<256xi32, #tpu.memory_space<hbm>>) dst(%arg5 : memref<256xi32, #tpu.memory_space<vmem>>)
      tpu.yield
    }) : () -> ()
    %get3A = arith.constant 0 : index
    %get3A_3 = tpu.vector_load %arg5[%get3A] {strides = array<i32>} : memref<256xi32, #tpu.memory_space<vmem>>, vector<16xi32>,
    %get3A_4 = arith.constant 16 : index
    %get3A_5 = tpu.vector_load %arg5[%get3A_4] {strides = array<i32>} : memref<256xi32, #tpu.memory_space<vmem>>, vector<16xi32>,
    %get3A_6 = arith.constant 32 : index
    %get3A_7 = tpu.vector_load %arg5[%get3A_6] {strides = array<i32>} : memref<256xi32, #tpu.memory_space<vmem>>, vector<16xi32>,
    %get3A_8 = arith.constant 48 : index
    %get3A_9 = tpu.vector_load %arg5[%get3A_8] {strides = array<i32>} : memref<256xi32, #tpu.memory_space<vmem>>, vector<16xi32>,
    %get3A_10 = arith.constant 64 : index
    %get3A_11 = tpu.vector_load %arg5[%get3A_10] {strides = array<i32>} : memref<256xi32, #tpu.memory_space<vmem>>, vector<16xi32>,
    %get3A_12 = arith.constant 80 : index
    %get3A_13 = tpu.vector_load %arg5[%get3A_12] {strides = array<i32>} : memref<256xi32, #tpu.memory_space<vmem>>, vector<16xi32>,
    %get3A_14 = arith.constant 96 : index
    %get3A_15 = tpu.vector_load %arg5[%get3A_14] {strides = array<i32>} : memref<256xi32, #tpu.memory_space<vmem>>, vector<16xi32>,
    %get3A_16 = arith.constant 112 : index
    %get3A_17 = tpu.vector_load %arg5[%get3A_16] {strides = array<i32>} : memref<256xi32, #tpu.memory_space<vmem>>, vector<16xi32>,
    %get3A_18 = arith.constant 128 : index
    %get3A_19 = tpu.vector_load %arg5[%get3A_18] {strides = array<i32>} : memref<256xi32, #tpu.memory_space<vmem>>, vector<16xi32>,
    %get3A_20 = arith.constant 144 : index
    %get3A_21 = tpu.vector_load %arg5[%get3A_20] {strides = array<i32>} : memref<256xi32, #tpu.memory_space<vmem>>, vector<16xi32>,
    %get3A_22 = arith.constant 160 : index
    %get3A_23 = tpu.vector_load %arg5[%get3A_22] {strides = array<i32>} : memref<256xi32, #tpu.memory_space<vmem>>, vector<16xi32>,
    %get3A_24 = arith.constant 176 : index
    %get3A_25 = tpu.vector_load %arg5[%get3A_24] {strides = array<i32>} : memref<256xi32, #tpu.memory_space<vmem>>, vector<16xi32>,
    %get3A_26 = arith.constant 192 : index
    %get3A_27 = tpu.vector_load %arg5[%get3A_26] {strides = array<i32>} : memref<256xi32, #tpu.memory_space<vmem>>, vector<16xi32>,
    %get3A_28 = arith.constant 208 : index
    %get3A_29 = tpu.vector_load %arg5[%get3A_28] {strides = array<i32>} : memref<256xi32, #tpu.memory_space<vmem>>, vector<16xi32>,
    %get3A_30 = arith.constant 224 : index
    %get3A_31 = tpu.vector_load %arg5[%get3A_30] {strides = array<i32>} : memref<256xi32, #tpu.memory_space<vmem>>, vector<16xi32>,
    %get3A_32 = arith.constant 240 : index
    %get3A_33 = tpu.vector_load %arg5[%get3A_32] {strides = array<i32>} : memref<256xi32, #tpu.memory_space<vmem>>, vector<16xi32>,
    %add3A_34 = arith.constant 0 : i32
    %add3A_35 = arith.addi %mul3A_2, %add3A_34 : i32
    %scan3A = arith.constant 0 : i32
    %scan3A_36 = arith.constant 0 : i32
    %scan3A_37 = arith.constant 360 : i32
    %scan3A_38 = arith.addi %scan3A_36, %scan3A_37 : i32
    %scan3A_39 = arith.constant 1 : i32
    scf.for %scan3A_138 = %scan3A_36 to %scan3A_38 step %scan3A_39  : i32 {
      %mul3A_139 = arith.constant 2 : i32
      %mul3A_140 = arith.muli %mul3A_139, %scan3A_138 : i32
      %dma_start3A_141 = arith.constant 0 : i32
      %dma_start3A_142 = tpu.memref_slice %arg6[%mul3A_140, %dma_start3A_141] : memref<720x128xf32, #tpu.memory_space<vmem>> -> memref<2x128xf32, #tpu.memory_space<vmem>>
      %dma_start3A_143 = arith.constant 0 : i32
      %dma_start3A_144 = tpu.memref_slice %arg2[%scan3A_138, %dma_start3A_143, %add3A_35] : memref<360x2x16384xf32, #tpu.memory_space<hbm>> -> memref<1x2x128xf32, #tpu.memory_space<hbm>>
      %dma_start3A_145 = tpu.memref_squeeze %dma_start3A_144 : memref<1x2x128xf32, #tpu.memory_space<hbm>> -> memref<2x128xf32, #tpu.memory_space<hbm>>
      %dma_start3A_146 = arith.constant 0 : i32
      %dma_start3A_147 = tpu.memref_slice %arg6[%mul3A_140, %dma_start3A_146] : memref<720x128xf32, #tpu.memory_space<vmem>> -> memref<2x128xf32, #tpu.memory_space<vmem>>
      %dma_start3A_148 = arith.constant 0 : i32
      %dma_start3A_149 = tpu.memref_slice %arg2[%scan3A_138, %dma_start3A_148, %add3A_35] : memref<360x2x16384xf32, #tpu.memory_space<hbm>> -> memref<1x2x128xf32, #tpu.memory_space<hbm>>
      %dma_start3A_150 = tpu.memref_squeeze %dma_start3A_149 : memref<1x2x128xf32, #tpu.memory_space<hbm>> -> memref<2x128xf32, #tpu.memory_space<hbm>>
      tpu.enqueue_dma source(%dma_start3A_150 : memref<2x128xf32, #tpu.memory_space<hbm>>) target(%dma_start3A_147 : memref<2x128xf32, #tpu.memory_space<vmem>>) target_semaphore(%arg8 : memref<!tpu.dma_semaphore, #tpu.memory_space<semaphore_mem>>)
    }
    %scan3A_40 = arith.constant 360 : i32
    %scan3A_41 = arith.constant 0 : i32
    %scan3A_42 = arith.constant 0 : i32
    %scan3A_43 = arith.constant 360 : i32
    %scan3A_44 = arith.addi %scan3A_42, %scan3A_43 : i32
    %scan3A_45 = arith.constant 1 : i32
    scf.for %scan3A_138 = %scan3A_42 to %scan3A_44 step %scan3A_45  : i32 {
      %dma_wait3A_139 = arith.constant 0 : i32
      %dma_wait3A_140 = arith.constant 0 : i32
      %dma_wait3A_141 = arith.constant 0 : i32
      %dma_wait3A_142 = tpu.memref_slice %arg6[%dma_wait3A_140, %dma_wait3A_141] : memref<720x128xf32, #tpu.memory_space<vmem>> -> memref<2x128xf32, #tpu.memory_space<vmem>>
      %dma_wait3A_143 = arith.constant 0 : i32
      %dma_wait3A_144 = tpu.memref_slice %arg2[%dma_wait3A_139, %dma_wait3A_143, %add3A_35] : memref<360x2x16384xf32, #tpu.memory_space<hbm>> -> memref<1x2x128xf32, #tpu.memory_space<hbm>>
      %dma_wait3A_145 = tpu.memref_squeeze %dma_wait3A_144 : memref<1x2x128xf32, #tpu.memory_space<hbm>> -> memref<2x128xf32, #tpu.memory_space<hbm>>
      %dma_wait3A_146 = arith.constant 0 : i32
      %dma_wait3A_147 = arith.constant 0 : i32
      %dma_wait3A_148 = tpu.memref_slice %arg6[%dma_wait3A_146, %dma_wait3A_147] : memref<720x128xf32, #tpu.memory_space<vmem>> -> memref<2x128xf32, #tpu.memory_space<vmem>>
      %dma_wait3A_149 = arith.constant 0 : i32
      %dma_wait3A_150 = tpu.memref_slice %arg2[%dma_wait3A_139, %dma_wait3A_149, %add3A_35] : memref<360x2x16384xf32, #tpu.memory_space<hbm>> -> memref<1x2x128xf32, #tpu.memory_space<hbm>>
      %dma_wait3A_151 = tpu.memref_squeeze %dma_wait3A_150 : memref<1x2x128xf32, #tpu.memory_space<hbm>> -> memref<2x128xf32, #tpu.memory_space<hbm>>
      tpu.wait_dma2 semaphore(%arg8 : memref<!tpu.dma_semaphore, #tpu.memory_space<semaphore_mem>>) src(%dma_wait3A_151 : memref<2x128xf32, #tpu.memory_space<hbm>>) dst(%dma_wait3A_148 : memref<2x128xf32, #tpu.memory_space<vmem>>)
    }
    %scan3A_46 = arith.constant 360 : i32
    %parallel_loop3A = arith.constant 0 : i32
    %parallel_loop3A_47 = arith.constant 128 : i32
    %parallel_loop3A_48 = arith.constant 1 : i32
    scf.for %parallel_loop3A_138 = %parallel_loop3A to %parallel_loop3A_47 step %parallel_loop3A_48  : i32 {
      %parallel_loop3A_139 = vector.broadcast %parallel_loop3A_138 : i32 to vector<16xi32>
      %parallel_loop3A_140 = tpu.vector_load_idx %arg6[%get3A_3, %parallel_loop3A_139] : memref<720x128xf32, #tpu.memory_space<vmem>>[vector<16xi32>, vector<16xi32>], vector<16xf32>,
      %parallel_loop3A_141 = arith.index_cast %parallel_loop3A_138 : i32 to index
      %parallel_loop3A_142 = arith.constant 0 : index
      %parallel_loop3A_143 = tpu.vector_load %arg7[%parallel_loop3A_141, %parallel_loop3A_142] {strides = array<i32>} : memref<128x256xf32, #tpu.memory_space<vmem>>, vector<16xf32>,
      tpu.vector_store %arg7[%parallel_loop3A_141, %parallel_loop3A_142], %parallel_loop3A_140 {strides = array<i32>} : memref<128x256xf32, #tpu.memory_space<vmem>>, vector<16xf32>,
      %parallel_loop3A_144 = tpu.vector_load_idx %arg6[%get3A_5, %parallel_loop3A_139] : memref<720x128xf32, #tpu.memory_space<vmem>>[vector<16xi32>, vector<16xi32>], vector<16xf32>,
      %parallel_loop3A_145 = arith.index_cast %parallel_loop3A_138 : i32 to index
      %parallel_loop3A_146 = arith.constant 16 : index
      %parallel_loop3A_147 = tpu.vector_load %arg7[%parallel_loop3A_145, %parallel_loop3A_146] {strides = array<i32>} : memref<128x256xf32, #tpu.memory_space<vmem>>, vector<16xf32>,
      tpu.vector_store %arg7[%parallel_loop3A_145, %parallel_loop3A_146], %parallel_loop3A_144 {strides = array<i32>} : memref<128x256xf32, #tpu.memory_space<vmem>>, vector<16xf32>,
      %parallel_loop3A_148 = tpu.vector_load_idx %arg6[%get3A_7, %parallel_loop3A_139] : memref<720x128xf32, #tpu.memory_space<vmem>>[vector<16xi32>, vector<16xi32>], vector<16xf32>,
      %parallel_loop3A_149 = arith.index_cast %parallel_loop3A_138 : i32 to index
      %parallel_loop3A_150 = arith.constant 32 : index
      %parallel_loop3A_151 = tpu.vector_load %arg7[%parallel_loop3A_149, %parallel_loop3A_150] {strides = array<i32>} : memref<128x256xf32, #tpu.memory_space<vmem>>, vector<16xf32>,
      tpu.vector_store %arg7[%parallel_loop3A_149, %parallel_loop3A_150], %parallel_loop3A_148 {strides = array<i32>} : memref<128x256xf32, #tpu.memory_space<vmem>>, vector<16xf32>,
      %parallel_loop3A_152 = tpu.vector_load_idx %arg6[%get3A_9, %parallel_loop3A_139] : memref<720x128xf32, #tpu.memory_space<vmem>>[vector<16xi32>, vector<16xi32>], vector<16xf32>,
      %parallel_loop3A_153 = arith.index_cast %parallel_loop3A_138 : i32 to index
      %parallel_loop3A_154 = arith.constant 48 : index
      %parallel_loop3A_155 = tpu.vector_load %arg7[%parallel_loop3A_153, %parallel_loop3A_154] {strides = array<i32>} : memref<128x256xf32, #tpu.memory_space<vmem>>, vector<16xf32>,
      tpu.vector_store %arg7[%parallel_loop3A_153, %parallel_loop3A_154], %parallel_loop3A_152 {strides = array<i32>} : memref<128x256xf32, #tpu.memory_space<vmem>>, vector<16xf32>,
      %parallel_loop3A_156 = tpu.vector_load_idx %arg6[%get3A_11, %parallel_loop3A_139] : memref<720x128xf32, #tpu.memory_space<vmem>>[vector<16xi32>, vector<16xi32>], vector<16xf32>,
      %parallel_loop3A_157 = arith.index_cast %parallel_loop3A_138 : i32 to index
      %parallel_loop3A_158 = arith.constant 64 : index
      %parallel_loop3A_159 = tpu.vector_load %arg7[%parallel_loop3A_157, %parallel_loop3A_158] {strides = array<i32>} : memref<128x256xf32, #tpu.memory_space<vmem>>, vector<16xf32>,
      tpu.vector_store %arg7[%parallel_loop3A_157, %parallel_loop3A_158], %parallel_loop3A_156 {strides = array<i32>} : memref<128x256xf32, #tpu.memory_space<vmem>>, vector<16xf32>,
      %parallel_loop3A_160 = tpu.vector_load_idx %arg6[%get3A_13, %parallel_loop3A_139] : memref<720x128xf32, #tpu.memory_space<vmem>>[vector<16xi32>, vector<16xi32>], vector<16xf32>,
      %parallel_loop3A_161 = arith.index_cast %parallel_loop3A_138 : i32 to index
      %parallel_loop3A_162 = arith.constant 80 : index
      %parallel_loop3A_163 = tpu.vector_load %arg7[%parallel_loop3A_161, %parallel_loop3A_162] {strides = array<i32>} : memref<128x256xf32, #tpu.memory_space<vmem>>, vector<16xf32>,
      tpu.vector_store %arg7[%parallel_loop3A_161, %parallel_loop3A_162], %parallel_loop3A_160 {strides = array<i32>} : memref<128x256xf32, #tpu.memory_space<vmem>>, vector<16xf32>,
      %parallel_loop3A_164 = tpu.vector_load_idx %arg6[%get3A_15, %parallel_loop3A_139] : memref<720x128xf32, #tpu.memory_space<vmem>>[vector<16xi32>, vector<16xi32>], vector<16xf32>,
      %parallel_loop3A_165 = arith.index_cast %parallel_loop3A_138 : i32 to index
      %parallel_loop3A_166 = arith.constant 96 : index
      %parallel_loop3A_167 = tpu.vector_load %arg7[%parallel_loop3A_165, %parallel_loop3A_166] {strides = array<i32>} : memref<128x256xf32, #tpu.memory_space<vmem>>, vector<16xf32>,
      tpu.vector_store %arg7[%parallel_loop3A_165, %parallel_loop3A_166], %parallel_loop3A_164 {strides = array<i32>} : memref<128x256xf32, #tpu.memory_space<vmem>>, vector<16xf32>,
      %parallel_loop3A_168 = tpu.vector_load_idx %arg6[%get3A_17, %parallel_loop3A_139] : memref<720x128xf32, #tpu.memory_space<vmem>>[vector<16xi32>, vector<16xi32>], vector<16xf32>,
      %parallel_loop3A_169 = arith.index_cast %parallel_loop3A_138 : i32 to index
      %parallel_loop3A_170 = arith.constant 112 : index
      %parallel_loop3A_171 = tpu.vector_load %arg7[%parallel_loop3A_169, %parallel_loop3A_170] {strides = array<i32>} : memref<128x256xf32, #tpu.memory_space<vmem>>, vector<16xf32>,
      tpu.vector_store %arg7[%parallel_loop3A_169, %parallel_loop3A_170], %parallel_loop3A_168 {strides = array<i32>} : memref<128x256xf32, #tpu.memory_space<vmem>>, vector<16xf32>,
      %parallel_loop3A_172 = tpu.vector_load_idx %arg6[%get3A_19, %parallel_loop3A_139] : memref<720x128xf32, #tpu.memory_space<vmem>>[vector<16xi32>, vector<16xi32>], vector<16xf32>,
      %parallel_loop3A_173 = arith.index_cast %parallel_loop3A_138 : i32 to index
      %parallel_loop3A_174 = arith.constant 128 : index
      %parallel_loop3A_175 = tpu.vector_load %arg7[%parallel_loop3A_173, %parallel_loop3A_174] {strides = array<i32>} : memref<128x256xf32, #tpu.memory_space<vmem>>, vector<16xf32>,
      tpu.vector_store %arg7[%parallel_loop3A_173, %parallel_loop3A_174], %parallel_loop3A_172 {strides = array<i32>} : memref<128x256xf32, #tpu.memory_space<vmem>>, vector<16xf32>,
      %parallel_loop3A_176 = tpu.vector_load_idx %arg6[%get3A_21, %parallel_loop3A_139] : memref<720x128xf32, #tpu.memory_space<vmem>>[vector<16xi32>, vector<16xi32>], vector<16xf32>,
      %parallel_loop3A_177 = arith.index_cast %parallel_loop3A_138 : i32 to index
      %parallel_loop3A_178 = arith.constant 144 : index
      %parallel_loop3A_179 = tpu.vector_load %arg7[%parallel_loop3A_177, %parallel_loop3A_178] {strides = array<i32>} : memref<128x256xf32, #tpu.memory_space<vmem>>, vector<16xf32>,
      tpu.vector_store %arg7[%parallel_loop3A_177, %parallel_loop3A_178], %parallel_loop3A_176 {strides = array<i32>} : memref<128x256xf32, #tpu.memory_space<vmem>>, vector<16xf32>,
      %parallel_loop3A_180 = tpu.vector_load_idx %arg6[%get3A_23, %parallel_loop3A_139] : memref<720x128xf32, #tpu.memory_space<vmem>>[vector<16xi32>, vector<16xi32>], vector<16xf32>,
      %parallel_loop3A_181 = arith.index_cast %parallel_loop3A_138 : i32 to index
      %parallel_loop3A_182 = arith.constant 160 : index
      %parallel_loop3A_183 = tpu.vector_load %arg7[%parallel_loop3A_181, %parallel_loop3A_182] {strides = array<i32>} : memref<128x256xf32, #tpu.memory_space<vmem>>, vector<16xf32>,
      tpu.vector_store %arg7[%parallel_loop3A_181, %parallel_loop3A_182], %parallel_loop3A_180 {strides = array<i32>} : memref<128x256xf32, #tpu.memory_space<vmem>>, vector<16xf32>,
      %parallel_loop3A_184 = tpu.vector_load_idx %arg6[%get3A_25, %parallel_loop3A_139] : memref<720x128xf32, #tpu.memory_space<vmem>>[vector<16xi32>, vector<16xi32>], vector<16xf32>,
      %parallel_loop3A_185 = arith.index_cast %parallel_loop3A_138 : i32 to index
      %parallel_loop3A_186 = arith.constant 176 : index
      %parallel_loop3A_187 = tpu.vector_load %arg7[%parallel_loop3A_185, %parallel_loop3A_186] {strides = array<i32>} : memref<128x256xf32, #tpu.memory_space<vmem>>, vector<16xf32>,
      tpu.vector_store %arg7[%parallel_loop3A_185, %parallel_loop3A_186], %parallel_loop3A_184 {strides = array<i32>} : memref<128x256xf32, #tpu.memory_space<vmem>>, vector<16xf32>,
      %parallel_loop3A_188 = tpu.vector_load_idx %arg6[%get3A_27, %parallel_loop3A_139] : memref<720x128xf32, #tpu.memory_space<vmem>>[vector<16xi32>, vector<16xi32>], vector<16xf32>,
      %parallel_loop3A_189 = arith.index_cast %parallel_loop3A_138 : i32 to index
      %parallel_loop3A_190 = arith.constant 192 : index
      %parallel_loop3A_191 = tpu.vector_load %arg7[%parallel_loop3A_189, %parallel_loop3A_190] {strides = array<i32>} : memref<128x256xf32, #tpu.memory_space<vmem>>, vector<16xf32>,
      tpu.vector_store %arg7[%parallel_loop3A_189, %parallel_loop3A_190], %parallel_loop3A_188 {strides = array<i32>} : memref<128x256xf32, #tpu.memory_space<vmem>>, vector<16xf32>,
      %parallel_loop3A_192 = tpu.vector_load_idx %arg6[%get3A_29, %parallel_loop3A_139] : memref<720x128xf32, #tpu.memory_space<vmem>>[vector<16xi32>, vector<16xi32>], vector<16xf32>,
      %parallel_loop3A_193 = arith.index_cast %parallel_loop3A_138 : i32 to index
      %parallel_loop3A_194 = arith.constant 208 : index
      %parallel_loop3A_195 = tpu.vector_load %arg7[%parallel_loop3A_193, %parallel_loop3A_194] {strides = array<i32>} : memref<128x256xf32, #tpu.memory_space<vmem>>, vector<16xf32>,
      tpu.vector_store %arg7[%parallel_loop3A_193, %parallel_loop3A_194], %parallel_loop3A_192 {strides = array<i32>} : memref<128x256xf32, #tpu.memory_space<vmem>>, vector<16xf32>,
      %parallel_loop3A_196 = tpu.vector_load_idx %arg6[%get3A_31, %parallel_loop3A_139] : memref<720x128xf32, #tpu.memory_space<vmem>>[vector<16xi32>, vector<16xi32>], vector<16xf32>,
      %parallel_loop3A_197 = arith.index_cast %parallel_loop3A_138 : i32 to index
      %parallel_loop3A_198 = arith.constant 224 : index
      %parallel_loop3A_199 = tpu.vector_load %arg7[%parallel_loop3A_197, %parallel_loop3A_198] {strides = array<i32>} : memref<128x256xf32, #tpu.memory_space<vmem>>, vector<16xf32>,
      tpu.vector_store %arg7[%parallel_loop3A_197, %parallel_loop3A_198], %parallel_loop3A_196 {strides = array<i32>} : memref<128x256xf32, #tpu.memory_space<vmem>>, vector<16xf32>,
      %parallel_loop3A_200 = tpu.vector_load_idx %arg6[%get3A_33, %parallel_loop3A_139] : memref<720x128xf32, #tpu.memory_space<vmem>>[vector<16xi32>, vector<16xi32>], vector<16xf32>,
      %parallel_loop3A_201 = arith.index_cast %parallel_loop3A_138 : i32 to index
      %parallel_loop3A_202 = arith.constant 240 : index
      %parallel_loop3A_203 = tpu.vector_load %arg7[%parallel_loop3A_201, %parallel_loop3A_202] {strides = array<i32>} : memref<128x256xf32, #tpu.memory_space<vmem>>, vector<16xf32>,
      tpu.vector_store %arg7[%parallel_loop3A_201, %parallel_loop3A_202], %parallel_loop3A_200 {strides = array<i32>} : memref<128x256xf32, #tpu.memory_space<vmem>>, vector<16xf32>,
    } {sc.loop_unroll_factor = 2 : i64, sc.parallel_access}
    %dma_start3A = arith.constant 0 : i32
    %dma_start3A_49 = tpu.memref_slice %arg4[%add3A_35, %dma_start3A] : memref<16384x256xf32, #tpu.memory_space<hbm>> -> memref<128x256xf32, #tpu.memory_space<hbm>>
    %dma_start3A_50 = arith.constant 0 : i32
    %dma_start3A_51 = tpu.memref_slice %arg4[%add3A_35, %dma_start3A_50] : memref<16384x256xf32, #tpu.memory_space<hbm>> -> memref<128x256xf32, #tpu.memory_space<hbm>>
    tpu.enqueue_dma source(%arg7 : memref<128x256xf32, #tpu.memory_space<vmem>>) target(%dma_start3A_51 : memref<128x256xf32, #tpu.memory_space<hbm>>) target_semaphore(%arg9 : memref<!tpu.dma_semaphore, #tpu.memory_space<semaphore_mem>>)
    %add3A_52 = arith.constant 128 : i32
    %add3A_53 = arith.addi %mul3A_2, %add3A_52 : i32
    %scan3A_54 = arith.constant 0 : i32
    %scan3A_55 = arith.constant 0 : i32
    %scan3A_56 = arith.constant 360 : i32
    %scan3A_57 = arith.addi %scan3A_55, %scan3A_56 : i32
    %scan3A_58 = arith.constant 1 : i32
    scf.for %scan3A_138 = %scan3A_55 to %scan3A_57 step %scan3A_58  : i32 {
      %mul3A_139 = arith.constant 2 : i32
      %mul3A_140 = arith.muli %mul3A_139, %scan3A_138 : i32
      %dma_start3A_141 = arith.constant 0 : i32
      %dma_start3A_142 = tpu.memref_slice %arg6[%mul3A_140, %dma_start3A_141] : memref<720x128xf32, #tpu.memory_space<vmem>> -> memref<2x128xf32, #tpu.memory_space<vmem>>
      %dma_start3A_143 = arith.constant 0 : i32
      %dma_start3A_144 = tpu.memref_slice %arg2[%scan3A_138, %dma_start3A_143, %add3A_53] : memref<360x2x16384xf32, #tpu.memory_space<hbm>> -> memref<1x2x128xf32, #tpu.memory_space<hbm>>
      %dma_start3A_145 = tpu.memref_squeeze %dma_start3A_144 : memref<1x2x128xf32, #tpu.memory_space<hbm>> -> memref<2x128xf32, #tpu.memory_space<hbm>>
      %dma_start3A_146 = arith.constant 0 : i32
      %dma_start3A_147 = tpu.memref_slice %arg6[%mul3A_140, %dma_start3A_146] : memref<720x128xf32, #tpu.memory_space<vmem>> -> memref<2x128xf32, #tpu.memory_space<vmem>>
      %dma_start3A_148 = arith.constant 0 : i32
      %dma_start3A_149 = tpu.memref_slice %arg2[%scan3A_138, %dma_start3A_148, %add3A_53] : memref<360x2x16384xf32, #tpu.memory_space<hbm>> -> memref<1x2x128xf32, #tpu.memory_space<hbm>>
      %dma_start3A_150 = tpu.memref_squeeze %dma_start3A_149 : memref<1x2x128xf32, #tpu.memory_space<hbm>> -> memref<2x128xf32, #tpu.memory_space<hbm>>
      tpu.enqueue_dma source(%dma_start3A_150 : memref<2x128xf32, #tpu.memory_space<hbm>>) target(%dma_start3A_147 : memref<2x128xf32, #tpu.memory_space<vmem>>) target_semaphore(%arg8 : memref<!tpu.dma_semaphore, #tpu.memory_space<semaphore_mem>>)
    }
    %scan3A_59 = arith.constant 360 : i32
    %scan3A_60 = arith.constant 0 : i32
    %scan3A_61 = arith.constant 0 : i32
    %scan3A_62 = arith.constant 360 : i32
    %scan3A_63 = arith.addi %scan3A_61, %scan3A_62 : i32
    %scan3A_64 = arith.constant 1 : i32
    scf.for %scan3A_138 = %scan3A_61 to %scan3A_63 step %scan3A_64  : i32 {
      %dma_wait3A_139 = arith.constant 0 : i32
      %dma_wait3A_140 = arith.constant 0 : i32
      %dma_wait3A_141 = arith.constant 0 : i32
      %dma_wait3A_142 = tpu.memref_slice %arg6[%dma_wait3A_140, %dma_wait3A_141] : memref<720x128xf32, #tpu.memory_space<vmem>> -> memref<2x128xf32, #tpu.memory_space<vmem>>
      %dma_wait3A_143 = arith.constant 0 : i32
      %dma_wait3A_144 = tpu.memref_slice %arg2[%dma_wait3A_139, %dma_wait3A_143, %add3A_53] : memref<360x2x16384xf32, #tpu.memory_space<hbm>> -> memref<1x2x128xf32, #tpu.memory_space<hbm>>
      %dma_wait3A_145 = tpu.memref_squeeze %dma_wait3A_144 : memref<1x2x128xf32, #tpu.memory_space<hbm>> -> memref<2x128xf32, #tpu.memory_space<hbm>>
      %dma_wait3A_146 = arith.constant 0 : i32
      %dma_wait3A_147 = arith.constant 0 : i32
      %dma_wait3A_148 = tpu.memref_slice %arg6[%dma_wait3A_146, %dma_wait3A_147] : memref<720x128xf32, #tpu.memory_space<vmem>> -> memref<2x128xf32, #tpu.memory_space<vmem>>
      %dma_wait3A_149 = arith.constant 0 : i32
      %dma_wait3A_150 = tpu.memref_slice %arg2[%dma_wait3A_139, %dma_wait3A_149, %add3A_53] : memref<360x2x16384xf32, #tpu.memory_space<hbm>> -> memref<1x2x128xf32, #tpu.memory_space<hbm>>
      %dma_wait3A_151 = tpu.memref_squeeze %dma_wait3A_150 : memref<1x2x128xf32, #tpu.memory_space<hbm>> -> memref<2x128xf32, #tpu.memory_space<hbm>>
      tpu.wait_dma2 semaphore(%arg8 : memref<!tpu.dma_semaphore, #tpu.memory_space<semaphore_mem>>) src(%dma_wait3A_151 : memref<2x128xf32, #tpu.memory_space<hbm>>) dst(%dma_wait3A_148 : memref<2x128xf32, #tpu.memory_space<vmem>>)
    }
    %scan3A_65 = arith.constant 360 : i32
    %add3A_66 = arith.constant 0 : i32
    %add3A_67 = arith.addi %mul3A_2, %add3A_66 : i32
    %dma_wait3A = arith.constant 0 : i32
    %dma_wait3A_68 = tpu.memref_slice %arg4[%add3A_67, %dma_wait3A] : memref<16384x256xf32, #tpu.memory_space<hbm>> -> memref<128x256xf32, #tpu.memory_space<hbm>>
    %dma_wait3A_69 = arith.constant 0 : i32
    %dma_wait3A_70 = tpu.memref_slice %arg4[%add3A_67, %dma_wait3A_69] : memref<16384x256xf32, #tpu.memory_space<hbm>> -> memref<128x256xf32, #tpu.memory_space<hbm>>
    tpu.wait_dma2 semaphore(%arg9 : memref<!tpu.dma_semaphore, #tpu.memory_space<semaphore_mem>>) src(%arg7 : memref<128x256xf32, #tpu.memory_space<vmem>>) dst(%dma_wait3A_70 : memref<128x256xf32, #tpu.memory_space<hbm>>)
    %parallel_loop3A_71 = arith.constant 0 : i32
    %parallel_loop3A_72 = arith.constant 128 : i32
    %parallel_loop3A_73 = arith.constant 1 : i32
    scf.for %parallel_loop3A_138 = %parallel_loop3A_71 to %parallel_loop3A_72 step %parallel_loop3A_73  : i32 {
      %parallel_loop3A_139 = vector.broadcast %parallel_loop3A_138 : i32 to vector<16xi32>
      %parallel_loop3A_140 = tpu.vector_load_idx %arg6[%get3A_3, %parallel_loop3A_139] : memref<720x128xf32, #tpu.memory_space<vmem>>[vector<16xi32>, vector<16xi32>], vector<16xf32>,
      %parallel_loop3A_141 = arith.index_cast %parallel_loop3A_138 : i32 to index
      %parallel_loop3A_142 = arith.constant 0 : index
      %parallel_loop3A_143 = tpu.vector_load %arg7[%parallel_loop3A_141, %parallel_loop3A_142] {strides = array<i32>} : memref<128x256xf32, #tpu.memory_space<vmem>>, vector<16xf32>,
      tpu.vector_store %arg7[%parallel_loop3A_141, %parallel_loop3A_142], %parallel_loop3A_140 {strides = array<i32>} : memref<128x256xf32, #tpu.memory_space<vmem>>, vector<16xf32>,
      %parallel_loop3A_144 = tpu.vector_load_idx %arg6[%get3A_5, %parallel_loop3A_139] : memref<720x128xf32, #tpu.memory_space<vmem>>[vector<16xi32>, vector<16xi32>], vector<16xf32>,
      %parallel_loop3A_145 = arith.index_cast %parallel_loop3A_138 : i32 to index
      %parallel_loop3A_146 = arith.constant 16 : index
      %parallel_loop3A_147 = tpu.vector_load %arg7[%parallel_loop3A_145, %parallel_loop3A_146] {strides = array<i32>} : memref<128x256xf32, #tpu.memory_space<vmem>>, vector<16xf32>,
      tpu.vector_store %arg7[%parallel_loop3A_145, %parallel_loop3A_146], %parallel_loop3A_144 {strides = array<i32>} : memref<128x256xf32, #tpu.memory_space<vmem>>, vector<16xf32>,
      %parallel_loop3A_148 = tpu.vector_load_idx %arg6[%get3A_7, %parallel_loop3A_139] : memref<720x128xf32, #tpu.memory_space<vmem>>[vector<16xi32>, vector<16xi32>], vector<16xf32>,
      %parallel_loop3A_149 = arith.index_cast %parallel_loop3A_138 : i32 to index
      %parallel_loop3A_150 = arith.constant 32 : index
      %parallel_loop3A_151 = tpu.vector_load %arg7[%parallel_loop3A_149, %parallel_loop3A_150] {strides = array<i32>} : memref<128x256xf32, #tpu.memory_space<vmem>>, vector<16xf32>,
      tpu.vector_store %arg7[%parallel_loop3A_149, %parallel_loop3A_150], %parallel_loop3A_148 {strides = array<i32>} : memref<128x256xf32, #tpu.memory_space<vmem>>, vector<16xf32>,
      %parallel_loop3A_152 = tpu.vector_load_idx %arg6[%get3A_9, %parallel_loop3A_139] : memref<720x128xf32, #tpu.memory_space<vmem>>[vector<16xi32>, vector<16xi32>], vector<16xf32>,
      %parallel_loop3A_153 = arith.index_cast %parallel_loop3A_138 : i32 to index
      %parallel_loop3A_154 = arith.constant 48 : index
      %parallel_loop3A_155 = tpu.vector_load %arg7[%parallel_loop3A_153, %parallel_loop3A_154] {strides = array<i32>} : memref<128x256xf32, #tpu.memory_space<vmem>>, vector<16xf32>,
      tpu.vector_store %arg7[%parallel_loop3A_153, %parallel_loop3A_154], %parallel_loop3A_152 {strides = array<i32>} : memref<128x256xf32, #tpu.memory_space<vmem>>, vector<16xf32>,
      %parallel_loop3A_156 = tpu.vector_load_idx %arg6[%get3A_11, %parallel_loop3A_139] : memref<720x128xf32, #tpu.memory_space<vmem>>[vector<16xi32>, vector<16xi32>], vector<16xf32>,
      %parallel_loop3A_157 = arith.index_cast %parallel_loop3A_138 : i32 to index
      %parallel_loop3A_158 = arith.constant 64 : index
      %parallel_loop3A_159 = tpu.vector_load %arg7[%parallel_loop3A_157, %parallel_loop3A_158] {strides = array<i32>} : memref<128x256xf32, #tpu.memory_space<vmem>>, vector<16xf32>,
      tpu.vector_store %arg7[%parallel_loop3A_157, %parallel_loop3A_158], %parallel_loop3A_156 {strides = array<i32>} : memref<128x256xf32, #tpu.memory_space<vmem>>, vector<16xf32>,
      %parallel_loop3A_160 = tpu.vector_load_idx %arg6[%get3A_13, %parallel_loop3A_139] : memref<720x128xf32, #tpu.memory_space<vmem>>[vector<16xi32>, vector<16xi32>], vector<16xf32>,
      %parallel_loop3A_161 = arith.index_cast %parallel_loop3A_138 : i32 to index
      %parallel_loop3A_162 = arith.constant 80 : index
      %parallel_loop3A_163 = tpu.vector_load %arg7[%parallel_loop3A_161, %parallel_loop3A_162] {strides = array<i32>} : memref<128x256xf32, #tpu.memory_space<vmem>>, vector<16xf32>,
      tpu.vector_store %arg7[%parallel_loop3A_161, %parallel_loop3A_162], %parallel_loop3A_160 {strides = array<i32>} : memref<128x256xf32, #tpu.memory_space<vmem>>, vector<16xf32>,
      %parallel_loop3A_164 = tpu.vector_load_idx %arg6[%get3A_15, %parallel_loop3A_139] : memref<720x128xf32, #tpu.memory_space<vmem>>[vector<16xi32>, vector<16xi32>], vector<16xf32>,
      %parallel_loop3A_165 = arith.index_cast %parallel_loop3A_138 : i32 to index
      %parallel_loop3A_166 = arith.constant 96 : index
      %parallel_loop3A_167 = tpu.vector_load %arg7[%parallel_loop3A_165, %parallel_loop3A_166] {strides = array<i32>} : memref<128x256xf32, #tpu.memory_space<vmem>>, vector<16xf32>,
      tpu.vector_store %arg7[%parallel_loop3A_165, %parallel_loop3A_166], %parallel_loop3A_164 {strides = array<i32>} : memref<128x256xf32, #tpu.memory_space<vmem>>, vector<16xf32>,
      %parallel_loop3A_168 = tpu.vector_load_idx %arg6[%get3A_17, %parallel_loop3A_139] : memref<720x128xf32, #tpu.memory_space<vmem>>[vector<16xi32>, vector<16xi32>], vector<16xf32>,
      %parallel_loop3A_169 = arith.index_cast %parallel_loop3A_138 : i32 to index
      %parallel_loop3A_170 = arith.constant 112 : index
      %parallel_loop3A_171 = tpu.vector_load %arg7[%parallel_loop3A_169, %parallel_loop3A_170] {strides = array<i32>} : memref<128x256xf32, #tpu.memory_space<vmem>>, vector<16xf32>,
      tpu.vector_store %arg7[%parallel_loop3A_169, %parallel_loop3A_170], %parallel_loop3A_168 {strides = array<i32>} : memref<128x256xf32, #tpu.memory_space<vmem>>, vector<16xf32>,
      %parallel_loop3A_172 = tpu.vector_load_idx %arg6[%get3A_19, %parallel_loop3A_139] : memref<720x128xf32, #tpu.memory_space<vmem>>[vector<16xi32>, vector<16xi32>], vector<16xf32>,
      %parallel_loop3A_173 = arith.index_cast %parallel_loop3A_138 : i32 to index
      %parallel_loop3A_174 = arith.constant 128 : index
      %parallel_loop3A_175 = tpu.vector_load %arg7[%parallel_loop3A_173, %parallel_loop3A_174] {strides = array<i32>} : memref<128x256xf32, #tpu.memory_space<vmem>>, vector<16xf32>,
      tpu.vector_store %arg7[%parallel_loop3A_173, %parallel_loop3A_174], %parallel_loop3A_172 {strides = array<i32>} : memref<128x256xf32, #tpu.memory_space<vmem>>, vector<16xf32>,
      %parallel_loop3A_176 = tpu.vector_load_idx %arg6[%get3A_21, %parallel_loop3A_139] : memref<720x128xf32, #tpu.memory_space<vmem>>[vector<16xi32>, vector<16xi32>], vector<16xf32>,
      %parallel_loop3A_177 = arith.index_cast %parallel_loop3A_138 : i32 to index
      %parallel_loop3A_178 = arith.constant 144 : index
      %parallel_loop3A_179 = tpu.vector_load %arg7[%parallel_loop3A_177, %parallel_loop3A_178] {strides = array<i32>} : memref<128x256xf32, #tpu.memory_space<vmem>>, vector<16xf32>,
      tpu.vector_store %arg7[%parallel_loop3A_177, %parallel_loop3A_178], %parallel_loop3A_176 {strides = array<i32>} : memref<128x256xf32, #tpu.memory_space<vmem>>, vector<16xf32>,
      %parallel_loop3A_180 = tpu.vector_load_idx %arg6[%get3A_23, %parallel_loop3A_139] : memref<720x128xf32, #tpu.memory_space<vmem>>[vector<16xi32>, vector<16xi32>], vector<16xf32>,
      %parallel_loop3A_181 = arith.index_cast %parallel_loop3A_138 : i32 to index
      %parallel_loop3A_182 = arith.constant 160 : index
      %parallel_loop3A_183 = tpu.vector_load %arg7[%parallel_loop3A_181, %parallel_loop3A_182] {strides = array<i32>} : memref<128x256xf32, #tpu.memory_space<vmem>>, vector<16xf32>,
      tpu.vector_store %arg7[%parallel_loop3A_181, %parallel_loop3A_182], %parallel_loop3A_180 {strides = array<i32>} : memref<128x256xf32, #tpu.memory_space<vmem>>, vector<16xf32>,
      %parallel_loop3A_184 = tpu.vector_load_idx %arg6[%get3A_25, %parallel_loop3A_139] : memref<720x128xf32, #tpu.memory_space<vmem>>[vector<16xi32>, vector<16xi32>], vector<16xf32>,
      %parallel_loop3A_185 = arith.index_cast %parallel_loop3A_138 : i32 to index
      %parallel_loop3A_186 = arith.constant 176 : index
      %parallel_loop3A_187 = tpu.vector_load %arg7[%parallel_loop3A_185, %parallel_loop3A_186] {strides = array<i32>} : memref<128x256xf32, #tpu.memory_space<vmem>>, vector<16xf32>,
      tpu.vector_store %arg7[%parallel_loop3A_185, %parallel_loop3A_186], %parallel_loop3A_184 {strides = array<i32>} : memref<128x256xf32, #tpu.memory_space<vmem>>, vector<16xf32>,
      %parallel_loop3A_188 = tpu.vector_load_idx %arg6[%get3A_27, %parallel_loop3A_139] : memref<720x128xf32, #tpu.memory_space<vmem>>[vector<16xi32>, vector<16xi32>], vector<16xf32>,
      %parallel_loop3A_189 = arith.index_cast %parallel_loop3A_138 : i32 to index
      %parallel_loop3A_190 = arith.constant 192 : index
      %parallel_loop3A_191 = tpu.vector_load %arg7[%parallel_loop3A_189, %parallel_loop3A_190] {strides = array<i32>} : memref<128x256xf32, #tpu.memory_space<vmem>>, vector<16xf32>,
      tpu.vector_store %arg7[%parallel_loop3A_189, %parallel_loop3A_190], %parallel_loop3A_188 {strides = array<i32>} : memref<128x256xf32, #tpu.memory_space<vmem>>, vector<16xf32>,
      %parallel_loop3A_192 = tpu.vector_load_idx %arg6[%get3A_29, %parallel_loop3A_139] : memref<720x128xf32, #tpu.memory_space<vmem>>[vector<16xi32>, vector<16xi32>], vector<16xf32>,
      %parallel_loop3A_193 = arith.index_cast %parallel_loop3A_138 : i32 to index
      %parallel_loop3A_194 = arith.constant 208 : index
      %parallel_loop3A_195 = tpu.vector_load %arg7[%parallel_loop3A_193, %parallel_loop3A_194] {strides = array<i32>} : memref<128x256xf32, #tpu.memory_space<vmem>>, vector<16xf32>,
      tpu.vector_store %arg7[%parallel_loop3A_193, %parallel_loop3A_194], %parallel_loop3A_192 {strides = array<i32>} : memref<128x256xf32, #tpu.memory_space<vmem>>, vector<16xf32>,
      %parallel_loop3A_196 = tpu.vector_load_idx %arg6[%get3A_31, %parallel_loop3A_139] : memref<720x128xf32, #tpu.memory_space<vmem>>[vector<16xi32>, vector<16xi32>], vector<16xf32>,
      %parallel_loop3A_197 = arith.index_cast %parallel_loop3A_138 : i32 to index
      %parallel_loop3A_198 = arith.constant 224 : index
      %parallel_loop3A_199 = tpu.vector_load %arg7[%parallel_loop3A_197, %parallel_loop3A_198] {strides = array<i32>} : memref<128x256xf32, #tpu.memory_space<vmem>>, vector<16xf32>,
      tpu.vector_store %arg7[%parallel_loop3A_197, %parallel_loop3A_198], %parallel_loop3A_196 {strides = array<i32>} : memref<128x256xf32, #tpu.memory_space<vmem>>, vector<16xf32>,
      %parallel_loop3A_200 = tpu.vector_load_idx %arg6[%get3A_33, %parallel_loop3A_139] : memref<720x128xf32, #tpu.memory_space<vmem>>[vector<16xi32>, vector<16xi32>], vector<16xf32>,
      %parallel_loop3A_201 = arith.index_cast %parallel_loop3A_138 : i32 to index
      %parallel_loop3A_202 = arith.constant 240 : index
      %parallel_loop3A_203 = tpu.vector_load %arg7[%parallel_loop3A_201, %parallel_loop3A_202] {strides = array<i32>} : memref<128x256xf32, #tpu.memory_space<vmem>>, vector<16xf32>,
      tpu.vector_store %arg7[%parallel_loop3A_201, %parallel_loop3A_202], %parallel_loop3A_200 {strides = array<i32>} : memref<128x256xf32, #tpu.memory_space<vmem>>, vector<16xf32>,
    } {sc.loop_unroll_factor = 2 : i64, sc.parallel_access}
    %dma_start3A_74 = arith.constant 0 : i32
    %dma_start3A_75 = tpu.memref_slice %arg4[%add3A_53, %dma_start3A_74] : memref<16384x256xf32, #tpu.memory_space<hbm>> -> memref<128x256xf32, #tpu.memory_space<hbm>>
    %dma_start3A_76 = arith.constant 0 : i32
    %dma_start3A_77 = tpu.memref_slice %arg4[%add3A_53, %dma_start3A_76] : memref<16384x256xf32, #tpu.memory_space<hbm>> -> memref<128x256xf32, #tpu.memory_space<hbm>>
    tpu.enqueue_dma source(%arg7 : memref<128x256xf32, #tpu.memory_space<vmem>>) target(%dma_start3A_77 : memref<128x256xf32, #tpu.memory_space<hbm>>) target_semaphore(%arg9 : memref<!tpu.dma_semaphore, #tpu.memory_space<semaphore_mem>>)
    %add3A_78 = arith.constant 256 : i32
    %add3A_79 = arith.addi %mul3A_2, %add3A_78 : i32
    %scan3A_80 = arith.constant 0 : i32
    %scan3A_81 = arith.constant 0 : i32
    %scan3A_82 = arith.constant 360 : i32
    %scan3A_83 = arith.addi %scan3A_81, %scan3A_82 : i32
    %scan3A_84 = arith.constant 1 : i32
    scf.for %scan3A_138 = %scan3A_81 to %scan3A_83 step %scan3A_84  : i32 {
      %mul3A_139 = arith.constant 2 : i32
      %mul3A_140 = arith.muli %mul3A_139, %scan3A_138 : i32
      %dma_start3A_141 = arith.constant 0 : i32
      %dma_start3A_142 = tpu.memref_slice %arg6[%mul3A_140, %dma_start3A_141] : memref<720x128xf32, #tpu.memory_space<vmem>> -> memref<2x128xf32, #tpu.memory_space<vmem>>
      %dma_start3A_143 = arith.constant 0 : i32
      %dma_start3A_144 = tpu.memref_slice %arg2[%scan3A_138, %dma_start3A_143, %add3A_79] : memref<360x2x16384xf32, #tpu.memory_space<hbm>> -> memref<1x2x128xf32, #tpu.memory_space<hbm>>
      %dma_start3A_145 = tpu.memref_squeeze %dma_start3A_144 : memref<1x2x128xf32, #tpu.memory_space<hbm>> -> memref<2x128xf32, #tpu.memory_space<hbm>>
      %dma_start3A_146 = arith.constant 0 : i32
      %dma_start3A_147 = tpu.memref_slice %arg6[%mul3A_140, %dma_start3A_146] : memref<720x128xf32, #tpu.memory_space<vmem>> -> memref<2x128xf32, #tpu.memory_space<vmem>>
      %dma_start3A_148 = arith.constant 0 : i32
      %dma_start3A_149 = tpu.memref_slice %arg2[%scan3A_138, %dma_start3A_148, %add3A_79] : memref<360x2x16384xf32, #tpu.memory_space<hbm>> -> memref<1x2x128xf32, #tpu.memory_space<hbm>>
      %dma_start3A_150 = tpu.memref_squeeze %dma_start3A_149 : memref<1x2x128xf32, #tpu.memory_space<hbm>> -> memref<2x128xf32, #tpu.memory_space<hbm>>
      tpu.enqueue_dma source(%dma_start3A_150 : memref<2x128xf32, #tpu.memory_space<hbm>>) target(%dma_start3A_147 : memref<2x128xf32, #tpu.memory_space<vmem>>) target_semaphore(%arg8 : memref<!tpu.dma_semaphore, #tpu.memory_space<semaphore_mem>>)
    }
    %scan3A_85 = arith.constant 360 : i32
    %scan3A_86 = arith.constant 0 : i32
    %scan3A_87 = arith.constant 0 : i32
    %scan3A_88 = arith.constant 360 : i32
    %scan3A_89 = arith.addi %scan3A_87, %scan3A_88 : i32
    %scan3A_90 = arith.constant 1 : i32
    scf.for %scan3A_138 = %scan3A_87 to %scan3A_89 step %scan3A_90  : i32 {
      %dma_wait3A_139 = arith.constant 0 : i32
      %dma_wait3A_140 = arith.constant 0 : i32
      %dma_wait3A_141 = arith.constant 0 : i32
      %dma_wait3A_142 = tpu.memref_slice %arg6[%dma_wait3A_140, %dma_wait3A_141] : memref<720x128xf32, #tpu.memory_space<vmem>> -> memref<2x128xf32, #tpu.memory_space<vmem>>
      %dma_wait3A_143 = arith.constant 0 : i32
      %dma_wait3A_144 = tpu.memref_slice %arg2[%dma_wait3A_139, %dma_wait3A_143, %add3A_79] : memref<360x2x16384xf32, #tpu.memory_space<hbm>> -> memref<1x2x128xf32, #tpu.memory_space<hbm>>
      %dma_wait3A_145 = tpu.memref_squeeze %dma_wait3A_144 : memref<1x2x128xf32, #tpu.memory_space<hbm>> -> memref<2x128xf32, #tpu.memory_space<hbm>>
      %dma_wait3A_146 = arith.constant 0 : i32
      %dma_wait3A_147 = arith.constant 0 : i32
      %dma_wait3A_148 = tpu.memref_slice %arg6[%dma_wait3A_146, %dma_wait3A_147] : memref<720x128xf32, #tpu.memory_space<vmem>> -> memref<2x128xf32, #tpu.memory_space<vmem>>
      %dma_wait3A_149 = arith.constant 0 : i32
      %dma_wait3A_150 = tpu.memref_slice %arg2[%dma_wait3A_139, %dma_wait3A_149, %add3A_79] : memref<360x2x16384xf32, #tpu.memory_space<hbm>> -> memref<1x2x128xf32, #tpu.memory_space<hbm>>
      %dma_wait3A_151 = tpu.memref_squeeze %dma_wait3A_150 : memref<1x2x128xf32, #tpu.memory_space<hbm>> -> memref<2x128xf32, #tpu.memory_space<hbm>>
      tpu.wait_dma2 semaphore(%arg8 : memref<!tpu.dma_semaphore, #tpu.memory_space<semaphore_mem>>) src(%dma_wait3A_151 : memref<2x128xf32, #tpu.memory_space<hbm>>) dst(%dma_wait3A_148 : memref<2x128xf32, #tpu.memory_space<vmem>>)
    }
    %scan3A_91 = arith.constant 360 : i32
    %add3A_92 = arith.constant 128 : i32
    %add3A_93 = arith.addi %mul3A_2, %add3A_92 : i32
    %dma_wait3A_94 = arith.constant 0 : i32
    %dma_wait3A_95 = tpu.memref_slice %arg4[%add3A_93, %dma_wait3A_94] : memref<16384x256xf32, #tpu.memory_space<hbm>> -> memref<128x256xf32, #tpu.memory_space<hbm>>
    %dma_wait3A_96 = arith.constant 0 : i32
    %dma_wait3A_97 = tpu.memref_slice %arg4[%add3A_93, %dma_wait3A_96] : memref<16384x256xf32, #tpu.memory_space<hbm>> -> memref<128x256xf32, #tpu.memory_space<hbm>>
    tpu.wait_dma2 semaphore(%arg9 : memref<!tpu.dma_semaphore, #tpu.memory_space<semaphore_mem>>) src(%arg7 : memref<128x256xf32, #tpu.memory_space<vmem>>) dst(%dma_wait3A_97 : memref<128x256xf32, #tpu.memory_space<hbm>>)
    %parallel_loop3A_98 = arith.constant 0 : i32
    %parallel_loop3A_99 = arith.constant 128 : i32
    %parallel_loop3A_100 = arith.constant 1 : i32
    scf.for %parallel_loop3A_138 = %parallel_loop3A_98 to %parallel_loop3A_99 step %parallel_loop3A_100  : i32 {
      %parallel_loop3A_139 = vector.broadcast %parallel_loop3A_138 : i32 to vector<16xi32>
      %parallel_loop3A_140 = tpu.vector_load_idx %arg6[%get3A_3, %parallel_loop3A_139] : memref<720x128xf32, #tpu.memory_space<vmem>>[vector<16xi32>, vector<16xi32>], vector<16xf32>,
      %parallel_loop3A_141 = arith.index_cast %parallel_loop3A_138 : i32 to index
      %parallel_loop3A_142 = arith.constant 0 : index
      %parallel_loop3A_143 = tpu.vector_load %arg7[%parallel_loop3A_141, %parallel_loop3A_142] {strides = array<i32>} : memref<128x256xf32, #tpu.memory_space<vmem>>, vector<16xf32>,
      tpu.vector_store %arg7[%parallel_loop3A_141, %parallel_loop3A_142], %parallel_loop3A_140 {strides = array<i32>} : memref<128x256xf32, #tpu.memory_space<vmem>>, vector<16xf32>,
      %parallel_loop3A_144 = tpu.vector_load_idx %arg6[%get3A_5, %parallel_loop3A_139] : memref<720x128xf32, #tpu.memory_space<vmem>>[vector<16xi32>, vector<16xi32>], vector<16xf32>,
      %parallel_loop3A_145 = arith.index_cast %parallel_loop3A_138 : i32 to index
      %parallel_loop3A_146 = arith.constant 16 : index
      %parallel_loop3A_147 = tpu.vector_load %arg7[%parallel_loop3A_145, %parallel_loop3A_146] {strides = array<i32>} : memref<128x256xf32, #tpu.memory_space<vmem>>, vector<16xf32>,
      tpu.vector_store %arg7[%parallel_loop3A_145, %parallel_loop3A_146], %parallel_loop3A_144 {strides = array<i32>} : memref<128x256xf32, #tpu.memory_space<vmem>>, vector<16xf32>,
      %parallel_loop3A_148 = tpu.vector_load_idx %arg6[%get3A_7, %parallel_loop3A_139] : memref<720x128xf32, #tpu.memory_space<vmem>>[vector<16xi32>, vector<16xi32>], vector<16xf32>,
      %parallel_loop3A_149 = arith.index_cast %parallel_loop3A_138 : i32 to index
      %parallel_loop3A_150 = arith.constant 32 : index
      %parallel_loop3A_151 = tpu.vector_load %arg7[%parallel_loop3A_149, %parallel_loop3A_150] {strides = array<i32>} : memref<128x256xf32, #tpu.memory_space<vmem>>, vector<16xf32>,
      tpu.vector_store %arg7[%parallel_loop3A_149, %parallel_loop3A_150], %parallel_loop3A_148 {strides = array<i32>} : memref<128x256xf32, #tpu.memory_space<vmem>>, vector<16xf32>,
      %parallel_loop3A_152 = tpu.vector_load_idx %arg6[%get3A_9, %parallel_loop3A_139] : memref<720x128xf32, #tpu.memory_space<vmem>>[vector<16xi32>, vector<16xi32>], vector<16xf32>,
      %parallel_loop3A_153 = arith.index_cast %parallel_loop3A_138 : i32 to index
      %parallel_loop3A_154 = arith.constant 48 : index
      %parallel_loop3A_155 = tpu.vector_load %arg7[%parallel_loop3A_153, %parallel_loop3A_154] {strides = array<i32>} : memref<128x256xf32, #tpu.memory_space<vmem>>, vector<16xf32>,
      tpu.vector_store %arg7[%parallel_loop3A_153, %parallel_loop3A_154], %parallel_loop3A_152 {strides = array<i32>} : memref<128x256xf32, #tpu.memory_space<vmem>>, vector<16xf32>,
      %parallel_loop3A_156 = tpu.vector_load_idx %arg6[%get3A_11, %parallel_loop3A_139] : memref<720x128xf32, #tpu.memory_space<vmem>>[vector<16xi32>, vector<16xi32>], vector<16xf32>,
      %parallel_loop3A_157 = arith.index_cast %parallel_loop3A_138 : i32 to index
      %parallel_loop3A_158 = arith.constant 64 : index
      %parallel_loop3A_159 = tpu.vector_load %arg7[%parallel_loop3A_157, %parallel_loop3A_158] {strides = array<i32>} : memref<128x256xf32, #tpu.memory_space<vmem>>, vector<16xf32>,
      tpu.vector_store %arg7[%parallel_loop3A_157, %parallel_loop3A_158], %parallel_loop3A_156 {strides = array<i32>} : memref<128x256xf32, #tpu.memory_space<vmem>>, vector<16xf32>,
      %parallel_loop3A_160 = tpu.vector_load_idx %arg6[%get3A_13, %parallel_loop3A_139] : memref<720x128xf32, #tpu.memory_space<vmem>>[vector<16xi32>, vector<16xi32>], vector<16xf32>,
      %parallel_loop3A_161 = arith.index_cast %parallel_loop3A_138 : i32 to index
      %parallel_loop3A_162 = arith.constant 80 : index
      %parallel_loop3A_163 = tpu.vector_load %arg7[%parallel_loop3A_161, %parallel_loop3A_162] {strides = array<i32>} : memref<128x256xf32, #tpu.memory_space<vmem>>, vector<16xf32>,
      tpu.vector_store %arg7[%parallel_loop3A_161, %parallel_loop3A_162], %parallel_loop3A_160 {strides = array<i32>} : memref<128x256xf32, #tpu.memory_space<vmem>>, vector<16xf32>,
      %parallel_loop3A_164 = tpu.vector_load_idx %arg6[%get3A_15, %parallel_loop3A_139] : memref<720x128xf32, #tpu.memory_space<vmem>>[vector<16xi32>, vector<16xi32>], vector<16xf32>,
      %parallel_loop3A_165 = arith.index_cast %parallel_loop3A_138 : i32 to index
      %parallel_loop3A_166 = arith.constant 96 : index
      %parallel_loop3A_167 = tpu.vector_load %arg7[%parallel_loop3A_165, %parallel_loop3A_166] {strides = array<i32>} : memref<128x256xf32, #tpu.memory_space<vmem>>, vector<16xf32>,
      tpu.vector_store %arg7[%parallel_loop3A_165, %parallel_loop3A_166], %parallel_loop3A_164 {strides = array<i32>} : memref<128x256xf32, #tpu.memory_space<vmem>>, vector<16xf32>,
      %parallel_loop3A_168 = tpu.vector_load_idx %arg6[%get3A_17, %parallel_loop3A_139] : memref<720x128xf32, #tpu.memory_space<vmem>>[vector<16xi32>, vector<16xi32>], vector<16xf32>,
      %parallel_loop3A_169 = arith.index_cast %parallel_loop3A_138 : i32 to index
      %parallel_loop3A_170 = arith.constant 112 : index
      %parallel_loop3A_171 = tpu.vector_load %arg7[%parallel_loop3A_169, %parallel_loop3A_170] {strides = array<i32>} : memref<128x256xf32, #tpu.memory_space<vmem>>, vector<16xf32>,
      tpu.vector_store %arg7[%parallel_loop3A_169, %parallel_loop3A_170], %parallel_loop3A_168 {strides = array<i32>} : memref<128x256xf32, #tpu.memory_space<vmem>>, vector<16xf32>,
      %parallel_loop3A_172 = tpu.vector_load_idx %arg6[%get3A_19, %parallel_loop3A_139] : memref<720x128xf32, #tpu.memory_space<vmem>>[vector<16xi32>, vector<16xi32>], vector<16xf32>,
      %parallel_loop3A_173 = arith.index_cast %parallel_loop3A_138 : i32 to index
      %parallel_loop3A_174 = arith.constant 128 : index
      %parallel_loop3A_175 = tpu.vector_load %arg7[%parallel_loop3A_173, %parallel_loop3A_174] {strides = array<i32>} : memref<128x256xf32, #tpu.memory_space<vmem>>, vector<16xf32>,
      tpu.vector_store %arg7[%parallel_loop3A_173, %parallel_loop3A_174], %parallel_loop3A_172 {strides = array<i32>} : memref<128x256xf32, #tpu.memory_space<vmem>>, vector<16xf32>,
      %parallel_loop3A_176 = tpu.vector_load_idx %arg6[%get3A_21, %parallel_loop3A_139] : memref<720x128xf32, #tpu.memory_space<vmem>>[vector<16xi32>, vector<16xi32>], vector<16xf32>,
      %parallel_loop3A_177 = arith.index_cast %parallel_loop3A_138 : i32 to index
      %parallel_loop3A_178 = arith.constant 144 : index
      %parallel_loop3A_179 = tpu.vector_load %arg7[%parallel_loop3A_177, %parallel_loop3A_178] {strides = array<i32>} : memref<128x256xf32, #tpu.memory_space<vmem>>, vector<16xf32>,
      tpu.vector_store %arg7[%parallel_loop3A_177, %parallel_loop3A_178], %parallel_loop3A_176 {strides = array<i32>} : memref<128x256xf32, #tpu.memory_space<vmem>>, vector<16xf32>,
      %parallel_loop3A_180 = tpu.vector_load_idx %arg6[%get3A_23, %parallel_loop3A_139] : memref<720x128xf32, #tpu.memory_space<vmem>>[vector<16xi32>, vector<16xi32>], vector<16xf32>,
      %parallel_loop3A_181 = arith.index_cast %parallel_loop3A_138 : i32 to index
      %parallel_loop3A_182 = arith.constant 160 : index
      %parallel_loop3A_183 = tpu.vector_load %arg7[%parallel_loop3A_181, %parallel_loop3A_182] {strides = array<i32>} : memref<128x256xf32, #tpu.memory_space<vmem>>, vector<16xf32>,
      tpu.vector_store %arg7[%parallel_loop3A_181, %parallel_loop3A_182], %parallel_loop3A_180 {strides = array<i32>} : memref<128x256xf32, #tpu.memory_space<vmem>>, vector<16xf32>,
      %parallel_loop3A_184 = tpu.vector_load_idx %arg6[%get3A_25, %parallel_loop3A_139] : memref<720x128xf32, #tpu.memory_space<vmem>>[vector<16xi32>, vector<16xi32>], vector<16xf32>,
      %parallel_loop3A_185 = arith.index_cast %parallel_loop3A_138 : i32 to index
      %parallel_loop3A_186 = arith.constant 176 : index
      %parallel_loop3A_187 = tpu.vector_load %arg7[%parallel_loop3A_185, %parallel_loop3A_186] {strides = array<i32>} : memref<128x256xf32, #tpu.memory_space<vmem>>, vector<16xf32>,
      tpu.vector_store %arg7[%parallel_loop3A_185, %parallel_loop3A_186], %parallel_loop3A_184 {strides = array<i32>} : memref<128x256xf32, #tpu.memory_space<vmem>>, vector<16xf32>,
      %parallel_loop3A_188 = tpu.vector_load_idx %arg6[%get3A_27, %parallel_loop3A_139] : memref<720x128xf32, #tpu.memory_space<vmem>>[vector<16xi32>, vector<16xi32>], vector<16xf32>,
      %parallel_loop3A_189 = arith.index_cast %parallel_loop3A_138 : i32 to index
      %parallel_loop3A_190 = arith.constant 192 : index
      %parallel_loop3A_191 = tpu.vector_load %arg7[%parallel_loop3A_189, %parallel_loop3A_190] {strides = array<i32>} : memref<128x256xf32, #tpu.memory_space<vmem>>, vector<16xf32>,
      tpu.vector_store %arg7[%parallel_loop3A_189, %parallel_loop3A_190], %parallel_loop3A_188 {strides = array<i32>} : memref<128x256xf32, #tpu.memory_space<vmem>>, vector<16xf32>,
      %parallel_loop3A_192 = tpu.vector_load_idx %arg6[%get3A_29, %parallel_loop3A_139] : memref<720x128xf32, #tpu.memory_space<vmem>>[vector<16xi32>, vector<16xi32>], vector<16xf32>,
      %parallel_loop3A_193 = arith.index_cast %parallel_loop3A_138 : i32 to index
      %parallel_loop3A_194 = arith.constant 208 : index
      %parallel_loop3A_195 = tpu.vector_load %arg7[%parallel_loop3A_193, %parallel_loop3A_194] {strides = array<i32>} : memref<128x256xf32, #tpu.memory_space<vmem>>, vector<16xf32>,
      tpu.vector_store %arg7[%parallel_loop3A_193, %parallel_loop3A_194], %parallel_loop3A_192 {strides = array<i32>} : memref<128x256xf32, #tpu.memory_space<vmem>>, vector<16xf32>,
      %parallel_loop3A_196 = tpu.vector_load_idx %arg6[%get3A_31, %parallel_loop3A_139] : memref<720x128xf32, #tpu.memory_space<vmem>>[vector<16xi32>, vector<16xi32>], vector<16xf32>,
      %parallel_loop3A_197 = arith.index_cast %parallel_loop3A_138 : i32 to index
      %parallel_loop3A_198 = arith.constant 224 : index
      %parallel_loop3A_199 = tpu.vector_load %arg7[%parallel_loop3A_197, %parallel_loop3A_198] {strides = array<i32>} : memref<128x256xf32, #tpu.memory_space<vmem>>, vector<16xf32>,
      tpu.vector_store %arg7[%parallel_loop3A_197, %parallel_loop3A_198], %parallel_loop3A_196 {strides = array<i32>} : memref<128x256xf32, #tpu.memory_space<vmem>>, vector<16xf32>,
      %parallel_loop3A_200 = tpu.vector_load_idx %arg6[%get3A_33, %parallel_loop3A_139] : memref<720x128xf32, #tpu.memory_space<vmem>>[vector<16xi32>, vector<16xi32>], vector<16xf32>,
      %parallel_loop3A_201 = arith.index_cast %parallel_loop3A_138 : i32 to index
      %parallel_loop3A_202 = arith.constant 240 : index
      %parallel_loop3A_203 = tpu.vector_load %arg7[%parallel_loop3A_201, %parallel_loop3A_202] {strides = array<i32>} : memref<128x256xf32, #tpu.memory_space<vmem>>, vector<16xf32>,
      tpu.vector_store %arg7[%parallel_loop3A_201, %parallel_loop3A_202], %parallel_loop3A_200 {strides = array<i32>} : memref<128x256xf32, #tpu.memory_space<vmem>>, vector<16xf32>,
    } {sc.loop_unroll_factor = 2 : i64, sc.parallel_access}
    %dma_start3A_101 = arith.constant 0 : i32
    %dma_start3A_102 = tpu.memref_slice %arg4[%add3A_79, %dma_start3A_101] : memref<16384x256xf32, #tpu.memory_space<hbm>> -> memref<128x256xf32, #tpu.memory_space<hbm>>
    %dma_start3A_103 = arith.constant 0 : i32
    %dma_start3A_104 = tpu.memref_slice %arg4[%add3A_79, %dma_start3A_103] : memref<16384x256xf32, #tpu.memory_space<hbm>> -> memref<128x256xf32, #tpu.memory_space<hbm>>
    tpu.enqueue_dma source(%arg7 : memref<128x256xf32, #tpu.memory_space<vmem>>) target(%dma_start3A_104 : memref<128x256xf32, #tpu.memory_space<hbm>>) target_semaphore(%arg9 : memref<!tpu.dma_semaphore, #tpu.memory_space<semaphore_mem>>)
    %add3A_105 = arith.constant 384 : i32
    %add3A_106 = arith.addi %mul3A_2, %add3A_105 : i32
    %scan3A_107 = arith.constant 0 : i32
    %scan3A_108 = arith.constant 0 : i32
    %scan3A_109 = arith.constant 360 : i32
    %scan3A_110 = arith.addi %scan3A_108, %scan3A_109 : i32
    %scan3A_111 = arith.constant 1 : i32
    scf.for %scan3A_138 = %scan3A_108 to %scan3A_110 step %scan3A_111  : i32 {
      %mul3A_139 = arith.constant 2 : i32
      %mul3A_140 = arith.muli %mul3A_139, %scan3A_138 : i32
      %dma_start3A_141 = arith.constant 0 : i32
      %dma_start3A_142 = tpu.memref_slice %arg6[%mul3A_140, %dma_start3A_141] : memref<720x128xf32, #tpu.memory_space<vmem>> -> memref<2x128xf32, #tpu.memory_space<vmem>>
      %dma_start3A_143 = arith.constant 0 : i32
      %dma_start3A_144 = tpu.memref_slice %arg2[%scan3A_138, %dma_start3A_143, %add3A_106] : memref<360x2x16384xf32, #tpu.memory_space<hbm>> -> memref<1x2x128xf32, #tpu.memory_space<hbm>>
      %dma_start3A_145 = tpu.memref_squeeze %dma_start3A_144 : memref<1x2x128xf32, #tpu.memory_space<hbm>> -> memref<2x128xf32, #tpu.memory_space<hbm>>
      %dma_start3A_146 = arith.constant 0 : i32
      %dma_start3A_147 = tpu.memref_slice %arg6[%mul3A_140, %dma_start3A_146] : memref<720x128xf32, #tpu.memory_space<vmem>> -> memref<2x128xf32, #tpu.memory_space<vmem>>
      %dma_start3A_148 = arith.constant 0 : i32
      %dma_start3A_149 = tpu.memref_slice %arg2[%scan3A_138, %dma_start3A_148, %add3A_106] : memref<360x2x16384xf32, #tpu.memory_space<hbm>> -> memref<1x2x128xf32, #tpu.memory_space<hbm>>
      %dma_start3A_150 = tpu.memref_squeeze %dma_start3A_149 : memref<1x2x128xf32, #tpu.memory_space<hbm>> -> memref<2x128xf32, #tpu.memory_space<hbm>>
      tpu.enqueue_dma source(%dma_start3A_150 : memref<2x128xf32, #tpu.memory_space<hbm>>) target(%dma_start3A_147 : memref<2x128xf32, #tpu.memory_space<vmem>>) target_semaphore(%arg8 : memref<!tpu.dma_semaphore, #tpu.memory_space<semaphore_mem>>)
    }
    %scan3A_112 = arith.constant 360 : i32
    %scan3A_113 = arith.constant 0 : i32
    %scan3A_114 = arith.constant 0 : i32
    %scan3A_115 = arith.constant 360 : i32
    %scan3A_116 = arith.addi %scan3A_114, %scan3A_115 : i32
    %scan3A_117 = arith.constant 1 : i32
    scf.for %scan3A_138 = %scan3A_114 to %scan3A_116 step %scan3A_117  : i32 {
      %dma_wait3A_139 = arith.constant 0 : i32
      %dma_wait3A_140 = arith.constant 0 : i32
      %dma_wait3A_141 = arith.constant 0 : i32
      %dma_wait3A_142 = tpu.memref_slice %arg6[%dma_wait3A_140, %dma_wait3A_141] : memref<720x128xf32, #tpu.memory_space<vmem>> -> memref<2x128xf32, #tpu.memory_space<vmem>>
      %dma_wait3A_143 = arith.constant 0 : i32
      %dma_wait3A_144 = tpu.memref_slice %arg2[%dma_wait3A_139, %dma_wait3A_143, %add3A_106] : memref<360x2x16384xf32, #tpu.memory_space<hbm>> -> memref<1x2x128xf32, #tpu.memory_space<hbm>>
      %dma_wait3A_145 = tpu.memref_squeeze %dma_wait3A_144 : memref<1x2x128xf32, #tpu.memory_space<hbm>> -> memref<2x128xf32, #tpu.memory_space<hbm>>
      %dma_wait3A_146 = arith.constant 0 : i32
      %dma_wait3A_147 = arith.constant 0 : i32
      %dma_wait3A_148 = tpu.memref_slice %arg6[%dma_wait3A_146, %dma_wait3A_147] : memref<720x128xf32, #tpu.memory_space<vmem>> -> memref<2x128xf32, #tpu.memory_space<vmem>>
      %dma_wait3A_149 = arith.constant 0 : i32
      %dma_wait3A_150 = tpu.memref_slice %arg2[%dma_wait3A_139, %dma_wait3A_149, %add3A_106] : memref<360x2x16384xf32, #tpu.memory_space<hbm>> -> memref<1x2x128xf32, #tpu.memory_space<hbm>>
      %dma_wait3A_151 = tpu.memref_squeeze %dma_wait3A_150 : memref<1x2x128xf32, #tpu.memory_space<hbm>> -> memref<2x128xf32, #tpu.memory_space<hbm>>
      tpu.wait_dma2 semaphore(%arg8 : memref<!tpu.dma_semaphore, #tpu.memory_space<semaphore_mem>>) src(%dma_wait3A_151 : memref<2x128xf32, #tpu.memory_space<hbm>>) dst(%dma_wait3A_148 : memref<2x128xf32, #tpu.memory_space<vmem>>)
    }
    %scan3A_118 = arith.constant 360 : i32
    %add3A_119 = arith.constant 256 : i32
    %add3A_120 = arith.addi %mul3A_2, %add3A_119 : i32
    %dma_wait3A_121 = arith.constant 0 : i32
    %dma_wait3A_122 = tpu.memref_slice %arg4[%add3A_120, %dma_wait3A_121] : memref<16384x256xf32, #tpu.memory_space<hbm>> -> memref<128x256xf32, #tpu.memory_space<hbm>>
    %dma_wait3A_123 = arith.constant 0 : i32
    %dma_wait3A_124 = tpu.memref_slice %arg4[%add3A_120, %dma_wait3A_123] : memref<16384x256xf32, #tpu.memory_space<hbm>> -> memref<128x256xf32, #tpu.memory_space<hbm>>
    tpu.wait_dma2 semaphore(%arg9 : memref<!tpu.dma_semaphore, #tpu.memory_space<semaphore_mem>>) src(%arg7 : memref<128x256xf32, #tpu.memory_space<vmem>>) dst(%dma_wait3A_124 : memref<128x256xf32, #tpu.memory_space<hbm>>)
    %parallel_loop3A_125 = arith.constant 0 : i32
    %parallel_loop3A_126 = arith.constant 128 : i32
    %parallel_loop3A_127 = arith.constant 1 : i32
    scf.for %parallel_loop3A_138 = %parallel_loop3A_125 to %parallel_loop3A_126 step %parallel_loop3A_127  : i32 {
      %parallel_loop3A_139 = vector.broadcast %parallel_loop3A_138 : i32 to vector<16xi32>
      %parallel_loop3A_140 = tpu.vector_load_idx %arg6[%get3A_3, %parallel_loop3A_139] : memref<720x128xf32, #tpu.memory_space<vmem>>[vector<16xi32>, vector<16xi32>], vector<16xf32>,
      %parallel_loop3A_141 = arith.index_cast %parallel_loop3A_138 : i32 to index
      %parallel_loop3A_142 = arith.constant 0 : index
      %parallel_loop3A_143 = tpu.vector_load %arg7[%parallel_loop3A_141, %parallel_loop3A_142] {strides = array<i32>} : memref<128x256xf32, #tpu.memory_space<vmem>>, vector<16xf32>,
      tpu.vector_store %arg7[%parallel_loop3A_141, %parallel_loop3A_142], %parallel_loop3A_140 {strides = array<i32>} : memref<128x256xf32, #tpu.memory_space<vmem>>, vector<16xf32>,
      %parallel_loop3A_144 = tpu.vector_load_idx %arg6[%get3A_5, %parallel_loop3A_139] : memref<720x128xf32, #tpu.memory_space<vmem>>[vector<16xi32>, vector<16xi32>], vector<16xf32>,
      %parallel_loop3A_145 = arith.index_cast %parallel_loop3A_138 : i32 to index
      %parallel_loop3A_146 = arith.constant 16 : index
      %parallel_loop3A_147 = tpu.vector_load %arg7[%parallel_loop3A_145, %parallel_loop3A_146] {strides = array<i32>} : memref<128x256xf32, #tpu.memory_space<vmem>>, vector<16xf32>,
      tpu.vector_store %arg7[%parallel_loop3A_145, %parallel_loop3A_146], %parallel_loop3A_144 {strides = array<i32>} : memref<128x256xf32, #tpu.memory_space<vmem>>, vector<16xf32>,
      %parallel_loop3A_148 = tpu.vector_load_idx %arg6[%get3A_7, %parallel_loop3A_139] : memref<720x128xf32, #tpu.memory_space<vmem>>[vector<16xi32>, vector<16xi32>], vector<16xf32>,
      %parallel_loop3A_149 = arith.index_cast %parallel_loop3A_138 : i32 to index
      %parallel_loop3A_150 = arith.constant 32 : index
      %parallel_loop3A_151 = tpu.vector_load %arg7[%parallel_loop3A_149, %parallel_loop3A_150] {strides = array<i32>} : memref<128x256xf32, #tpu.memory_space<vmem>>, vector<16xf32>,
      tpu.vector_store %arg7[%parallel_loop3A_149, %parallel_loop3A_150], %parallel_loop3A_148 {strides = array<i32>} : memref<128x256xf32, #tpu.memory_space<vmem>>, vector<16xf32>,
      %parallel_loop3A_152 = tpu.vector_load_idx %arg6[%get3A_9, %parallel_loop3A_139] : memref<720x128xf32, #tpu.memory_space<vmem>>[vector<16xi32>, vector<16xi32>], vector<16xf32>,
      %parallel_loop3A_153 = arith.index_cast %parallel_loop3A_138 : i32 to index
      %parallel_loop3A_154 = arith.constant 48 : index
      %parallel_loop3A_155 = tpu.vector_load %arg7[%parallel_loop3A_153, %parallel_loop3A_154] {strides = array<i32>} : memref<128x256xf32, #tpu.memory_space<vmem>>, vector<16xf32>,
      tpu.vector_store %arg7[%parallel_loop3A_153, %parallel_loop3A_154], %parallel_loop3A_152 {strides = array<i32>} : memref<128x256xf32, #tpu.memory_space<vmem>>, vector<16xf32>,
      %parallel_loop3A_156 = tpu.vector_load_idx %arg6[%get3A_11, %parallel_loop3A_139] : memref<720x128xf32, #tpu.memory_space<vmem>>[vector<16xi32>, vector<16xi32>], vector<16xf32>,
      %parallel_loop3A_157 = arith.index_cast %parallel_loop3A_138 : i32 to index
      %parallel_loop3A_158 = arith.constant 64 : index
      %parallel_loop3A_159 = tpu.vector_load %arg7[%parallel_loop3A_157, %parallel_loop3A_158] {strides = array<i32>} : memref<128x256xf32, #tpu.memory_space<vmem>>, vector<16xf32>,
      tpu.vector_store %arg7[%parallel_loop3A_157, %parallel_loop3A_158], %parallel_loop3A_156 {strides = array<i32>} : memref<128x256xf32, #tpu.memory_space<vmem>>, vector<16xf32>,
      %parallel_loop3A_160 = tpu.vector_load_idx %arg6[%get3A_13, %parallel_loop3A_139] : memref<720x128xf32, #tpu.memory_space<vmem>>[vector<16xi32>, vector<16xi32>], vector<16xf32>,
      %parallel_loop3A_161 = arith.index_cast %parallel_loop3A_138 : i32 to index
      %parallel_loop3A_162 = arith.constant 80 : index
      %parallel_loop3A_163 = tpu.vector_load %arg7[%parallel_loop3A_161, %parallel_loop3A_162] {strides = array<i32>} : memref<128x256xf32, #tpu.memory_space<vmem>>, vector<16xf32>,
      tpu.vector_store %arg7[%parallel_loop3A_161, %parallel_loop3A_162], %parallel_loop3A_160 {strides = array<i32>} : memref<128x256xf32, #tpu.memory_space<vmem>>, vector<16xf32>,
      %parallel_loop3A_164 = tpu.vector_load_idx %arg6[%get3A_15, %parallel_loop3A_139] : memref<720x128xf32, #tpu.memory_space<vmem>>[vector<16xi32>, vector<16xi32>], vector<16xf32>,
      %parallel_loop3A_165 = arith.index_cast %parallel_loop3A_138 : i32 to index
      %parallel_loop3A_166 = arith.constant 96 : index
      %parallel_loop3A_167 = tpu.vector_load %arg7[%parallel_loop3A_165, %parallel_loop3A_166] {strides = array<i32>} : memref<128x256xf32, #tpu.memory_space<vmem>>, vector<16xf32>,
      tpu.vector_store %arg7[%parallel_loop3A_165, %parallel_loop3A_166], %parallel_loop3A_164 {strides = array<i32>} : memref<128x256xf32, #tpu.memory_space<vmem>>, vector<16xf32>,
      %parallel_loop3A_168 = tpu.vector_load_idx %arg6[%get3A_17, %parallel_loop3A_139] : memref<720x128xf32, #tpu.memory_space<vmem>>[vector<16xi32>, vector<16xi32>], vector<16xf32>,
      %parallel_loop3A_169 = arith.index_cast %parallel_loop3A_138 : i32 to index
      %parallel_loop3A_170 = arith.constant 112 : index
      %parallel_loop3A_171 = tpu.vector_load %arg7[%parallel_loop3A_169, %parallel_loop3A_170] {strides = array<i32>} : memref<128x256xf32, #tpu.memory_space<vmem>>, vector<16xf32>,
      tpu.vector_store %arg7[%parallel_loop3A_169, %parallel_loop3A_170], %parallel_loop3A_168 {strides = array<i32>} : memref<128x256xf32, #tpu.memory_space<vmem>>, vector<16xf32>,
      %parallel_loop3A_172 = tpu.vector_load_idx %arg6[%get3A_19, %parallel_loop3A_139] : memref<720x128xf32, #tpu.memory_space<vmem>>[vector<16xi32>, vector<16xi32>], vector<16xf32>,
      %parallel_loop3A_173 = arith.index_cast %parallel_loop3A_138 : i32 to index
      %parallel_loop3A_174 = arith.constant 128 : index
      %parallel_loop3A_175 = tpu.vector_load %arg7[%parallel_loop3A_173, %parallel_loop3A_174] {strides = array<i32>} : memref<128x256xf32, #tpu.memory_space<vmem>>, vector<16xf32>,
      tpu.vector_store %arg7[%parallel_loop3A_173, %parallel_loop3A_174], %parallel_loop3A_172 {strides = array<i32>} : memref<128x256xf32, #tpu.memory_space<vmem>>, vector<16xf32>,
      %parallel_loop3A_176 = tpu.vector_load_idx %arg6[%get3A_21, %parallel_loop3A_139] : memref<720x128xf32, #tpu.memory_space<vmem>>[vector<16xi32>, vector<16xi32>], vector<16xf32>,
      %parallel_loop3A_177 = arith.index_cast %parallel_loop3A_138 : i32 to index
      %parallel_loop3A_178 = arith.constant 144 : index
      %parallel_loop3A_179 = tpu.vector_load %arg7[%parallel_loop3A_177, %parallel_loop3A_178] {strides = array<i32>} : memref<128x256xf32, #tpu.memory_space<vmem>>, vector<16xf32>,
      tpu.vector_store %arg7[%parallel_loop3A_177, %parallel_loop3A_178], %parallel_loop3A_176 {strides = array<i32>} : memref<128x256xf32, #tpu.memory_space<vmem>>, vector<16xf32>,
      %parallel_loop3A_180 = tpu.vector_load_idx %arg6[%get3A_23, %parallel_loop3A_139] : memref<720x128xf32, #tpu.memory_space<vmem>>[vector<16xi32>, vector<16xi32>], vector<16xf32>,
      %parallel_loop3A_181 = arith.index_cast %parallel_loop3A_138 : i32 to index
      %parallel_loop3A_182 = arith.constant 160 : index
      %parallel_loop3A_183 = tpu.vector_load %arg7[%parallel_loop3A_181, %parallel_loop3A_182] {strides = array<i32>} : memref<128x256xf32, #tpu.memory_space<vmem>>, vector<16xf32>,
      tpu.vector_store %arg7[%parallel_loop3A_181, %parallel_loop3A_182], %parallel_loop3A_180 {strides = array<i32>} : memref<128x256xf32, #tpu.memory_space<vmem>>, vector<16xf32>,
      %parallel_loop3A_184 = tpu.vector_load_idx %arg6[%get3A_25, %parallel_loop3A_139] : memref<720x128xf32, #tpu.memory_space<vmem>>[vector<16xi32>, vector<16xi32>], vector<16xf32>,
      %parallel_loop3A_185 = arith.index_cast %parallel_loop3A_138 : i32 to index
      %parallel_loop3A_186 = arith.constant 176 : index
      %parallel_loop3A_187 = tpu.vector_load %arg7[%parallel_loop3A_185, %parallel_loop3A_186] {strides = array<i32>} : memref<128x256xf32, #tpu.memory_space<vmem>>, vector<16xf32>,
      tpu.vector_store %arg7[%parallel_loop3A_185, %parallel_loop3A_186], %parallel_loop3A_184 {strides = array<i32>} : memref<128x256xf32, #tpu.memory_space<vmem>>, vector<16xf32>,
      %parallel_loop3A_188 = tpu.vector_load_idx %arg6[%get3A_27, %parallel_loop3A_139] : memref<720x128xf32, #tpu.memory_space<vmem>>[vector<16xi32>, vector<16xi32>], vector<16xf32>,
      %parallel_loop3A_189 = arith.index_cast %parallel_loop3A_138 : i32 to index
      %parallel_loop3A_190 = arith.constant 192 : index
      %parallel_loop3A_191 = tpu.vector_load %arg7[%parallel_loop3A_189, %parallel_loop3A_190] {strides = array<i32>} : memref<128x256xf32, #tpu.memory_space<vmem>>, vector<16xf32>,
      tpu.vector_store %arg7[%parallel_loop3A_189, %parallel_loop3A_190], %parallel_loop3A_188 {strides = array<i32>} : memref<128x256xf32, #tpu.memory_space<vmem>>, vector<16xf32>,
      %parallel_loop3A_192 = tpu.vector_load_idx %arg6[%get3A_29, %parallel_loop3A_139] : memref<720x128xf32, #tpu.memory_space<vmem>>[vector<16xi32>, vector<16xi32>], vector<16xf32>,
      %parallel_loop3A_193 = arith.index_cast %parallel_loop3A_138 : i32 to index
      %parallel_loop3A_194 = arith.constant 208 : index
      %parallel_loop3A_195 = tpu.vector_load %arg7[%parallel_loop3A_193, %parallel_loop3A_194] {strides = array<i32>} : memref<128x256xf32, #tpu.memory_space<vmem>>, vector<16xf32>,
      tpu.vector_store %arg7[%parallel_loop3A_193, %parallel_loop3A_194], %parallel_loop3A_192 {strides = array<i32>} : memref<128x256xf32, #tpu.memory_space<vmem>>, vector<16xf32>,
      %parallel_loop3A_196 = tpu.vector_load_idx %arg6[%get3A_31, %parallel_loop3A_139] : memref<720x128xf32, #tpu.memory_space<vmem>>[vector<16xi32>, vector<16xi32>], vector<16xf32>,
      %parallel_loop3A_197 = arith.index_cast %parallel_loop3A_138 : i32 to index
      %parallel_loop3A_198 = arith.constant 224 : index
      %parallel_loop3A_199 = tpu.vector_load %arg7[%parallel_loop3A_197, %parallel_loop3A_198] {strides = array<i32>} : memref<128x256xf32, #tpu.memory_space<vmem>>, vector<16xf32>,
      tpu.vector_store %arg7[%parallel_loop3A_197, %parallel_loop3A_198], %parallel_loop3A_196 {strides = array<i32>} : memref<128x256xf32, #tpu.memory_space<vmem>>, vector<16xf32>,
      %parallel_loop3A_200 = tpu.vector_load_idx %arg6[%get3A_33, %parallel_loop3A_139] : memref<720x128xf32, #tpu.memory_space<vmem>>[vector<16xi32>, vector<16xi32>], vector<16xf32>,
      %parallel_loop3A_201 = arith.index_cast %parallel_loop3A_138 : i32 to index
      %parallel_loop3A_202 = arith.constant 240 : index
      %parallel_loop3A_203 = tpu.vector_load %arg7[%parallel_loop3A_201, %parallel_loop3A_202] {strides = array<i32>} : memref<128x256xf32, #tpu.memory_space<vmem>>, vector<16xf32>,
      tpu.vector_store %arg7[%parallel_loop3A_201, %parallel_loop3A_202], %parallel_loop3A_200 {strides = array<i32>} : memref<128x256xf32, #tpu.memory_space<vmem>>, vector<16xf32>,
    } {sc.loop_unroll_factor = 2 : i64, sc.parallel_access}
    %dma_start3A_128 = arith.constant 0 : i32
    %dma_start3A_129 = tpu.memref_slice %arg4[%add3A_106, %dma_start3A_128] : memref<16384x256xf32, #tpu.memory_space<hbm>> -> memref<128x256xf32, #tpu.memory_space<hbm>>
    %dma_start3A_130 = arith.constant 0 : i32
    %dma_start3A_131 = tpu.memref_slice %arg4[%add3A_106, %dma_start3A_130] : memref<16384x256xf32, #tpu.memory_space<hbm>> -> memref<128x256xf32, #tpu.memory_space<hbm>>
    tpu.enqueue_dma source(%arg7 : memref<128x256xf32, #tpu.memory_space<vmem>>) target(%dma_start3A_131 : memref<128x256xf32, #tpu.memory_space<hbm>>) target_semaphore(%arg9 : memref<!tpu.dma_semaphore, #tpu.memory_space<semaphore_mem>>)
    %add3A_132 = arith.constant 384 : i32
    %add3A_133 = arith.addi %mul3A_2, %add3A_132 : i32
    %dma_wait3A_134 = arith.constant 0 : i32
    %dma_wait3A_135 = tpu.memref_slice %arg4[%add3A_133, %dma_wait3A_134] : memref<16384x256xf32, #tpu.memory_space<hbm>> -> memref<128x256xf32, #tpu.memory_space<hbm>>
    %dma_wait3A_136 = arith.constant 0 : i32
    %dma_wait3A_137 = tpu.memref_slice %arg4[%add3A_133, %dma_wait3A_136] : memref<16384x256xf32, #tpu.memory_space<hbm>> -> memref<128x256xf32, #tpu.memory_space<hbm>>
    tpu.wait_dma2 semaphore(%arg9 : memref<!tpu.dma_semaphore, #tpu.memory_space<semaphore_mem>>) src(%arg7 : memref<128x256xf32, #tpu.memory_space<vmem>>) dst(%dma_wait3A_137 : memref<128x256xf32, #tpu.memory_space<hbm>>)
    return
  }
}

</mosaic_0001>

<sc_bundles>
// kernel: kernel.3.cloned.1.call-start
scs
__scs_entry_jumppad:
0x0: {  	(pc) =	sbr.rel $0x88, $3  }
0x1: {  	(tag) =	ssettag $0x0;
	lr =	simm.s32 $0x1  }
0x2: {  	[smem:$0x3F9F] =	sst lr;
	_ =	strace $0xD0000000  }
0x3: {  	_ = 	snop  }
0x4: {  	_ = 	snop  }
0x5: {  	_ = 	snop  }
0x6: {  	_ = 	snop  }
0x7: {  	_ = 	snop  }
__scs_overlays_trampoline_lowered:
0x8: {  	[smem:$0x3FAE] =	sst s0  }
0x9: {  	[smem:$0x3FAF] =	sst s1  }
0xa: {  	[smem:$0x3FB0] =	sst s2  }
0xb: {  	[smem:$0x3FB1] =	sst s3  }
0xc: {  	[smem:$0x3FB2] =	sst s4  }
0xd: {  	[smem:$0x3FB3] =	sst s5  }
0xe: {  	[smem:$0x3FB4] =	sst s6  }
0xf: {  	[smem:$0x3FB5] =	sst s7  }
0x10: {  	[smem:$0x3FB6] =	sst s8  }
0x11: {  	[smem:$0x3FB7] =	sst s9;
	s0 =	simm.s32 @!p0 $0x0  }
0x12: {  	s1 =	sld [smem:$0x3F9D];
	s0 =	simm.s32 @p0 $0x1  }
0x13: {  	[smem:$0x3FB8] =	sst s0;
	s0 =	simm.s32 @!p1 $0x0  }
0x14: {  	s2 =	sld [smem:$0x3F9C];
	s0 =	simm.s32 @p1 $0x1  }
0x15: {  	[smem:$0x3FB9] =	sst s0;
	s0 =	simm.s32 @!p2 $0x0  }
0x16: {  	s3 =	sld [smem:$0x3FDB];
	s0 =	simm.s32 @p2 $0x1  }
0x17: {  	s4 =	simm.s32 $0x1BF5;
	[smem:$0x3FBB] =	sst s0  }
0x18: {  	s0 =	sld [smem:$0x3F9E];
	_ =	swait.ge [sflag:s4], $0x0  }
0x19: {  	s7 =	sld [smem:$0x3F9F]  }
0x1a: {  	s8 =	sadd.s32 $0xFFFFE003, lr  }
0x1b: {  	s9 =	sadd.s32 $0xFFFFFEF7, lr;
	s5 =	simm.s32 $0xFFFFFFFF;
	p2 =	slt.u32 s8, $0xFFFFF086  }
0x1c: {  	p1 =	slt.u32 s9, $0xF7A;
	s5 =	simm.s32 @!p2 $0x0  }
0x1d: {  	s5 =	simm.s32 @p1 $0x1;
	p0 =	seq.s32 s7, s2  }
0x1e: {  	s7 =	smul.u32 @!p0 $0xF7A, s2;
	p2 =	seq.s32 @!p0 s5, $0x0  }
0x1f: {  	s9 =	smul.u32 $0xF7A, s1;
	s8 =	simm.s32 @!p0 $0x1BF5;
	p2 =	por !p2, p0  }
0x20: {  	[sflag:s8] =	ssyncset.s32 @!p0 $0xFFFFF086;
	s6 =	sadd.s32 @!p0 s3, s7;
	s7 =	simm.s32 @!p0 $0x108  }
0x21: {  	s3 =	sadd.s32 s3, s9;
	s6 =	sadd.s32 @!p0 $0x88, s6;
	s7 =	simm.s32 @p2 $0x1082  }
0x22: {  	[simem:s7], [sflag:s8] =	dma.local @!p0 [hbm:s6], $0xF7A  }
0x23: {  	s9 =	sor.u32 $0xD0000000, s2;
	s6 =	simm.s32 $0x108;
	_ =	swait.ge @!p0 [sflag:s8], $0x0  }
0x24: {  	s3 =	sadd.s32 $0x88, s3;
	s6 =	simm.s32 @!p1 $0x1082;
	[sflag:s4] =	ssyncset.s32 $0xFFFFF086  }
0x25: {  	[simem:s6], [sflag:s4] =	dma.local [hbm:s3], $0xF7A  }
0x26: {  	[smem:$0x3F9F] =	sst s1;
	(tag) =	ssettag s2;
	_ =	strace s9  }
0x27: {  	s1 =	sld [smem:$0x3FAF]  }
0x28: {  	s2 =	sld [smem:$0x3FB0]  }
0x29: {  	s4 =	sld [smem:$0x3FB2]  }
0x2a: {  	p0 =	seq.s32 s5, $0x0;
	s5 =	sld [smem:$0x3FB3]  }
0x2b: {  	s6 =	sld [smem:$0x3FB4]  }
0x2c: {  	s7 =	sld [smem:$0x3FB5]  }
0x2d: {  	s3 =	simm.s32 $0x108;
	s8 =	sld [smem:$0x3FB6]  }
0x2e: {  	s3 =	simm.s32 @!p0 $0x1082;
	s9 =	sld [smem:$0x3FB7]  }
0x2f: {  	lr =	sadd.s32 s0, s3;
	s0 =	sld [smem:$0x3FAE]  }
0x30: {  	s3 =	sld [smem:$0x3FB1]  }
0x31: {  	[smem:$0x3FBA] =	sst s10  }
0x32: {  	s10 =	sld [smem:$0x3FB8];
	_ =	sdelay $0x3  }
0x33: {  	p0 =	seq.s32 s10, $0x1;
	s10 =	sld [smem:$0x3FBA];
	_ =	sdelay $0x3  }
0x34: {  	[smem:$0x3FBA] =	sst s10  }
0x35: {  	s10 =	sld [smem:$0x3FB9];
	_ =	sdelay $0x3  }
0x36: {  	p1 =	seq.s32 s10, $0x1;
	s10 =	sld [smem:$0x3FBA];
	_ =	sdelay $0x3  }
0x37: {  	[smem:$0x3FBA] =	sst s10  }
0x38: {  	s10 =	sld [smem:$0x3FBB]  }
0x39: {  	_ = 	snop;
	(pc) =	sbr.ind lr, $3  }
0x3a: {  	_ = 	snop  }
0x3b: {  	_ = 	snop  }
0x3c: {  	p2 =	seq.s32 s10, $0x1;
	s10 =	sld [smem:$0x3FBA]  }
0x3d: {  	_ =	shalt  }
0x3e: {  	_ =	shalt  }
0x3f: {  	_ =	shalt  }
0x40: {  	_ =	shalt  }
0x41: {  	_ =	shalt  }
0x42: {  	_ =	shalt  }
0x43: {  	_ =	shalt  }
0x44: {  	_ =	shalt  }
0x45: {  	_ =	shalt  }
0x46: {  	_ =	shalt  }
0x47: {  	_ =	shalt  }
0x48: {  	_ =	shalt  }
0x49: {  	_ =	shalt  }
0x4a: {  	_ =	shalt  }
0x4b: {  	_ =	shalt  }
0x4c: {  	_ =	shalt  }
0x4d: {  	_ =	shalt  }
0x4e: {  	_ =	shalt  }
0x4f: {  	_ =	shalt  }
0x50: {  	_ =	shalt  }
0x51: {  	_ =	shalt  }
0x52: {  	_ =	shalt  }
0x53: {  	_ =	shalt  }
0x54: {  	_ =	shalt  }
0x55: {  	_ =	shalt  }
0x56: {  	_ =	shalt  }
0x57: {  	_ =	shalt  }
0x58: {  	_ =	shalt  }
0x59: {  	_ =	shalt  }
0x5a: {  	_ =	shalt  }
0x5b: {  	_ =	shalt  }
0x5c: {  	_ =	shalt  }
0x5d: {  	_ =	shalt  }
0x5e: {  	_ =	shalt  }
0x5f: {  	_ =	shalt  }
0x60: {  	_ =	shalt  }
0x61: {  	_ =	shalt  }
0x62: {  	_ =	shalt  }
0x63: {  	_ =	shalt  }
0x64: {  	_ =	shalt  }
0x65: {  	_ =	shalt  }
0x66: {  	_ =	shalt  }
0x67: {  	_ =	shalt  }
0x68: {  	_ =	shalt  }
0x69: {  	_ =	shalt  }
0x6a: {  	_ =	shalt  }
0x6b: {  	_ =	shalt  }
0x6c: {  	_ =	shalt  }
0x6d: {  	_ =	shalt  }
0x6e: {  	_ =	shalt  }
0x6f: {  	_ =	shalt  }
0x70: {  	_ =	shalt  }
0x71: {  	_ =	shalt  }
0x72: {  	_ =	shalt  }
0x73: {  	_ =	shalt  }
0x74: {  	_ =	shalt  }
0x75: {  	_ =	shalt  }
0x76: {  	_ =	shalt  }
0x77: {  	_ =	shalt  }
0x78: {  	_ =	shalt  }
0x79: {  	_ =	shalt  }
0x7a: {  	_ =	shalt  }
0x7b: {  	_ =	shalt  }
0x7c: {  	_ =	shalt  }
0x7d: {  	_ =	shalt  }
0x7e: {  	_ =	shalt  }
0x7f: {  	_ =	shalt  }
0x80: {  	_ =	shalt  }
0x81: {  	_ =	shalt  }
0x82: {  	_ =	shalt  }
0x83: {  	_ =	shalt  }
0x84: {  	_ =	shalt  }
0x85: {  	_ =	shalt  }
0x86: {  	_ =	shalt  }
0x87: {  	_ =	shalt  }
.Lfunc_end0:
.L_simem_size_0:
called_computation_lowered:
.L_overlay_start_0:
0x88: {  	s2 =	sld [smem:$0x3FD9]  }
0x89: {  	s3 =	sld [smem:$0x3FFE];
	_ =	sdelay $0x1  }
0x8a: {  	s1 =	srdreg.scid  }
0x8b: {  	s0 =	sand.u32 $0x1, s1  }
0x8c: {  	s18 =	sshll.u32 s0, $0xA;
	s2 =	sadd.s32 s3, s2  }
0x8d: {  	s2 =	sadd.s32 s2, s18  }
0x8e: {  	[smem:$0x3FC6] =	sst s2  }
0x8f: {  	_ = 	snop  }
0x90: {  	s2 =	sld [smem:$0x3FC9]  }
0x91: {  	s19 =	sld [smem:$0x3FC8]  }
0x92: {  	s4 =	sld [smem:$0x3FD0];
	(tm) =	ssettm $0x1  }
0x93: {  	s5 =	sld [smem:$0x3FFB];
	_ =	sdelay $0x3  }
0x94: {  	_ =	strace s5  }
0x95: {  	s5 =	sld [smem:$0x3FFC];
	_ =	sdelay $0x3  }
0x96: {  	_ =	strace s5  }
0x97: {  	s5 =	sld [smem:$0x3FFD];
	_ =	sdelay $0x3  }
0x98: {  	_ =	strace s5  }
0x99: {  	_ =	strace $0x8FFFFFFF  }
0x9a: {  	s20 =	sld [smem:$0x3FDB];
	_ =	sdelay $0x1  }
0x9b: {  	s6 =	simm.s32 $_scs_section_size  }
0x9c: {  	s7 =	simm.s32 $_size__tile_overlayer_lowered;
	s8 =	simm.s32 $_tile_overlayer_lowered  }
0x9d: {  	s23 =	simm.s32 $0x1BFF;
	s22 =	sshll.u32 s8, $0x1;
	s5 =	sadd.s32 s6, s20  }
0x9e: {  	s9 =	simm.s32 $0x0;
	s21 =	sshll.u32 s7, $0x1;
	s7 =	sadd.s32 s22, s5  }
0x9f: {  	[timem:s9], [sflag:s23] =	dma.local [hbm:s7], s21  }
0xa0: {  	_ =	swait.ge [sflag:s23], s21  }
0xa1: {  	s6 =	ssub.s32 $0x0, s21;
	[sflag:s23] =	ssyncset.done $0x0  }
0xa2: {  	[sflag:s23] =	ssyncadd.s32 s6;
	_ =	sdelay $0x1  }
0xa3: {  	s24 =	simm.s32 $0x1B8B  }
0xa4: {  	_ =	swait.ge [sflag:s24], $0x1  }
0xa5: {  	[sflag:s24] =	ssyncset.done $0x0  }
0xa6: {  	s25 =	simm.s32 $0x1B8E;
	[sflag:s24] =	ssyncadd.s32 $0xFFFFFFFF  }
0xa7: {  	s26 =	simm.s32 $execute0_lowered;
	[smem:$0x3FD2] =	sst s25  }
0xa8: {  	s6 =	sshll.u32 s26, $0x1;
	_ =	strace $0x80000046;
	[dreg:$0x1] =	wrdreg $0xFFFFFFFF  }
0xa9: {  	s28 =	simm.s32 $_size_execute0_lowered;
	s5 =	sadd.s32 s5, s6;
	[dreg:$0x0] =	wrdreg $0x0  }
0xaa: {  	s6 =	sshll.u32 s28, $0x1;
	[dreg:$0x2] =	wrdreg s5  }
0xab: {  	[dreg:$0x3] =	wrdreg s6  }
0xac: {  	[dreg:$0x4] =	wrdreg $0xC0  }
0xad: {  	_ =	task [dreg:s9], $0x5FFFF  }
0xae: {  	[dreg:$0x1] =	wrdreg $0xFFFFFFFF  }
0xaf: {  	[dreg:$0x0] =	wrdreg $0x60  }
0xb0: {  	[dreg:$0x2] =	wrdreg s2  }
0xb1: {  	[dreg:$0x3] =	wrdreg s19  }
0xb2: {  	[dreg:$0x4] =	wrdreg s4  }
0xb3: {  	[dreg:$0x5] =	wrdreg $0x9  }
0xb4: {  	_ =	task.clear_ibuf [dreg:s9], $0x6FFFF;
	_ =	strace $0x90000046  }
0xb5: {  	s29 =	simm.s32 $0x9;
	_ =	strace $0x80000048  }
0xb6: {  	_ =	swait.ge [sflag:s29], $0x1  }
0xb7: {  	[sflag:s29] =	ssyncadd.s32 $0xFFFFFFFF  }
0xb8: {  	_ =	strace $0x90000048  }
0xb9: {  	_ =	sfence  }
0xba: {  	s30 =	sld [smem:$0x0];
	_ =	sdelay $0x2  }
0xbb: {  	s31 =	sshll.u32 s1, $0xD;
	s1 =	sshrl.u32 s1, $0x2  }
0xbc: {  	s3 =	sand.u32 $0x4000, s31;
	s1 =	sadd.s32 s1, s30  }
0xbd: {  	s0 =	sor.u32 s3, s0;
	s1 =	sshll.u32 s1, $0x11  }
0xbe: {  	s0 =	sor.u32 s1, s0  }
0xbf: {  	s0 =	sadd.s32 $0x8F2B, s0  }
0xc0: {  	[sflag:s0] =	ssyncadd.remote.s32 $0x1  }
0xc1: {  	_ =	sfence.sel $0xFFFF  }
0xc2: {  	[dreg:$0x0] =	wrdreg $0xFFFFFFFF;
	(pc) =	sbr.abs _section_cstart, $3  }
0xc3: {  	[dreg:$0x1] =	wrdreg $0xFFFFFFFF  }
0xc4: {  	_ =	task.clear_ibuf [dreg:s9], $0x2FFFF;
	_ =	strace $0x9FFFFFFF  }
0xc5: {  	(tm) =	ssettm $0x7FFFFFFF  }
tec
execute0_lowered:
.L_overlay_start_1:
0x0: {  	(tag) =	ssettag $0x1  }
0x1: {  	s12 =	rddreg [dreg:$0x0]  }
0x2: {  	s1 =	rddreg [dreg:$0x1]  }
0x3: {  	s4 =	rddreg [dreg:$0x2];
	s2 =	simm.s32 $0x0  }
0x4: {  	s3 =	srdreg.scid;
	s15 =	simm.s32 $0x100;
	s16 =	simm.s32 $0x16900  }
0x5: {  	s17 =	simm.s32 $0x2;
	s18 =	simm.s32 $0x0;
	[smem:$0x7FF] =	sst s2  }
0x6: {  	s5 =	sand.u32 $0x1, s3;
	s3 =	stileid.u32;
	_ =	strace $0x80000047  }
0x7: {  	s6 =	ssub.s32 $0x2, s5;
	s8 =	sshll.u32 s3, $0xF;
	s9 =	sshll.u32 s5, $0xE  }
0x8: {  	s30 =	sshll.u32 s3, $0xB;
	s5 =	sshll.u32 s5, $0xA;
	s7 =	sshrl.u32 s6, $0x1  }
0x9: {  	s8 =	sor.u32 s9, s8;
	s11 =	sor.u32 s5, s30;
	s10 =	ssub.s32 s6, s7  }
0xa: {  	s4 =	sadd.s32 s4, s8;
	s9 =	sshrl.u32 s11, $0x3;
	s31 =	sor.u32 $0x100, s11  }
0xb: {  	s13 =	sor.u32 $0x200, s11;
	s11 =	sor.u32 $0x300, s11;
	s5 =	sadd.s32 $0x1000, s4  }
0xc: {  	s6 =	sadd.s32 $0x2000, s4;
	s7 =	sadd.s32 $0x3000, s4;
	s8 =	smax.u32 s10, $0x1  }
0xd: {  	s9 =	sadd.s32 s9, s12;
	s10 =	sshrl.u32 s31, $0x3;
	s13 =	sshrl.u32 s13, $0x3  }
0xe: {  	s14 =	sshrl.u32 s11, $0x3;
	s10 =	sadd.s32 s10, s12;
	s11 =	sadd.s32 s13, s12  }
0xf: {  	s12 =	sadd.s32 s14, s12;
	s13 =	simm.s32 $0x3;
	s14 =	simm.s32 $0x1  }
.LBB2_1:
0x10: {  	[tilespmem:s2], [sflag:$0x3] =	stream.linear.gather [hbm4b:s1+s2], $0x100, $0x38;
	[tilespmem:$0x1E900] =	vst v63  }
0x11: {  	_ =	swait.ge [sflag:s13], $0x100  }
0x12: {  	[sflag:s13] =	ssyncset.done $0x0  }
0x13: {  	[sflag:s13] =	ssyncadd.s32 $0xFFFFFF00  }
0x14: {  	v0 =	vld [tilespmem:$0x0]  }
0x15: {  	v1 =	vld [tilespmem:$0x10]  }
0x16: {  	v2 =	vld [tilespmem:$0x20]  }
0x17: {  	v3 =	vld [tilespmem:$0x30]  }
0x18: {  	v4 =	vld [tilespmem:$0x40]  }
0x19: {  	v5 =	vld [tilespmem:$0x50]  }
0x1a: {  	v6 =	vld [tilespmem:$0x60]  }
0x1b: {  	v7 =	vld [tilespmem:$0x70]  }
0x1c: {  	v16 =	vld [tilespmem:$0x80]  }
0x1d: {  	v17 =	vld [tilespmem:$0x90]  }
0x1e: {  	v18 =	vld [tilespmem:$0xA0]  }
0x1f: {  	v19 =	vld [tilespmem:$0xB0]  }
0x20: {  	v20 =	vld [tilespmem:$0xC0]  }
0x21: {  	v21 =	vld [tilespmem:$0xD0]  }
0x22: {  	v22 =	vld [tilespmem:$0xE0]  }
0x23: {  	s19 =	smov.u32 s9;
	s20 =	simm.s32 $0x0;
	v23 =	vld [tilespmem:$0xF0]  }
.LBB2_2:
0x24: {  	p0 =	seq.s32 s20, $0x59C00  }
.Ltmp0:
0x25: {  	_ = 	snop;
	(pc) =	sbr.rel @!p0 .LBB2_2-.Ltmp0, $4  }
0x26: {  	s21 =	sshra.s32 s20, $0x2  }
0x27: {  	s21 =	sadd.s32 $0x100, s21  }
0x28: {  	[tilespmem:s21], [sflag:$0x1] =	stream.linear.gather [hbm4b:s19+s2], $0x100, $0x38;
	[tilespmem:$0x1E900] =	vst v63  }
0x29: {  	s20 =	sadd.s32 $0x400, s20;
	s19 =	sadd.s32 $0x1000, s19  }
0x2a: {  	_ =	swait.ge [sflag:s14], $0x100  }
0x2b: {  	s19 =	simm.s32 $0x167;
	[sflag:s14] =	ssyncset.done $0x0  }
.LBB2_4:
0x2c: {  	p0 =	seq.s32 s19, $0x1;
	s19 =	sadd.s32 $0xFFFFFFFF, s19;
	[sflag:s14] =	ssyncadd.s32 $0xFFFFFF00  }
.Ltmp1:
0x2d: {  	(pc) =	sbr.rel @!p0 .LBB2_4-.Ltmp1, $3  }
0x2e: {  	_ =	sdelay $0x1  }
0x2f: {  	_ =	swait.ge [sflag:s14], $0x100  }
0x30: {  	[sflag:s14] =	ssyncset.done $0x0  }
0x31: {  	s21 =	simm.s32 $0x1  }
0x32: {  	v8 =	vshll.u32 v7, $0x7;
	v7 =	vshll.u32 v16, $0x7;
	v16 =	vmov s21  }
0x33: {  	v16 =	vand.u32 $0x7F, v16  }
0x34: {  	v15 =	vshll.u32 v0, $0x7;
	v0 =	vshll.u32 v23, $0x7;
	v23 =	vbroadcast v16, $0x0;
	_ =	sdelay $0x1  }
0x35: {  	s20 =	simm.s32 $0x0;
	v16 =	vor.u32 v15, v23  }
0x36: {  	v9 =	vshll.u32 v6, $0x7;
	v6 =	vshll.u32 v17, $0x7;
	v17 =	vmov s20  }
0x37: {  	v17 =	vand.u32 $0x7E, v17  }
0x38: {  	v13 =	vshll.u32 v2, $0x7;
	v2 =	vshll.u32 v21, $0x7;
	v21 =	vbroadcast v17, $0x0  }
0x39: {  	[sflag:s14] =	ssyncadd.s32 $0xFFFFFF00  }
0x3a: {  	v14 =	vshll.u32 v1, $0x7;
	v17 =	vor.u32 v15, v21;
	v16 =	vld.idx.msk [tilespmem:v16+s15+$0x0], $0xffff  }
0x3b: {  	v10 =	vshll.u32 v5, $0x7;
	v5 =	vshll.u32 v18, $0x7;
	v18 =	vor.u32 v14, v23  }
0x3c: {  	s19 =	simm.s32 $0x80;
	s20 =	sand.u32 $0x7800, s20  }
0x3d: {  	s19 =	sand.u32 $0x380, s19;
	s20 =	sadd.s32 $0x16900, s20  }
0x3e: {  	s26 =	sadd.s32 s19, s20  }
0x3f: {  	v17 =	vld.idx.msk [tilespmem:v17+s15+$0x0], $0xffff;
	[tilespmem:s26+$0x0] =	vst v16  }
0x40: {  	v16 =	vor.u32 v14, v21;
	v18 =	vld.idx.msk [tilespmem:v18+s15+$0x0], $0xffff  }
0x41: {  	v11 =	vshll.u32 v4, $0x7;
	v4 =	vshll.u32 v19, $0x7;
	s25 =	simm.s32 $0x0;
	v19 =	vor.u32 v13, v23  }
0x42: {  	s19 =	sand.u32 $0x300, s25  }
0x43: {  	s23 =	sadd.s32 s19, s20  }
0x44: {  	[tilespmem:s23+$0x0] =	vst v17  }
0x45: {  	v16 =	vld.idx.msk [tilespmem:v16+s15+$0x0], $0xffff;
	[tilespmem:s26+$0x10] =	vst v18  }
0x46: {  	v12 =	vshll.u32 v3, $0x7;
	v17 =	vor.u32 v13, v21;
	v18 =	vld.idx.msk [tilespmem:v19+s15+$0x0], $0xffff  }
0x47: {  	v19 =	vor.u32 v12, v23;
	_ =	sdelay $0x2  }
0x48: {  	[tilespmem:s23+$0x10] =	vst v16  }
0x49: {  	v3 =	vshll.u32 v20, $0x7;
	s31 =	simm.s32 $0x3;
	v17 =	vld.idx.msk [tilespmem:v17+s15+$0x0], $0xffff;
	[tilespmem:s26+$0x20] =	vst v18  }
0x4a: {  	v1 =	vshll.u32 v22, $0x7;
	s0 =	simm.s32 $0x2;
	v16 =	vmov s31;
	v18 =	vor.u32 v12, v21;
	v19 =	vld.idx.msk [tilespmem:v19+s15+$0x0], $0xffff  }
0x4b: {  	v20 =	vmov s0;
	v22 =	vor.u32 v11, v23;
	v16 =	vand.u32 $0x7F, v16  }
0x4c: {  	v24 =	vand.u32 $0x7E, v20;
	v20 =	vbroadcast v16, $0x0  }
0x4d: {  	v16 =	vbroadcast v24, $0x0  }
0x4e: {  	[tilespmem:s23+$0x20] =	vst v17;
	v17 =	vor.u32 v15, v20  }
0x4f: {  	v24 =	vor.u32 v15, v16;
	v18 =	vld.idx.msk [tilespmem:v18+s15+$0x0], $0xffff;
	[tilespmem:s26+$0x30] =	vst v19  }
0x50: {  	v19 =	vor.u32 v11, v21;
	v22 =	vld.idx.msk [tilespmem:v22+s15+$0x0], $0xffff  }
0x51: {  	v25 =	vor.u32 v10, v23;
	_ =	sdelay $0x1  }
0x52: {  	v17 =	vld.idx.msk [tilespmem:v17+s15+$0x0], $0xffff  }
0x53: {  	s20 =	simm.s32 $0x200;
	v24 =	vld.idx.msk [tilespmem:v24+s15+$0x0], $0xffff;
	[tilespmem:s23+$0x30] =	vst v18;
	v18 =	vor.u32 v14, v20  }
0x54: {  	s21 =	simm.s32 $0x180;
	s19 =	sand.u32 $0x7800, s20;
	v19 =	vld.idx.msk [tilespmem:v19+s15+$0x0], $0xffff;
	[tilespmem:s26+$0x40] =	vst v22;
	v22 =	vor.u32 v14, v16  }
0x55: {  	s22 =	simm.s32 $0x100;
	v26 =	vor.u32 v10, v21;
	s20 =	sand.u32 $0x380, s21;
	s19 =	sadd.s32 $0x16900, s19;
	v25 =	vld.idx.msk [tilespmem:v25+s15+$0x0], $0xffff  }
0x56: {  	s21 =	sand.u32 $0x300, s22;
	v27 =	vor.u32 v9, v23;
	s22 =	sadd.s32 s20, s19  }
0x57: {  	s19 =	sadd.s32 s21, s19;
	[tilespmem:s22+$0x0] =	vst v17  }
0x58: {  	[tilespmem:s19+$0x0] =	vst v24;
	v17 =	vld.idx.msk [tilespmem:v18+s15+$0x0], $0xffff  }
0x59: {  	[tilespmem:s23+$0x40] =	vst v19;
	v19 =	vor.u32 v13, v20;
	v18 =	vld.idx.msk [tilespmem:v22+s15+$0x0], $0xffff  }
0x5a: {  	v24 =	vor.u32 v13, v16;
	v22 =	vld.idx.msk [tilespmem:v26+s15+$0x0], $0xffff;
	[tilespmem:s26+$0x50] =	vst v25  }
0x5b: {  	v25 =	vor.u32 v9, v21;
	v26 =	vld.idx.msk [tilespmem:v27+s15+$0x0], $0xffff  }
0x5c: {  	v27 =	vor.u32 v8, v23  }
0x5d: {  	[tilespmem:s22+$0x10] =	vst v17  }
0x5e: {  	v17 =	vld.idx.msk [tilespmem:v19+s15+$0x0], $0xffff;
	[tilespmem:s19+$0x10] =	vst v18  }
0x5f: {  	v19 =	vor.u32 v12, v20;
	[tilespmem:s23+$0x50] =	vst v22;
	v18 =	vld.idx.msk [tilespmem:v24+s15+$0x0], $0xffff  }
0x60: {  	v22 =	vld.idx.msk [tilespmem:v25+s15+$0x0], $0xffff;
	v24 =	vor.u32 v12, v16;
	[tilespmem:s26+$0x60] =	vst v26  }
0x61: {  	v25 =	vor.u32 v8, v21;
	v26 =	vld.idx.msk [tilespmem:v27+s15+$0x0], $0xffff  }
0x62: {  	v27 =	vor.u32 v7, v23  }
0x63: {  	[tilespmem:s22+$0x20] =	vst v17  }
0x64: {  	s24 =	simm.s32 $0x5;
	v19 =	vld.idx.msk [tilespmem:v19+s15+$0x0], $0xffff;
	[tilespmem:s19+$0x20] =	vst v18  }
0x65: {  	s25 =	simm.s32 $0x4;
	v17 =	vmov s24;
	[tilespmem:s23+$0x60] =	vst v22;
	v22 =	vld.idx.msk [tilespmem:v24+s15+$0x0], $0xffff;
	v24 =	vor.u32 v11, v20  }
0x66: {  	v17 =	vand.u32 $0x7F, v17;
	v18 =	vmov s25;
	v25 =	vld.idx.msk [tilespmem:v25+s15+$0x0], $0xffff;
	[tilespmem:s26+$0x70] =	vst v26;
	v26 =	vor.u32 v11, v16  }
0x67: {  	v28 =	vor.u32 v7, v21;
	v17 =	vbroadcast v17, $0x0;
	v18 =	vand.u32 $0x7E, v18;
	v27 =	vld.idx.msk [tilespmem:v27+s15+$0x0], $0xffff  }
0x68: {  	v29 =	vor.u32 v6, v23;
	v18 =	vbroadcast v18, $0x0  }
0x69: {  	v30 =	vor.u32 v15, v17;
	[tilespmem:s22+$0x30] =	vst v19  }
0x6a: {  	v19 =	vor.u32 v15, v18;
	[tilespmem:s19+$0x30] =	vst v22;
	v22 =	vld.idx.msk [tilespmem:v24+s15+$0x0], $0xffff  }
0x6b: {  	[tilespmem:s23+$0x70] =	vst v25;
	v25 =	vor.u32 v10, v20;
	v24 =	vld.idx.msk [tilespmem:v26+s15+$0x0], $0xffff  }
0x6c: {  	v26 =	vld.idx.msk [tilespmem:v28+s15+$0x0], $0xffff;
	[tilespmem:s26+$0x400] =	vst v27;
	v27 =	vor.u32 v10, v16  }
0x6d: {  	v28 =	vor.u32 v6, v21;
	v29 =	vld.idx.msk [tilespmem:v29+s15+$0x0], $0xffff  }
0x6e: {  	v31 =	vor.u32 v5, v23;
	v30 =	vld.idx.msk [tilespmem:v30+s15+$0x0], $0xffff  }
0x6f: {  	s31 =	simm.s32 $0x400;
	v32 =	vor.u32 v14, v17;
	v19 =	vld.idx.msk [tilespmem:v19+s15+$0x0], $0xffff;
	[tilespmem:s22+$0x40] =	vst v22  }
0x70: {  	s0 =	simm.s32 $0x280;
	s20 =	sand.u32 $0x7800, s31;
	v22 =	vor.u32 v14, v18;
	[tilespmem:s19+$0x40] =	vst v24;
	v24 =	vld.idx.msk [tilespmem:v25+s15+$0x0], $0xffff  }
0x71: {  	s21 =	sand.u32 $0x380, s0;
	s24 =	simm.s32 $0x200;
	s25 =	sadd.s32 $0x16900, s20;
	[tilespmem:s23+$0x400] =	vst v26;
	v26 =	vor.u32 v9, v20;
	v25 =	vld.idx.msk [tilespmem:v27+s15+$0x0], $0xffff  }
0x72: {  	s28 =	simm.s32 $0x6;
	s24 =	sand.u32 $0x300, s24;
	s20 =	sadd.s32 s21, s25;
	v27 =	vld.idx.msk [tilespmem:v28+s15+$0x0], $0xffff;
	v28 =	vor.u32 v9, v16;
	[tilespmem:s26+$0x410] =	vst v29  }
0x73: {  	s21 =	sadd.s32 s24, s25;
	[tilespmem:s20+$0x0] =	vst v30;
	v30 =	vmov s28;
	v29 =	vld.idx.msk [tilespmem:v31+s15+$0x0], $0xffff;
	v31 =	vor.u32 v5, v21  }
0x74: {  	v32 =	vld.idx.msk [tilespmem:v32+s15+$0x0], $0xffff;
	[tilespmem:s21+$0x0] =	vst v19;
	v19 =	vand.u32 $0x7E, v30;
	v30 =	vor.u32 v4, v23  }
0x75: {  	v33 =	vor.u32 v13, v17;
	v19 =	vbroadcast v19, $0x0;
	v22 =	vld.idx.msk [tilespmem:v22+s15+$0x0], $0xffff;
	[tilespmem:s22+$0x50] =	vst v24  }
0x76: {  	v24 =	vor.u32 v13, v18;
	[tilespmem:s19+$0x50] =	vst v25;
	v25 =	vld.idx.msk [tilespmem:v26+s15+$0x0], $0xffff  }
0x77: {  	v26 =	vor.u32 v15, v19;
	[tilespmem:s23+$0x410] =	vst v27;
	v28 =	vld.idx.msk [tilespmem:v28+s15+$0x0], $0xffff  }
0x78: {  	v27 =	vor.u32 v8, v20;
	v31 =	vld.idx.msk [tilespmem:v31+s15+$0x0], $0xffff;
	[tilespmem:s26+$0x420] =	vst v29  }
0x79: {  	[tilespmem:s20+$0x10] =	vst v32;
	v29 =	vor.u32 v8, v16;
	v30 =	vld.idx.msk [tilespmem:v30+s15+$0x0], $0xffff  }
0x7a: {  	v46 =	vor.u32 v4, v21;
	[tilespmem:s21+$0x10] =	vst v22;
	v22 =	vld.idx.msk [tilespmem:v33+s15+$0x0], $0xffff  }
0x7b: {  	v47 =	vor.u32 v3, v23;
	v24 =	vld.idx.msk [tilespmem:v24+s15+$0x0], $0xffff  }
0x7c: {  	v34 =	vor.u32 v12, v17;
	v26 =	vld.idx.msk [tilespmem:v26+s15+$0x0], $0xffff;
	[tilespmem:s22+$0x60] =	vst v25  }
0x7d: {  	v25 =	vor.u32 v12, v18;
	[tilespmem:s19+$0x60] =	vst v28;
	v27 =	vld.idx.msk [tilespmem:v27+s15+$0x0], $0xffff  }
0x7e: {  	s28 =	simm.s32 $0x600;
	v56 =	vor.u32 v14, v19;
	v28 =	vld.idx.msk [tilespmem:v29+s15+$0x0], $0xffff;
	[tilespmem:s23+$0x420] =	vst v31  }
0x7f: {  	s0 =	simm.s32 $0x300;
	s25 =	simm.s32 $0x7;
	s31 =	sand.u32 $0x7800, s28;
	v29 =	vor.u32 v7, v20;
	v31 =	vld.idx.msk [tilespmem:v46+s15+$0x0], $0xffff;
	[tilespmem:s26+$0x430] =	vst v30  }
0x80: {  	s30 =	sadd.s32 $0x16900, s31;
	v30 =	vor.u32 v7, v16;
	[tilespmem:s20+$0x20] =	vst v22;
	v22 =	vmov s25;
	s25 =	sand.u32 $0x300, s0;
	v48 =	vld.idx.msk [tilespmem:v47+s15+$0x0], $0xffff  }
0x81: {  	v49 =	vor.u32 v3, v21;
	[tilespmem:s21+$0x20] =	vst v24;
	v24 =	vld.idx.msk [tilespmem:v34+s15+$0x0], $0xffff;
	s25 =	sadd.s32 s25, s30  }
0x82: {  	v50 =	vor.u32 v2, v23;
	v25 =	vld.idx.msk [tilespmem:v25+s15+$0x0], $0xffff;
	[tilespmem:s25+$0x0] =	vst v26  }
0x83: {  	v35 =	vor.u32 v11, v17;
	v22 =	vand.u32 $0x7F, v22;
	[tilespmem:s22+$0x70] =	vst v27;
	v58 =	vld.idx.msk [tilespmem:v56+s15+$0x0], $0xffff  }
0x84: {  	v22 =	vbroadcast v22, $0x0;
	v27 =	vor.u32 v11, v18;
	[tilespmem:s19+$0x70] =	vst v28;
	v28 =	vld.idx.msk [tilespmem:v29+s15+$0x0], $0xffff  }
0x85: {  	v29 =	vld.idx.msk [tilespmem:v30+s15+$0x0], $0xffff;
	[tilespmem:s23+$0x430] =	vst v31;
	v30 =	vor.u32 v6, v20  }
0x86: {  	v51 =	vor.u32 v15, v22;
	v31 =	vld.idx.msk [tilespmem:v49+s15+$0x0], $0xffff;
	[tilespmem:s26+$0x440] =	vst v48  }
0x87: {  	v52 =	vor.u32 v6, v16;
	[tilespmem:s20+$0x30] =	vst v24;
	v24 =	vld.idx.msk [tilespmem:v50+s15+$0x0], $0xffff  }
0x88: {  	v53 =	vor.u32 v1, v23;
	[tilespmem:s21+$0x30] =	vst v25;
	v25 =	vld.idx.msk [tilespmem:v35+s15+$0x0], $0xffff  }
0x89: {  	v54 =	vor.u32 v10, v17;
	v27 =	vld.idx.msk [tilespmem:v27+s15+$0x0], $0xffff;
	[tilespmem:s22+$0x400] =	vst v28  }
0x8a: {  	v55 =	vor.u32 v2, v21;
	v30 =	vld.idx.msk [tilespmem:v30+s15+$0x0], $0xffff;
	[tilespmem:s19+$0x400] =	vst v29  }
0x8b: {  	v28 =	vor.u32 v10, v18;
	v29 =	vld.idx.msk [tilespmem:v51+s15+$0x0], $0xffff;
	[tilespmem:s23+$0x440] =	vst v31  }
0x8c: {  	v36 =	vor.u32 v5, v20;
	v33 =	vld.idx.msk [tilespmem:v52+s15+$0x0], $0xffff;
	[tilespmem:s26+$0x450] =	vst v24  }
0x8d: {  	s29 =	simm.s32 $0x380;
	v24 =	vor.u32 v14, v22;
	[tilespmem:s20+$0x40] =	vst v25;
	v25 =	vld.idx.msk [tilespmem:v53+s15+$0x0], $0xffff  }
0x8e: {  	s31 =	sand.u32 $0x380, s29;
	v31 =	vor.u32 v0, v23;
	[tilespmem:s21+$0x40] =	vst v27;
	v27 =	vld.idx.msk [tilespmem:v54+s15+$0x0], $0xffff  }
0x8f: {  	s24 =	sadd.s32 s31, s30;
	v26 =	vor.u32 v5, v16;
	v37 =	vld.idx.msk [tilespmem:v55+s15+$0x0], $0xffff;
	[tilespmem:s22+$0x410] =	vst v30  }
0x90: {  	v57 =	vor.u32 v9, v17;
	s31 =	simm.s32 $0x8;
	v28 =	vld.idx.msk [tilespmem:v28+s15+$0x0], $0xffff;
	[tilespmem:s24+$0x0] =	vst v29  }
0x91: {  	v23 =	vmov s31;
	v29 =	vor.u32 v9, v18;
	v30 =	vld.idx.msk [tilespmem:v36+s15+$0x0], $0xffff;
	[tilespmem:s19+$0x410] =	vst v33  }
0x92: {  	v59 =	vor.u32 v4, v20;
	v23 =	vand.u32 $0x7E, v23;
	v24 =	vld.idx.msk [tilespmem:v24+s15+$0x0], $0xffff;
	[tilespmem:s26+$0x460] =	vst v25  }
0x93: {  	v23 =	vbroadcast v23, $0x0;
	[tilespmem:s20+$0x50] =	vst v27;
	v27 =	vld.idx.msk [tilespmem:v31+s15+$0x0], $0xffff;
	v31 =	vor.u32 v13, v19  }
0x94: {  	[tilespmem:s25+$0x10] =	vst v58;
	v26 =	vld.idx.msk [tilespmem:v26+s15+$0x0], $0xffff;
	v25 =	vor.u32 v13, v22  }
0x95: {  	v60 =	vor.u32 v15, v23;
	[tilespmem:s21+$0x50] =	vst v28;
	v28 =	vld.idx.msk [tilespmem:v57+s15+$0x0], $0xffff  }
0x96: {  	v61 =	vor.u32 v8, v17;
	v29 =	vld.idx.msk [tilespmem:v29+s15+$0x0], $0xffff;
	[tilespmem:s22+$0x420] =	vst v30  }
0x97: {  	[tilespmem:s24+$0x10] =	vst v24;
	v24 =	vor.u32 v8, v18;
	v30 =	vld.idx.msk [tilespmem:v59+s15+$0x0], $0xffff  }
0x98: {  	v38 =	vld.idx.msk [tilespmem:v31+s15+$0x0], $0xffff;
	v31 =	vor.u32 v3, v20  }
0x99: {  	v63 =	vor.u32 v4, v16;
	v62 =	vld.idx.msk [tilespmem:v25+s15+$0x0], $0xffff;
	[tilespmem:s26+$0x470] =	vst v27  }
0x9a: {  	v25 =	vld.idx.msk [tilespmem:v60+s15+$0x0], $0xffff;
	v27 =	vor.u32 v12, v22;
	[tilespmem:s20+$0x60] =	vst v28  }
0x9b: {  	v39 =	vor.u32 v12, v19;
	[tilespmem:s21+$0x60] =	vst v29;
	v35 =	vld.idx.msk [tilespmem:v61+s15+$0x0], $0xffff  }
0x9c: {  	v36 =	vor.u32 v1, v21;
	v33 =	vld.idx.msk [tilespmem:v24+s15+$0x0], $0xffff;
	[tilespmem:s22+$0x430] =	vst v30  }
0x9d: {  	[tilespmem:s19+$0x420] =	vst v26;
	v29 =	vld.idx.msk [tilespmem:v31+s15+$0x0], $0xffff;
	v31 =	vor.u32 v7, v17  }
0x9e: {  	v32 =	vor.u32 v7, v18;
	v34 =	vld.idx.msk [tilespmem:v63+s15+$0x0], $0xffff;
	[tilespmem:s24+$0x20] =	vst v62  }
0x9f: {  	[tilespmem:s25+$0x20] =	vst v38;
	v28 =	vld.idx.msk [tilespmem:v27+s15+$0x0], $0xffff;
	v27 =	vor.u32 v3, v16  }
0xa0: {  	s30 =	simm.s32 $0x9;
	[tilespmem:s23+$0x450] =	vst v37;
	v26 =	vor.u32 v2, v20;
	s26 =	simm.s32 $0xA;
	v30 =	vld.idx.msk [tilespmem:v39+s15+$0x0], $0xffff  }
.LBB2_6:
0xa1: {  	p0 =	slt.u32 s26, $0x7E;
	v24 =	vmov s30;
	v37 =	vor.u32 v11, v22;
	[tilespmem:s20+$0x70] =	vst v35;
	v35 =	vld.idx.msk [tilespmem:v36+s15+$0x0], $0xffff  }
0xa2: {  	v36 =	vor.u32 v11, v19;
	v24 =	vand.u32 $0x7F, v24;
	[tilespmem:s21+$0x70] =	vst v33;
	v31 =	vld.idx.msk [tilespmem:v31+s15+$0x0], $0xffff  }
0xa3: {  	v33 =	vor.u32 v0, v21;
	v21 =	vmovc v16;
	v16 =	vmov v18;
	v24 =	vbroadcast v24, $0x0;
	v32 =	vld.idx.msk [tilespmem:v32+s15+$0x0], $0xffff;
	[tilespmem:s19+$0x430] =	vst v34  }
0xa4: {  	v18 =	vmov v19;
	v19 =	vmov v23;
	v34 =	vor.u32 v6, v17;
	v27 =	vld.idx.msk [tilespmem:v27+s15+$0x0], $0xffff;
	[tilespmem:s22+$0x440] =	vst v29  }
0xa5: {  	v23 =	vor.u32 v15, v24;
	[tilespmem:s24+$0x30] =	vst v28;
	v26 =	vld.idx.msk [tilespmem:v26+s15+$0x0], $0xffff  }
0xa6: {  	v29 =	vor.u32 v6, v16;
	[tilespmem:s25+$0x30] =	vst v30;
	v28 =	vld.idx.msk [tilespmem:v37+s15+$0x0], $0xffff  }
0xa7: {  	v30 =	vld.idx.msk [tilespmem:v36+s15+$0x0], $0xffff;
	v36 =	vor.u32 v1, v20;
	[tilespmem:s23+$0x460] =	vst v35  }
0xa8: {  	v35 =	vor.u32 v10, v22;
	[tilespmem:s20+$0x400] =	vst v31;
	v31 =	vld.idx.msk [tilespmem:v33+s15+$0x0], $0xffff  }
0xa9: {  	v33 =	vor.u32 v10, v18;
	[tilespmem:s21+$0x400] =	vst v32;
	v32 =	vld.idx.msk [tilespmem:v34+s15+$0x0], $0xffff  }
0xaa: {  	v23 =	vld.idx.msk [tilespmem:v23+s15+$0x0], $0xffff;
	[tilespmem:s19+$0x440] =	vst v27;
	v27 =	vor.u32 v2, v21  }
0xab: {  	v34 =	vor.u32 v5, v17;
	v29 =	vld.idx.msk [tilespmem:v29+s15+$0x0], $0xffff;
	[tilespmem:s22+$0x450] =	vst v26  }
0xac: {  	s28 =	sadd.s32 $0x200, s28;
	v26 =	vor.u32 v14, v24;
	[tilespmem:s24+$0x40] =	vst v28;
	v28 =	vld.idx.msk [tilespmem:v36+s15+$0x0], $0xffff  }
0xad: {  	s29 =	sadd.s32 $0x100, s29;
	s30 =	sand.u32 $0x7800, s28;
	v36 =	vor.u32 v14, v19;
	[tilespmem:s25+$0x40] =	vst v30;
	v30 =	vld.idx.msk [tilespmem:v35+s15+$0x0], $0xffff  }
0xae: {  	s31 =	sadd.s32 $0xFFFFFF80, s29;
	s0 =	sand.u32 $0x380, s29;
	s30 =	sadd.s32 $0x16900, s30;
	v35 =	vor.u32 v0, v20;
	v20 =	vmovc v17;
	v17 =	vmov v22;
	v22 =	vmov v24;
	v33 =	vld.idx.msk [tilespmem:v33+s15+$0x0], $0xffff;
	[tilespmem:s23+$0x470] =	vst v31  }
0xaf: {  	s31 =	sand.u32 $0x300, s31;
	s0 =	sadd.s32 s0, s30;
	v24 =	vor.u32 v9, v17;
	s23 =	smov.u32 s19;
	[tilespmem:s20+$0x410] =	vst v32;
	v37 =	vld.idx.msk [tilespmem:v27+s15+$0x0], $0xffff  }
0xb0: {  	s19 =	smov.u32 s21;
	s21 =	smov.u32 s25;
	s25 =	sadd.s32 s31, s30;
	v27 =	vor.u32 v9, v18;
	[tilespmem:s0+$0x0] =	vst v23;
	v31 =	vld.idx.msk [tilespmem:v34+s15+$0x0], $0xffff  }
0xb1: {  	v23 =	vmov s26;
	[tilespmem:s25+$0x0] =	vst v25;
	v25 =	vld.idx.msk [tilespmem:v26+s15+$0x0], $0xffff;
	v26 =	vor.u32 v5, v16  }
0xb2: {  	v34 =	vor.u32 v4, v20;
	v23 =	vand.u32 $0x7E, v23;
	v32 =	vld.idx.msk [tilespmem:v36+s15+$0x0], $0xffff;
	[tilespmem:s22+$0x460] =	vst v28  }
0xb3: {  	v23 =	vbroadcast v23, $0x0;
	v28 =	vor.u32 v13, v22;
	[tilespmem:s24+$0x50] =	vst v30;
	v30 =	vld.idx.msk [tilespmem:v35+s15+$0x0], $0xffff  }
0xb4: {  	v35 =	vor.u32 v13, v19;
	[tilespmem:s21+$0x50] =	vst v33;
	v24 =	vld.idx.msk [tilespmem:v24+s15+$0x0], $0xffff  }
0xb5: {  	v33 =	vor.u32 v15, v23;
	v27 =	vld.idx.msk [tilespmem:v27+s15+$0x0], $0xffff;
	[tilespmem:s19+$0x410] =	vst v29  }
0xb6: {  	v29 =	vor.u32 v8, v17;
	v26 =	vld.idx.msk [tilespmem:v26+s15+$0x0], $0xffff;
	[tilespmem:s20+$0x420] =	vst v31  }
0xb7: {  	v31 =	vor.u32 v8, v18;
	[tilespmem:s0+$0x10] =	vst v25;
	v38 =	vld.idx.msk [tilespmem:v34+s15+$0x0], $0xffff  }
0xb8: {  	[tilespmem:s25+$0x10] =	vst v32;
	v28 =	vld.idx.msk [tilespmem:v28+s15+$0x0], $0xffff;
	v32 =	vor.u32 v4, v16  }
0xb9: {  	v40 =	vor.u32 v3, v20;
	v39 =	vld.idx.msk [tilespmem:v35+s15+$0x0], $0xffff;
	[tilespmem:s22+$0x470] =	vst v30;
	s22 =	smov.u32 s20;
	s20 =	smov.u32 s24;
	s24 =	smov.u32 s0  }
0xba: {  	v30 =	vor.u32 v12, v22;
	v25 =	vld.idx.msk [tilespmem:v33+s15+$0x0], $0xffff;
	[tilespmem:s20+$0x60] =	vst v24  }
0xbb: {  	v24 =	vor.u32 v12, v19;
	[tilespmem:s21+$0x60] =	vst v27;
	v35 =	vld.idx.msk [tilespmem:v29+s15+$0x0], $0xffff  }
.Ltmp2:
0xbc: {  	v36 =	vor.u32 v1, v21;
	v33 =	vld.idx.msk [tilespmem:v31+s15+$0x0], $0xffff;
	[tilespmem:s19+$0x420] =	vst v26;
	(pc) =	sbr.rel @p0 .LBB2_6-.Ltmp2, $4  }
0xbd: {  	v31 =	vor.u32 v7, v17;
	v34 =	vld.idx.msk [tilespmem:v32+s15+$0x0], $0xffff;
	[tilespmem:s22+$0x430] =	vst v38  }
0xbe: {  	v32 =	vor.u32 v7, v18;
	[tilespmem:s24+$0x20] =	vst v28;
	v29 =	vld.idx.msk [tilespmem:v40+s15+$0x0], $0xffff  }
0xbf: {  	v27 =	vor.u32 v3, v16;
	[tilespmem:s25+$0x20] =	vst v39;
	v28 =	vld.idx.msk [tilespmem:v30+s15+$0x0], $0xffff  }
0xc0: {  	s30 =	sadd.s32 $0x1, s26;
	s26 =	sadd.s32 $0x2, s26;
	v26 =	vor.u32 v2, v20;
	v30 =	vld.idx.msk [tilespmem:v24+s15+$0x0], $0xffff;
	[tilespmem:s23+$0x450] =	vst v37  }
0xc1: {  	v24 =	vmov s30  }
0xc2: {  	v24 =	vand.u32 $0x7F, v24  }
0xc3: {  	v24 =	vbroadcast v24, $0x0;
	_ =	sdelay $0x1  }
0xc4: {  	v37 =	vor.u32 v15, v24;
	_ =	sdelay $0x4  }
0xc5: {  	s0 =	sadd.s32 $0x200, s28;
	v39 =	vor.u32 v14, v23;
	s26 =	sadd.s32 $0x100, s29;
	v37 =	vld.idx.msk [tilespmem:v37+s15+$0x0], $0xffff  }
0xc6: {  	s0 =	sand.u32 $0x7800, s0;
	s31 =	sadd.s32 $0xFFFFFF80, s26;
	v38 =	vor.u32 v14, v24  }
0xc7: {  	s0 =	sadd.s32 $0x16900, s0;
	s28 =	sand.u32 $0x300, s31  }
0xc8: {  	s26 =	sand.u32 $0x380, s26;
	s28 =	sadd.s32 s28, s0  }
0xc9: {  	s26 =	sadd.s32 s26, s0;
	[tilespmem:s28+$0x0] =	vst v25  }
0xca: {  	v51 =	vld.idx.msk [tilespmem:v39+s15+$0x0], $0xffff;
	[tilespmem:s26+$0x0] =	vst v37  }
0xcb: {  	v53 =	vor.u32 v13, v23;
	v50 =	vld.idx.msk [tilespmem:v38+s15+$0x0], $0xffff  }
0xcc: {  	v52 =	vor.u32 v13, v24;
	_ =	sdelay $0x2  }
0xcd: {  	[tilespmem:s28+$0x10] =	vst v51  }
0xce: {  	v37 =	vld.idx.msk [tilespmem:v53+s15+$0x0], $0xffff;
	[tilespmem:s26+$0x10] =	vst v50  }
0xcf: {  	[tilespmem:s20+$0x70] =	vst v35;
	v55 =	vor.u32 v12, v23;
	v25 =	vld.idx.msk [tilespmem:v52+s15+$0x0], $0xffff  }
0xd0: {  	[tilespmem:s21+$0x70] =	vst v33;
	v54 =	vor.u32 v12, v24  }
0xd1: {  	v56 =	vor.u32 v11, v22;
	v57 =	vld.idx.msk [tilespmem:v36+s15+$0x0], $0xffff;
	[tilespmem:s19+$0x430] =	vst v34  }
0xd2: {  	v31 =	vld.idx.msk [tilespmem:v31+s15+$0x0], $0xffff;
	[tilespmem:s22+$0x440] =	vst v29  }
0xd3: {  	v32 =	vld.idx.msk [tilespmem:v32+s15+$0x0], $0xffff;
	[tilespmem:s28+$0x20] =	vst v37  }
0xd4: {  	v58 =	vor.u32 v11, v19;
	v60 =	vld.idx.msk [tilespmem:v55+s15+$0x0], $0xffff;
	[tilespmem:s26+$0x20] =	vst v25  }
0xd5: {  	v62 =	vor.u32 v11, v23;
	[tilespmem:s24+$0x30] =	vst v28;
	v59 =	vld.idx.msk [tilespmem:v54+s15+$0x0], $0xffff  }
0xd6: {  	v61 =	vor.u32 v11, v24;
	[tilespmem:s25+$0x30] =	vst v30;
	v63 =	vld.idx.msk [tilespmem:v56+s15+$0x0], $0xffff  }
0xd7: {  	v27 =	vld.idx.msk [tilespmem:v27+s15+$0x0], $0xffff;
	[tilespmem:s23+$0x460] =	vst v57;
	v37 =	vor.u32 v10, v22  }
0xd8: {  	v21 =	vor.u32 v0, v21;
	v26 =	vld.idx.msk [tilespmem:v26+s15+$0x0], $0xffff;
	[tilespmem:s20+$0x400] =	vst v31  }
0xd9: {  	v42 =	vor.u32 v6, v17;
	[tilespmem:s28+$0x30] =	vst v60;
	v25 =	vld.idx.msk [tilespmem:v58+s15+$0x0], $0xffff  }
0xda: {  	v38 =	vor.u32 v10, v19;
	v28 =	vld.idx.msk [tilespmem:v62+s15+$0x0], $0xffff;
	[tilespmem:s26+$0x30] =	vst v59  }
0xdb: {  	v41 =	vor.u32 v10, v23;
	[tilespmem:s24+$0x40] =	vst v63;
	v39 =	vld.idx.msk [tilespmem:v61+s15+$0x0], $0xffff  }
0xdc: {  	v40 =	vor.u32 v10, v24;
	[tilespmem:s21+$0x400] =	vst v32;
	v43 =	vld.idx.msk [tilespmem:v37+s15+$0x0], $0xffff  }
0xdd: {  	v45 =	vor.u32 v9, v22;
	v21 =	vld.idx.msk [tilespmem:v21+s15+$0x0], $0xffff;
	[tilespmem:s19+$0x440] =	vst v27  }
0xde: {  	v30 =	vld.idx.msk [tilespmem:v42+s15+$0x0], $0xffff;
	v52 =	vor.u32 v6, v18;
	[tilespmem:s25+$0x40] =	vst v25  }
0xdf: {  	v51 =	vor.u32 v1, v20;
	[tilespmem:s28+$0x40] =	vst v28;
	v44 =	vld.idx.msk [tilespmem:v38+s15+$0x0], $0xffff  }
0xe0: {  	v46 =	vor.u32 v9, v19;
	v48 =	vld.idx.msk [tilespmem:v41+s15+$0x0], $0xffff;
	[tilespmem:s26+$0x40] =	vst v39  }
0xe1: {  	v50 =	vor.u32 v9, v23;
	[tilespmem:s24+$0x50] =	vst v43;
	v47 =	vld.idx.msk [tilespmem:v40+s15+$0x0], $0xffff  }
0xe2: {  	v49 =	vor.u32 v9, v24;
	[tilespmem:s22+$0x450] =	vst v26;
	v53 =	vld.idx.msk [tilespmem:v45+s15+$0x0], $0xffff  }
0xe3: {  	[tilespmem:s23+$0x470] =	vst v21;
	v25 =	vld.idx.msk [tilespmem:v52+s15+$0x0], $0xffff  }
0xe4: {  	v54 =	vor.u32 v8, v22;
	v59 =	vld.idx.msk [tilespmem:v51+s15+$0x0], $0xffff;
	[tilespmem:s25+$0x50] =	vst v44  }
0xe5: {  	v52 =	vor.u32 v2, v16;
	[tilespmem:s28+$0x50] =	vst v48;
	v29 =	vld.idx.msk [tilespmem:v46+s15+$0x0], $0xffff  }
0xe6: {  	v55 =	vor.u32 v8, v19;
	v57 =	vld.idx.msk [tilespmem:v50+s15+$0x0], $0xffff;
	[tilespmem:s26+$0x50] =	vst v47  }
0xe7: {  	[tilespmem:s20+$0x410] =	vst v30;
	v60 =	vor.u32 v8, v23;
	v56 =	vld.idx.msk [tilespmem:v49+s15+$0x0], $0xffff  }
0xe8: {  	v58 =	vor.u32 v8, v24;
	[tilespmem:s24+$0x60] =	vst v53  }
0xe9: {  	v61 =	vor.u32 v5, v17;
	v63 =	vld.idx.msk [tilespmem:v54+s15+$0x0], $0xffff;
	[tilespmem:s22+$0x460] =	vst v59  }
0xea: {  	v36 =	vor.u32 v7, v22;
	v59 =	vld.idx.msk [tilespmem:v52+s15+$0x0], $0xffff;
	[tilespmem:s25+$0x60] =	vst v29  }
0xeb: {  	v62 =	vor.u32 v0, v20;
	[tilespmem:s28+$0x60] =	vst v57;
	v28 =	vld.idx.msk [tilespmem:v55+s15+$0x0], $0xffff  }
0xec: {  	v37 =	vor.u32 v7, v19;
	v39 =	vld.idx.msk [tilespmem:v60+s15+$0x0], $0xffff;
	[tilespmem:s26+$0x60] =	vst v56  }
0xed: {  	v42 =	vor.u32 v7, v23;
	[tilespmem:s21+$0x410] =	vst v25;
	v38 =	vld.idx.msk [tilespmem:v58+s15+$0x0], $0xffff  }
0xee: {  	v41 =	vld.idx.msk [tilespmem:v61+s15+$0x0], $0xffff;
	v40 =	vor.u32 v7, v24;
	[tilespmem:s24+$0x70] =	vst v63  }
0xef: {  	v43 =	vor.u32 v5, v18;
	v45 =	vld.idx.msk [tilespmem:v36+s15+$0x0], $0xffff;
	[tilespmem:s19+$0x450] =	vst v59  }
0xf0: {  	v20 =	vld.idx.msk [tilespmem:v62+s15+$0x0], $0xffff;
	v46 =	vor.u32 v6, v22;
	[tilespmem:s25+$0x70] =	vst v28  }
0xf1: {  	v44 =	vor.u32 v4, v17;
	[tilespmem:s28+$0x70] =	vst v39;
	v27 =	vld.idx.msk [tilespmem:v37+s15+$0x0], $0xffff  }
0xf2: {  	v47 =	vor.u32 v6, v19;
	v25 =	vld.idx.msk [tilespmem:v42+s15+$0x0], $0xffff;
	[tilespmem:s26+$0x70] =	vst v38  }
0xf3: {  	v51 =	vor.u32 v6, v23;
	[tilespmem:s20+$0x420] =	vst v41;
	v48 =	vld.idx.msk [tilespmem:v40+s15+$0x0], $0xffff  }
0xf4: {  	v50 =	vld.idx.msk [tilespmem:v43+s15+$0x0], $0xffff;
	v49 =	vor.u32 v6, v24;
	[tilespmem:s24+$0x400] =	vst v45  }
0xf5: {  	v53 =	vor.u32 v4, v18;
	[tilespmem:s22+$0x470] =	vst v20;
	v54 =	vld.idx.msk [tilespmem:v46+s15+$0x0], $0xffff  }
0xf6: {  	v29 =	vld.idx.msk [tilespmem:v44+s15+$0x0], $0xffff;
	v55 =	vor.u32 v5, v22;
	[tilespmem:s25+$0x400] =	vst v27  }
0xf7: {  	v62 =	vor.u32 v1, v16;
	[tilespmem:s28+$0x400] =	vst v25;
	v21 =	vld.idx.msk [tilespmem:v47+s15+$0x0], $0xffff  }
0xf8: {  	v56 =	vor.u32 v5, v19;
	v20 =	vld.idx.msk [tilespmem:v51+s15+$0x0], $0xffff;
	[tilespmem:s26+$0x400] =	vst v48  }
0xf9: {  	[tilespmem:s21+$0x420] =	vst v50;
	v60 =	vor.u32 v5, v23;
	v57 =	vld.idx.msk [tilespmem:v49+s15+$0x0], $0xffff  }
0xfa: {  	v28 =	vld.idx.msk [tilespmem:v53+s15+$0x0], $0xffff;
	v58 =	vor.u32 v5, v24;
	[tilespmem:s24+$0x410] =	vst v54  }
0xfb: {  	v61 =	vor.u32 v3, v17;
	[tilespmem:s20+$0x430] =	vst v29;
	v33 =	vld.idx.msk [tilespmem:v55+s15+$0x0], $0xffff  }
0xfc: {  	v63 =	vor.u32 v4, v22;
	v27 =	vld.idx.msk [tilespmem:v62+s15+$0x0], $0xffff;
	[tilespmem:s25+$0x410] =	vst v21  }
0xfd: {  	v16 =	vor.u32 v0, v16;
	[tilespmem:s28+$0x410] =	vst v20;
	v26 =	vld.idx.msk [tilespmem:v56+s15+$0x0], $0xffff  }
0xfe: {  	v36 =	vor.u32 v4, v19;
	v29 =	vld.idx.msk [tilespmem:v60+s15+$0x0], $0xffff;
	[tilespmem:s26+$0x410] =	vst v57  }
0xff: {  	v39 =	vor.u32 v4, v23;
	[tilespmem:s21+$0x430] =	vst v28;
	v30 =	vld.idx.msk [tilespmem:v58+s15+$0x0], $0xffff  }
0x100: {  	v37 =	vor.u32 v4, v24;
	v38 =	vld.idx.msk [tilespmem:v61+s15+$0x0], $0xffff;
	[tilespmem:s24+$0x420] =	vst v33  }
0x101: {  	v40 =	vor.u32 v3, v18;
	[tilespmem:s19+$0x460] =	vst v27;
	v21 =	vld.idx.msk [tilespmem:v63+s15+$0x0], $0xffff  }
0x102: {  	v41 =	vor.u32 v2, v17;
	v16 =	vld.idx.msk [tilespmem:v16+s15+$0x0], $0xffff;
	[tilespmem:s25+$0x420] =	vst v26  }
0x103: {  	v42 =	vor.u32 v3, v22;
	[tilespmem:s28+$0x420] =	vst v29;
	v25 =	vld.idx.msk [tilespmem:v36+s15+$0x0], $0xffff  }
0x104: {  	v43 =	vor.u32 v3, v19;
	v28 =	vld.idx.msk [tilespmem:v39+s15+$0x0], $0xffff;
	[tilespmem:s26+$0x420] =	vst v30  }
0x105: {  	v46 =	vor.u32 v3, v23;
	[tilespmem:s20+$0x440] =	vst v38;
	v20 =	vld.idx.msk [tilespmem:v37+s15+$0x0], $0xffff  }
0x106: {  	v44 =	vor.u32 v3, v24;
	v45 =	vld.idx.msk [tilespmem:v40+s15+$0x0], $0xffff;
	[tilespmem:s24+$0x430] =	vst v21  }
0x107: {  	v47 =	vld.idx.msk [tilespmem:v41+s15+$0x0], $0xffff;
	v48 =	vor.u32 v2, v18;
	[tilespmem:s19+$0x470] =	vst v16  }
0x108: {  	v53 =	vor.u32 v1, v17;
	v26 =	vld.idx.msk [tilespmem:v42+s15+$0x0], $0xffff;
	[tilespmem:s25+$0x430] =	vst v25  }
0x109: {  	v49 =	vor.u32 v2, v22;
	[tilespmem:s28+$0x430] =	vst v28;
	v30 =	vld.idx.msk [tilespmem:v43+s15+$0x0], $0xffff  }
0x10a: {  	v50 =	vor.u32 v2, v19;
	v27 =	vld.idx.msk [tilespmem:v46+s15+$0x0], $0xffff;
	[tilespmem:s26+$0x430] =	vst v20  }
0x10b: {  	v52 =	vor.u32 v2, v23;
	[tilespmem:s21+$0x440] =	vst v45;
	v29 =	vld.idx.msk [tilespmem:v44+s15+$0x0], $0xffff  }
0x10c: {  	v51 =	vor.u32 v2, v24;
	[tilespmem:s20+$0x450] =	vst v47;
	v21 =	vld.idx.msk [tilespmem:v48+s15+$0x0], $0xffff  }
0x10d: {  	v54 =	vor.u32 v1, v18;
	v57 =	vld.idx.msk [tilespmem:v53+s15+$0x0], $0xffff;
	[tilespmem:s24+$0x440] =	vst v26  }
0x10e: {  	v17 =	vor.u32 v0, v17;
	v25 =	vld.idx.msk [tilespmem:v49+s15+$0x0], $0xffff;
	[tilespmem:s25+$0x440] =	vst v30  }
0x10f: {  	v55 =	vor.u32 v1, v22;
	[tilespmem:s28+$0x440] =	vst v27;
	v20 =	vld.idx.msk [tilespmem:v50+s15+$0x0], $0xffff  }
0x110: {  	v56 =	vor.u32 v1, v19;
	v27 =	vld.idx.msk [tilespmem:v52+s15+$0x0], $0xffff;
	[tilespmem:s26+$0x440] =	vst v29  }
0x111: {  	v58 =	vor.u32 v1, v23;
	[tilespmem:s21+$0x450] =	vst v21;
	v28 =	vld.idx.msk [tilespmem:v51+s15+$0x0], $0xffff  }
0x112: {  	v16 =	vor.u32 v1, v24;
	[tilespmem:s20+$0x460] =	vst v57;
	v26 =	vld.idx.msk [tilespmem:v54+s15+$0x0], $0xffff  }
0x113: {  	v17 =	vld.idx.msk [tilespmem:v17+s15+$0x0], $0xffff;
	[tilespmem:s24+$0x450] =	vst v25  }
0x114: {  	v59 =	vor.u32 v0, v18;
	v25 =	vld.idx.msk [tilespmem:v55+s15+$0x0], $0xffff;
	[tilespmem:s25+$0x450] =	vst v20  }
0x115: {  	v60 =	vor.u32 v0, v22;
	[tilespmem:s28+$0x450] =	vst v27;
	v61 =	vld.idx.msk [tilespmem:v56+s15+$0x0], $0xffff  }
0x116: {  	v62 =	vor.u32 v0, v19;
	v21 =	vld.idx.msk [tilespmem:v58+s15+$0x0], $0xffff;
	[tilespmem:s26+$0x450] =	vst v28  }
0x117: {  	v63 =	vor.u32 v0, v23;
	[tilespmem:s21+$0x460] =	vst v26;
	v16 =	vld.idx.msk [tilespmem:v16+s15+$0x0], $0xffff  }
0x118: {  	v24 =	vor.u32 v0, v24;
	[tilespmem:s20+$0x470] =	vst v17  }
0x119: {  	v18 =	vld.idx.msk [tilespmem:v59+s15+$0x0], $0xffff;
	[tilespmem:s24+$0x460] =	vst v25  }
0x11a: {  	v20 =	vld.idx.msk [tilespmem:v60+s15+$0x0], $0xffff;
	[tilespmem:s25+$0x460] =	vst v61  }
0x11b: {  	[tilespmem:s28+$0x460] =	vst v21;
	v19 =	vld.idx.msk [tilespmem:v62+s15+$0x0], $0xffff  }
0x11c: {  	v17 =	vld.idx.msk [tilespmem:v63+s15+$0x0], $0xffff;
	[tilespmem:s26+$0x460] =	vst v16  }
0x11d: {  	v16 =	vld.idx.msk [tilespmem:v24+s15+$0x0], $0xffff  }
0x11e: {  	[tilespmem:s21+$0x470] =	vst v18  }
0x11f: {  	[tilespmem:s24+$0x470] =	vst v20  }
0x120: {  	[tilespmem:s25+$0x470] =	vst v19  }
0x121: {  	[tilespmem:s28+$0x470] =	vst v17  }
0x122: {  	s19 =	simm.s32 $0x0;
	s20 =	smov.u32 s10;
	[tilespmem:s26+$0x470] =	vst v16  }
0x123: {  	[hbm4b:s4+s19] =	stream.linear.scatter [tilespmem:s16], [sflag:$0x2], $0x8000, $0x38;
	[tilespmem:$0x1E900] =	vst v63  }
.LBB2_8:
0x124: {  	p0 =	sne.s32 s19, $0x59C00  }
.Ltmp3:
0x125: {  	_ = 	snop;
	(pc) =	sbr.rel @p0 .LBB2_8-.Ltmp3, $4  }
0x126: {  	s0 =	sshra.s32 s19, $0x2  }
0x127: {  	s0 =	sadd.s32 $0x100, s0  }
0x128: {  	[tilespmem:s0], [sflag:$0x1] =	stream.linear.gather [hbm4b:s20+s2], $0x100, $0x38;
	[tilespmem:$0x1E900] =	vst v63  }
0x129: {  	s19 =	sadd.s32 $0x400, s19;
	s20 =	sadd.s32 $0x1000, s20  }
0x12a: {  	_ =	swait.ge [sflag:s14], $0x100  }
0x12b: {  	s19 =	simm.s32 $0x167;
	[sflag:s14] =	ssyncset.done $0x0  }
.LBB2_10:
0x12c: {  	p0 =	sne.s32 s19, $0x1;
	s19 =	sadd.s32 $0xFFFFFFFF, s19;
	[sflag:s14] =	ssyncadd.s32 $0xFFFFFF00  }
.Ltmp4:
0x12d: {  	(pc) =	sbr.rel @p0 .LBB2_10-.Ltmp4, $3  }
0x12e: {  	_ =	sdelay $0x1  }
0x12f: {  	_ =	swait.ge [sflag:s14], $0x100  }
0x130: {  	[sflag:s14] =	ssyncset.done $0x0  }
0x131: {  	s0 =	simm.s32 $0x1  }
0x132: {  	v16 =	vmov s0  }
0x133: {  	v16 =	vand.u32 $0x7F, v16  }
0x134: {  	v23 =	vbroadcast v16, $0x0;
	_ =	sdelay $0x1  }
0x135: {  	s20 =	simm.s32 $0x0;
	v16 =	vor.u32 v15, v23  }
0x136: {  	[sflag:s14] =	ssyncadd.s32 $0xFFFFFF00;
	v17 =	vmov s20  }
0x137: {  	_ =	swait.ge [sflag:s17], $0x8000;
	v17 =	vand.u32 $0x7E, v17  }
0x138: {  	[sflag:s17] =	ssyncset.done $0x0;
	v21 =	vbroadcast v17, $0x0  }
0x139: {  	[sflag:s17] =	ssyncadd.s32 $0xFFFF8000  }
0x13a: {  	v17 =	vor.u32 v15, v21;
	v16 =	vld.idx.msk [tilespmem:v16+s15+$0x0], $0xffff  }
0x13b: {  	v18 =	vor.u32 v14, v23  }
0x13c: {  	s19 =	simm.s32 $0x80;
	s0 =	sand.u32 $0x7800, s20  }
0x13d: {  	s19 =	sand.u32 $0x380, s19;
	s0 =	sadd.s32 $0x16900, s0  }
0x13e: {  	s26 =	sadd.s32 s19, s0  }
0x13f: {  	v17 =	vld.idx.msk [tilespmem:v17+s15+$0x0], $0xffff;
	[tilespmem:s26+$0x0] =	vst v16  }
0x140: {  	v16 =	vor.u32 v14, v21;
	v18 =	vld.idx.msk [tilespmem:v18+s15+$0x0], $0xffff  }
0x141: {  	s21 =	simm.s32 $0x0;
	v19 =	vor.u32 v13, v23  }
0x142: {  	s19 =	sand.u32 $0x300, s21  }
0x143: {  	s23 =	sadd.s32 s19, s0  }
0x144: {  	[tilespmem:s23+$0x0] =	vst v17  }
0x145: {  	v16 =	vld.idx.msk [tilespmem:v16+s15+$0x0], $0xffff;
	[tilespmem:s26+$0x10] =	vst v18  }
0x146: {  	v17 =	vor.u32 v13, v21;
	v18 =	vld.idx.msk [tilespmem:v19+s15+$0x0], $0xffff  }
0x147: {  	v19 =	vor.u32 v12, v23;
	_ =	sdelay $0x2  }
0x148: {  	[tilespmem:s23+$0x10] =	vst v16  }
0x149: {  	s22 =	simm.s32 $0x3;
	v17 =	vld.idx.msk [tilespmem:v17+s15+$0x0], $0xffff;
	[tilespmem:s26+$0x20] =	vst v18  }
0x14a: {  	s24 =	simm.s32 $0x2;
	v16 =	vmov s22;
	v18 =	vor.u32 v12, v21;
	v19 =	vld.idx.msk [tilespmem:v19+s15+$0x0], $0xffff  }
0x14b: {  	v20 =	vmov s24;
	v22 =	vor.u32 v11, v23;
	v16 =	vand.u32 $0x7F, v16  }
0x14c: {  	v24 =	vand.u32 $0x7E, v20;
	v20 =	vbroadcast v16, $0x0  }
0x14d: {  	v16 =	vbroadcast v24, $0x0  }
0x14e: {  	[tilespmem:s23+$0x20] =	vst v17;
	v17 =	vor.u32 v15, v20  }
0x14f: {  	v24 =	vor.u32 v15, v16;
	v18 =	vld.idx.msk [tilespmem:v18+s15+$0x0], $0xffff;
	[tilespmem:s26+$0x30] =	vst v19  }
0x150: {  	v19 =	vor.u32 v11, v21;
	v22 =	vld.idx.msk [tilespmem:v22+s15+$0x0], $0xffff  }
0x151: {  	v25 =	vor.u32 v10, v23;
	_ =	sdelay $0x1  }
0x152: {  	v17 =	vld.idx.msk [tilespmem:v17+s15+$0x0], $0xffff  }
0x153: {  	s25 =	simm.s32 $0x200;
	v24 =	vld.idx.msk [tilespmem:v24+s15+$0x0], $0xffff;
	[tilespmem:s23+$0x30] =	vst v18;
	v18 =	vor.u32 v14, v20  }
0x154: {  	s31 =	simm.s32 $0x180;
	s0 =	sand.u32 $0x7800, s25;
	v19 =	vld.idx.msk [tilespmem:v19+s15+$0x0], $0xffff;
	[tilespmem:s26+$0x40] =	vst v22;
	v22 =	vor.u32 v14, v16  }
0x155: {  	s20 =	simm.s32 $0x100;
	s19 =	sand.u32 $0x380, s31;
	v26 =	vor.u32 v10, v21;
	s0 =	sadd.s32 $0x16900, s0;
	v25 =	vld.idx.msk [tilespmem:v25+s15+$0x0], $0xffff  }
0x156: {  	s20 =	sand.u32 $0x300, s20;
	v27 =	vor.u32 v9, v23;
	s22 =	sadd.s32 s19, s0  }
0x157: {  	s19 =	sadd.s32 s20, s0;
	[tilespmem:s22+$0x0] =	vst v17  }
0x158: {  	[tilespmem:s19+$0x0] =	vst v24;
	v17 =	vld.idx.msk [tilespmem:v18+s15+$0x0], $0xffff  }
0x159: {  	[tilespmem:s23+$0x40] =	vst v19;
	v19 =	vor.u32 v13, v20;
	v18 =	vld.idx.msk [tilespmem:v22+s15+$0x0], $0xffff  }
0x15a: {  	v24 =	vor.u32 v13, v16;
	v22 =	vld.idx.msk [tilespmem:v26+s15+$0x0], $0xffff;
	[tilespmem:s26+$0x50] =	vst v25  }
0x15b: {  	v25 =	vor.u32 v9, v21;
	v26 =	vld.idx.msk [tilespmem:v27+s15+$0x0], $0xffff  }
0x15c: {  	v27 =	vor.u32 v8, v23  }
0x15d: {  	[tilespmem:s22+$0x10] =	vst v17  }
0x15e: {  	v17 =	vld.idx.msk [tilespmem:v19+s15+$0x0], $0xffff;
	[tilespmem:s19+$0x10] =	vst v18  }
0x15f: {  	v19 =	vor.u32 v12, v20;
	[tilespmem:s23+$0x50] =	vst v22;
	v18 =	vld.idx.msk [tilespmem:v24+s15+$0x0], $0xffff  }
0x160: {  	v22 =	vld.idx.msk [tilespmem:v25+s15+$0x0], $0xffff;
	v24 =	vor.u32 v12, v16;
	[tilespmem:s26+$0x60] =	vst v26  }
0x161: {  	v25 =	vor.u32 v8, v21;
	v26 =	vld.idx.msk [tilespmem:v27+s15+$0x0], $0xffff  }
0x162: {  	v27 =	vor.u32 v7, v23  }
0x163: {  	[tilespmem:s22+$0x20] =	vst v17  }
0x164: {  	s21 =	simm.s32 $0x5;
	v19 =	vld.idx.msk [tilespmem:v19+s15+$0x0], $0xffff;
	[tilespmem:s19+$0x20] =	vst v18  }
0x165: {  	s24 =	simm.s32 $0x4;
	v17 =	vmov s21;
	[tilespmem:s23+$0x60] =	vst v22;
	v22 =	vld.idx.msk [tilespmem:v24+s15+$0x0], $0xffff;
	v24 =	vor.u32 v11, v20  }
0x166: {  	v17 =	vand.u32 $0x7F, v17;
	v18 =	vmov s24;
	v25 =	vld.idx.msk [tilespmem:v25+s15+$0x0], $0xffff;
	[tilespmem:s26+$0x70] =	vst v26;
	v26 =	vor.u32 v11, v16  }
0x167: {  	v28 =	vor.u32 v7, v21;
	v17 =	vbroadcast v17, $0x0;
	v18 =	vand.u32 $0x7E, v18;
	v27 =	vld.idx.msk [tilespmem:v27+s15+$0x0], $0xffff  }
0x168: {  	v29 =	vor.u32 v6, v23;
	v18 =	vbroadcast v18, $0x0  }
0x169: {  	v30 =	vor.u32 v15, v17;
	[tilespmem:s22+$0x30] =	vst v19  }
0x16a: {  	v19 =	vor.u32 v15, v18;
	[tilespmem:s19+$0x30] =	vst v22;
	v22 =	vld.idx.msk [tilespmem:v24+s15+$0x0], $0xffff  }
0x16b: {  	[tilespmem:s23+$0x70] =	vst v25;
	v25 =	vor.u32 v10, v20;
	v24 =	vld.idx.msk [tilespmem:v26+s15+$0x0], $0xffff  }
0x16c: {  	v26 =	vld.idx.msk [tilespmem:v28+s15+$0x0], $0xffff;
	[tilespmem:s26+$0x400] =	vst v27;
	v27 =	vor.u32 v10, v16  }
0x16d: {  	v28 =	vor.u32 v6, v21;
	v29 =	vld.idx.msk [tilespmem:v29+s15+$0x0], $0xffff  }
0x16e: {  	v31 =	vor.u32 v5, v23;
	v30 =	vld.idx.msk [tilespmem:v30+s15+$0x0], $0xffff  }
0x16f: {  	s25 =	simm.s32 $0x400;
	v32 =	vor.u32 v14, v17;
	v19 =	vld.idx.msk [tilespmem:v19+s15+$0x0], $0xffff;
	[tilespmem:s22+$0x40] =	vst v22  }
0x170: {  	s31 =	simm.s32 $0x280;
	s0 =	sand.u32 $0x7800, s25;
	v22 =	vor.u32 v14, v18;
	[tilespmem:s19+$0x40] =	vst v24;
	v24 =	vld.idx.msk [tilespmem:v25+s15+$0x0], $0xffff  }
0x171: {  	s20 =	sand.u32 $0x380, s31;
	s0 =	sadd.s32 $0x16900, s0;
	s21 =	simm.s32 $0x200;
	[tilespmem:s23+$0x400] =	vst v26;
	v26 =	vor.u32 v9, v20;
	v25 =	vld.idx.msk [tilespmem:v27+s15+$0x0], $0xffff  }
0x172: {  	s20 =	sadd.s32 s20, s0;
	s21 =	sand.u32 $0x300, s21;
	s24 =	simm.s32 $0x6;
	v27 =	vld.idx.msk [tilespmem:v28+s15+$0x0], $0xffff;
	v28 =	vor.u32 v9, v16;
	[tilespmem:s26+$0x410] =	vst v29  }
0x173: {  	s21 =	sadd.s32 s21, s0;
	[tilespmem:s20+$0x0] =	vst v30;
	v30 =	vmov s24;
	v29 =	vld.idx.msk [tilespmem:v31+s15+$0x0], $0xffff;
	v31 =	vor.u32 v5, v21  }
0x174: {  	v32 =	vld.idx.msk [tilespmem:v32+s15+$0x0], $0xffff;
	[tilespmem:s21+$0x0] =	vst v19;
	v19 =	vand.u32 $0x7E, v30;
	v30 =	vor.u32 v4, v23  }
0x175: {  	v33 =	vor.u32 v13, v17;
	v19 =	vbroadcast v19, $0x0;
	v22 =	vld.idx.msk [tilespmem:v22+s15+$0x0], $0xffff;
	[tilespmem:s22+$0x50] =	vst v24  }
0x176: {  	v24 =	vor.u32 v13, v18;
	[tilespmem:s19+$0x50] =	vst v25;
	v25 =	vld.idx.msk [tilespmem:v26+s15+$0x0], $0xffff  }
0x177: {  	v26 =	vor.u32 v15, v19;
	[tilespmem:s23+$0x410] =	vst v27;
	v28 =	vld.idx.msk [tilespmem:v28+s15+$0x0], $0xffff  }
0x178: {  	v27 =	vor.u32 v8, v20;
	v31 =	vld.idx.msk [tilespmem:v31+s15+$0x0], $0xffff;
	[tilespmem:s26+$0x420] =	vst v29  }
0x179: {  	[tilespmem:s20+$0x10] =	vst v32;
	v29 =	vor.u32 v8, v16;
	v30 =	vld.idx.msk [tilespmem:v30+s15+$0x0], $0xffff  }
0x17a: {  	v46 =	vor.u32 v4, v21;
	[tilespmem:s21+$0x10] =	vst v22;
	v22 =	vld.idx.msk [tilespmem:v33+s15+$0x0], $0xffff  }
0x17b: {  	v47 =	vor.u32 v3, v23;
	v24 =	vld.idx.msk [tilespmem:v24+s15+$0x0], $0xffff  }
0x17c: {  	v34 =	vor.u32 v12, v17;
	v26 =	vld.idx.msk [tilespmem:v26+s15+$0x0], $0xffff;
	[tilespmem:s22+$0x60] =	vst v25  }
0x17d: {  	v25 =	vor.u32 v12, v18;
	[tilespmem:s19+$0x60] =	vst v28;
	v27 =	vld.idx.msk [tilespmem:v27+s15+$0x0], $0xffff  }
0x17e: {  	s28 =	simm.s32 $0x600;
	s31 =	simm.s32 $0x300;
	v56 =	vor.u32 v14, v19;
	v28 =	vld.idx.msk [tilespmem:v29+s15+$0x0], $0xffff;
	[tilespmem:s23+$0x420] =	vst v31  }
0x17f: {  	s29 =	simm.s32 $0x380;
	s25 =	sand.u32 $0x7800, s28;
	s30 =	sand.u32 $0x300, s31;
	v29 =	vor.u32 v7, v20;
	v31 =	vld.idx.msk [tilespmem:v46+s15+$0x0], $0xffff;
	[tilespmem:s26+$0x430] =	vst v30  }
0x180: {  	s0 =	sadd.s32 $0x16900, s25;
	s25 =	sand.u32 $0x380, s29;
	s24 =	simm.s32 $0x7;
	v30 =	vor.u32 v7, v16;
	[tilespmem:s20+$0x20] =	vst v22;
	v48 =	vld.idx.msk [tilespmem:v47+s15+$0x0], $0xffff  }
0x181: {  	v49 =	vor.u32 v3, v21;
	v22 =	vmov s24;
	s24 =	sadd.s32 s25, s0;
	s25 =	sadd.s32 s30, s0;
	[tilespmem:s21+$0x20] =	vst v24;
	v24 =	vld.idx.msk [tilespmem:v34+s15+$0x0], $0xffff  }
0x182: {  	v50 =	vor.u32 v2, v23;
	v25 =	vld.idx.msk [tilespmem:v25+s15+$0x0], $0xffff;
	[tilespmem:s25+$0x0] =	vst v26  }
0x183: {  	v35 =	vor.u32 v11, v17;
	v22 =	vand.u32 $0x7F, v22;
	[tilespmem:s22+$0x70] =	vst v27;
	v58 =	vld.idx.msk [tilespmem:v56+s15+$0x0], $0xffff  }
0x184: {  	v22 =	vbroadcast v22, $0x0;
	v27 =	vor.u32 v11, v18;
	[tilespmem:s19+$0x70] =	vst v28;
	v28 =	vld.idx.msk [tilespmem:v29+s15+$0x0], $0xffff  }
0x185: {  	v29 =	vld.idx.msk [tilespmem:v30+s15+$0x0], $0xffff;
	[tilespmem:s23+$0x430] =	vst v31;
	v30 =	vor.u32 v6, v20  }
0x186: {  	v51 =	vor.u32 v15, v22;
	v31 =	vld.idx.msk [tilespmem:v49+s15+$0x0], $0xffff;
	[tilespmem:s26+$0x440] =	vst v48  }
0x187: {  	v52 =	vor.u32 v6, v16;
	[tilespmem:s20+$0x30] =	vst v24;
	v24 =	vld.idx.msk [tilespmem:v50+s15+$0x0], $0xffff  }
0x188: {  	v53 =	vor.u32 v1, v23;
	[tilespmem:s21+$0x30] =	vst v25;
	v25 =	vld.idx.msk [tilespmem:v35+s15+$0x0], $0xffff  }
0x189: {  	v54 =	vor.u32 v10, v17;
	v27 =	vld.idx.msk [tilespmem:v27+s15+$0x0], $0xffff;
	[tilespmem:s22+$0x400] =	vst v28  }
0x18a: {  	v55 =	vor.u32 v2, v21;
	v30 =	vld.idx.msk [tilespmem:v30+s15+$0x0], $0xffff;
	[tilespmem:s19+$0x400] =	vst v29  }
0x18b: {  	v28 =	vor.u32 v10, v18;
	v29 =	vld.idx.msk [tilespmem:v51+s15+$0x0], $0xffff;
	[tilespmem:s23+$0x440] =	vst v31  }
0x18c: {  	v36 =	vor.u32 v5, v20;
	v33 =	vld.idx.msk [tilespmem:v52+s15+$0x0], $0xffff;
	[tilespmem:s26+$0x450] =	vst v24  }
0x18d: {  	v24 =	vor.u32 v14, v22;
	[tilespmem:s20+$0x40] =	vst v25;
	v25 =	vld.idx.msk [tilespmem:v53+s15+$0x0], $0xffff  }
0x18e: {  	v31 =	vor.u32 v0, v23;
	[tilespmem:s21+$0x40] =	vst v27;
	v27 =	vld.idx.msk [tilespmem:v54+s15+$0x0], $0xffff  }
0x18f: {  	v26 =	vor.u32 v5, v16;
	v37 =	vld.idx.msk [tilespmem:v55+s15+$0x0], $0xffff;
	[tilespmem:s22+$0x410] =	vst v30  }
0x190: {  	s31 =	simm.s32 $0x8;
	v57 =	vor.u32 v9, v17;
	v28 =	vld.idx.msk [tilespmem:v28+s15+$0x0], $0xffff;
	[tilespmem:s24+$0x0] =	vst v29  }
0x191: {  	v23 =	vmov s31;
	v29 =	vor.u32 v9, v18;
	v30 =	vld.idx.msk [tilespmem:v36+s15+$0x0], $0xffff;
	[tilespmem:s19+$0x410] =	vst v33  }
0x192: {  	v59 =	vor.u32 v4, v20;
	v23 =	vand.u32 $0x7E, v23;
	v24 =	vld.idx.msk [tilespmem:v24+s15+$0x0], $0xffff;
	[tilespmem:s26+$0x460] =	vst v25  }
0x193: {  	v23 =	vbroadcast v23, $0x0;
	[tilespmem:s20+$0x50] =	vst v27;
	v27 =	vld.idx.msk [tilespmem:v31+s15+$0x0], $0xffff;
	v31 =	vor.u32 v13, v19  }
0x194: {  	[tilespmem:s25+$0x10] =	vst v58;
	v26 =	vld.idx.msk [tilespmem:v26+s15+$0x0], $0xffff;
	v25 =	vor.u32 v13, v22  }
0x195: {  	v60 =	vor.u32 v15, v23;
	[tilespmem:s21+$0x50] =	vst v28;
	v28 =	vld.idx.msk [tilespmem:v57+s15+$0x0], $0xffff  }
0x196: {  	v61 =	vor.u32 v8, v17;
	v29 =	vld.idx.msk [tilespmem:v29+s15+$0x0], $0xffff;
	[tilespmem:s22+$0x420] =	vst v30  }
0x197: {  	[tilespmem:s24+$0x10] =	vst v24;
	v24 =	vor.u32 v8, v18;
	v30 =	vld.idx.msk [tilespmem:v59+s15+$0x0], $0xffff  }
0x198: {  	v38 =	vld.idx.msk [tilespmem:v31+s15+$0x0], $0xffff;
	v31 =	vor.u32 v3, v20  }
0x199: {  	v63 =	vor.u32 v4, v16;
	v62 =	vld.idx.msk [tilespmem:v25+s15+$0x0], $0xffff;
	[tilespmem:s26+$0x470] =	vst v27  }
0x19a: {  	v25 =	vld.idx.msk [tilespmem:v60+s15+$0x0], $0xffff;
	v27 =	vor.u32 v12, v22;
	[tilespmem:s20+$0x60] =	vst v28  }
0x19b: {  	v39 =	vor.u32 v12, v19;
	[tilespmem:s21+$0x60] =	vst v29;
	v35 =	vld.idx.msk [tilespmem:v61+s15+$0x0], $0xffff  }
0x19c: {  	v36 =	vor.u32 v1, v21;
	v33 =	vld.idx.msk [tilespmem:v24+s15+$0x0], $0xffff;
	[tilespmem:s22+$0x430] =	vst v30  }
0x19d: {  	[tilespmem:s19+$0x420] =	vst v26;
	v29 =	vld.idx.msk [tilespmem:v31+s15+$0x0], $0xffff;
	v31 =	vor.u32 v7, v17  }
0x19e: {  	v32 =	vor.u32 v7, v18;
	v34 =	vld.idx.msk [tilespmem:v63+s15+$0x0], $0xffff;
	[tilespmem:s24+$0x20] =	vst v62  }
0x19f: {  	[tilespmem:s25+$0x20] =	vst v38;
	v28 =	vld.idx.msk [tilespmem:v27+s15+$0x0], $0xffff;
	v27 =	vor.u32 v3, v16  }
0x1a0: {  	s30 =	simm.s32 $0x9;
	[tilespmem:s23+$0x450] =	vst v37;
	v26 =	vor.u32 v2, v20;
	s26 =	simm.s32 $0xA;
	v30 =	vld.idx.msk [tilespmem:v39+s15+$0x0], $0xffff  }
.LBB2_12:
0x1a1: {  	p0 =	slt.u32 s26, $0x7E;
	v24 =	vmov s30;
	v37 =	vor.u32 v11, v22;
	[tilespmem:s20+$0x70] =	vst v35;
	v35 =	vld.idx.msk [tilespmem:v36+s15+$0x0], $0xffff  }
0x1a2: {  	v36 =	vor.u32 v11, v19;
	v24 =	vand.u32 $0x7F, v24;
	[tilespmem:s21+$0x70] =	vst v33;
	v31 =	vld.idx.msk [tilespmem:v31+s15+$0x0], $0xffff  }
0x1a3: {  	v33 =	vor.u32 v0, v21;
	v21 =	vmovc v16;
	v16 =	vmov v18;
	v24 =	vbroadcast v24, $0x0;
	v32 =	vld.idx.msk [tilespmem:v32+s15+$0x0], $0xffff;
	[tilespmem:s19+$0x430] =	vst v34  }
0x1a4: {  	v18 =	vmov v19;
	v19 =	vmov v23;
	v34 =	vor.u32 v6, v17;
	v27 =	vld.idx.msk [tilespmem:v27+s15+$0x0], $0xffff;
	[tilespmem:s22+$0x440] =	vst v29  }
0x1a5: {  	v23 =	vor.u32 v15, v24;
	[tilespmem:s24+$0x30] =	vst v28;
	v26 =	vld.idx.msk [tilespmem:v26+s15+$0x0], $0xffff  }
0x1a6: {  	v29 =	vor.u32 v6, v16;
	[tilespmem:s25+$0x30] =	vst v30;
	v28 =	vld.idx.msk [tilespmem:v37+s15+$0x0], $0xffff  }
0x1a7: {  	v30 =	vld.idx.msk [tilespmem:v36+s15+$0x0], $0xffff;
	v36 =	vor.u32 v1, v20;
	[tilespmem:s23+$0x460] =	vst v35  }
0x1a8: {  	v35 =	vor.u32 v10, v22;
	[tilespmem:s20+$0x400] =	vst v31;
	v31 =	vld.idx.msk [tilespmem:v33+s15+$0x0], $0xffff  }
0x1a9: {  	v33 =	vor.u32 v10, v18;
	[tilespmem:s21+$0x400] =	vst v32;
	v32 =	vld.idx.msk [tilespmem:v34+s15+$0x0], $0xffff  }
0x1aa: {  	v23 =	vld.idx.msk [tilespmem:v23+s15+$0x0], $0xffff;
	[tilespmem:s19+$0x440] =	vst v27;
	v27 =	vor.u32 v2, v21  }
0x1ab: {  	v34 =	vor.u32 v5, v17;
	v29 =	vld.idx.msk [tilespmem:v29+s15+$0x0], $0xffff;
	[tilespmem:s22+$0x450] =	vst v26  }
0x1ac: {  	s28 =	sadd.s32 $0x200, s28;
	v26 =	vor.u32 v14, v24;
	[tilespmem:s24+$0x40] =	vst v28;
	v28 =	vld.idx.msk [tilespmem:v36+s15+$0x0], $0xffff  }
0x1ad: {  	s29 =	sadd.s32 $0x100, s29;
	s0 =	sand.u32 $0x7800, s28;
	v36 =	vor.u32 v14, v19;
	[tilespmem:s25+$0x40] =	vst v30;
	v30 =	vld.idx.msk [tilespmem:v35+s15+$0x0], $0xffff  }
0x1ae: {  	s30 =	sadd.s32 $0xFFFFFF80, s29;
	s31 =	sand.u32 $0x380, s29;
	s0 =	sadd.s32 $0x16900, s0;
	v35 =	vor.u32 v0, v20;
	v20 =	vmovc v17;
	v17 =	vmov v22;
	v22 =	vmov v24;
	v33 =	vld.idx.msk [tilespmem:v33+s15+$0x0], $0xffff;
	[tilespmem:s23+$0x470] =	vst v31  }
0x1af: {  	s30 =	sand.u32 $0x300, s30;
	s31 =	sadd.s32 s31, s0;
	v24 =	vor.u32 v9, v17;
	s23 =	smov.u32 s19;
	[tilespmem:s20+$0x410] =	vst v32;
	v37 =	vld.idx.msk [tilespmem:v27+s15+$0x0], $0xffff  }
0x1b0: {  	s19 =	smov.u32 s21;
	s21 =	smov.u32 s25;
	s25 =	sadd.s32 s30, s0;
	v27 =	vor.u32 v9, v18;
	[tilespmem:s31+$0x0] =	vst v23;
	v31 =	vld.idx.msk [tilespmem:v34+s15+$0x0], $0xffff  }
0x1b1: {  	v23 =	vmov s26;
	[tilespmem:s25+$0x0] =	vst v25;
	v25 =	vld.idx.msk [tilespmem:v26+s15+$0x0], $0xffff;
	v26 =	vor.u32 v5, v16  }
0x1b2: {  	v34 =	vor.u32 v4, v20;
	v23 =	vand.u32 $0x7E, v23;
	v32 =	vld.idx.msk [tilespmem:v36+s15+$0x0], $0xffff;
	[tilespmem:s22+$0x460] =	vst v28  }
0x1b3: {  	v23 =	vbroadcast v23, $0x0;
	v28 =	vor.u32 v13, v22;
	[tilespmem:s24+$0x50] =	vst v30;
	v30 =	vld.idx.msk [tilespmem:v35+s15+$0x0], $0xffff  }
0x1b4: {  	v35 =	vor.u32 v13, v19;
	[tilespmem:s21+$0x50] =	vst v33;
	v24 =	vld.idx.msk [tilespmem:v24+s15+$0x0], $0xffff  }
0x1b5: {  	v33 =	vor.u32 v15, v23;
	v27 =	vld.idx.msk [tilespmem:v27+s15+$0x0], $0xffff;
	[tilespmem:s19+$0x410] =	vst v29  }
0x1b6: {  	v29 =	vor.u32 v8, v17;
	v26 =	vld.idx.msk [tilespmem:v26+s15+$0x0], $0xffff;
	[tilespmem:s20+$0x420] =	vst v31  }
0x1b7: {  	v31 =	vor.u32 v8, v18;
	[tilespmem:s31+$0x10] =	vst v25;
	v38 =	vld.idx.msk [tilespmem:v34+s15+$0x0], $0xffff  }
0x1b8: {  	[tilespmem:s25+$0x10] =	vst v32;
	v28 =	vld.idx.msk [tilespmem:v28+s15+$0x0], $0xffff;
	v32 =	vor.u32 v4, v16  }
0x1b9: {  	v40 =	vor.u32 v3, v20;
	v39 =	vld.idx.msk [tilespmem:v35+s15+$0x0], $0xffff;
	[tilespmem:s22+$0x470] =	vst v30;
	s22 =	smov.u32 s20;
	s20 =	smov.u32 s24;
	s24 =	smov.u32 s31  }
0x1ba: {  	v30 =	vor.u32 v12, v22;
	v25 =	vld.idx.msk [tilespmem:v33+s15+$0x0], $0xffff;
	[tilespmem:s20+$0x60] =	vst v24  }
0x1bb: {  	v24 =	vor.u32 v12, v19;
	[tilespmem:s21+$0x60] =	vst v27;
	v35 =	vld.idx.msk [tilespmem:v29+s15+$0x0], $0xffff  }
.Ltmp5:
0x1bc: {  	v36 =	vor.u32 v1, v21;
	v33 =	vld.idx.msk [tilespmem:v31+s15+$0x0], $0xffff;
	[tilespmem:s19+$0x420] =	vst v26;
	(pc) =	sbr.rel @p0 .LBB2_12-.Ltmp5, $4  }
0x1bd: {  	v31 =	vor.u32 v7, v17;
	v34 =	vld.idx.msk [tilespmem:v32+s15+$0x0], $0xffff;
	[tilespmem:s22+$0x430] =	vst v38  }
0x1be: {  	v32 =	vor.u32 v7, v18;
	[tilespmem:s24+$0x20] =	vst v28;
	v29 =	vld.idx.msk [tilespmem:v40+s15+$0x0], $0xffff  }
0x1bf: {  	v27 =	vor.u32 v3, v16;
	[tilespmem:s25+$0x20] =	vst v39;
	v28 =	vld.idx.msk [tilespmem:v30+s15+$0x0], $0xffff  }
0x1c0: {  	s30 =	sadd.s32 $0x1, s26;
	s26 =	sadd.s32 $0x2, s26;
	v26 =	vor.u32 v2, v20;
	v30 =	vld.idx.msk [tilespmem:v24+s15+$0x0], $0xffff;
	[tilespmem:s23+$0x450] =	vst v37  }
0x1c1: {  	v24 =	vmov s30  }
0x1c2: {  	v24 =	vand.u32 $0x7F, v24  }
0x1c3: {  	v24 =	vbroadcast v24, $0x0;
	_ =	sdelay $0x1  }
0x1c4: {  	v37 =	vor.u32 v15, v24;
	_ =	sdelay $0x4  }
0x1c5: {  	s0 =	sadd.s32 $0x200, s28;
	v39 =	vor.u32 v14, v23;
	s26 =	sadd.s32 $0x100, s29;
	v37 =	vld.idx.msk [tilespmem:v37+s15+$0x0], $0xffff  }
0x1c6: {  	s0 =	sand.u32 $0x7800, s0;
	s31 =	sadd.s32 $0xFFFFFF80, s26;
	v38 =	vor.u32 v14, v24  }
0x1c7: {  	s0 =	sadd.s32 $0x16900, s0;
	s28 =	sand.u32 $0x300, s31  }
0x1c8: {  	s26 =	sand.u32 $0x380, s26;
	s28 =	sadd.s32 s28, s0  }
0x1c9: {  	s26 =	sadd.s32 s26, s0;
	[tilespmem:s28+$0x0] =	vst v25  }
0x1ca: {  	v51 =	vld.idx.msk [tilespmem:v39+s15+$0x0], $0xffff;
	[tilespmem:s26+$0x0] =	vst v37  }
0x1cb: {  	v53 =	vor.u32 v13, v23;
	v50 =	vld.idx.msk [tilespmem:v38+s15+$0x0], $0xffff  }
0x1cc: {  	v52 =	vor.u32 v13, v24;
	_ =	sdelay $0x2  }
0x1cd: {  	[tilespmem:s28+$0x10] =	vst v51  }
0x1ce: {  	v37 =	vld.idx.msk [tilespmem:v53+s15+$0x0], $0xffff;
	[tilespmem:s26+$0x10] =	vst v50  }
0x1cf: {  	[tilespmem:s20+$0x70] =	vst v35;
	v55 =	vor.u32 v12, v23;
	v25 =	vld.idx.msk [tilespmem:v52+s15+$0x0], $0xffff  }
0x1d0: {  	[tilespmem:s21+$0x70] =	vst v33;
	v54 =	vor.u32 v12, v24  }
0x1d1: {  	v56 =	vor.u32 v11, v22;
	v57 =	vld.idx.msk [tilespmem:v36+s15+$0x0], $0xffff;
	[tilespmem:s19+$0x430] =	vst v34  }
0x1d2: {  	v31 =	vld.idx.msk [tilespmem:v31+s15+$0x0], $0xffff;
	[tilespmem:s22+$0x440] =	vst v29  }
0x1d3: {  	v32 =	vld.idx.msk [tilespmem:v32+s15+$0x0], $0xffff;
	[tilespmem:s28+$0x20] =	vst v37  }
0x1d4: {  	v58 =	vor.u32 v11, v19;
	v60 =	vld.idx.msk [tilespmem:v55+s15+$0x0], $0xffff;
	[tilespmem:s26+$0x20] =	vst v25  }
0x1d5: {  	v62 =	vor.u32 v11, v23;
	[tilespmem:s24+$0x30] =	vst v28;
	v59 =	vld.idx.msk [tilespmem:v54+s15+$0x0], $0xffff  }
0x1d6: {  	v61 =	vor.u32 v11, v24;
	[tilespmem:s25+$0x30] =	vst v30;
	v63 =	vld.idx.msk [tilespmem:v56+s15+$0x0], $0xffff  }
0x1d7: {  	v27 =	vld.idx.msk [tilespmem:v27+s15+$0x0], $0xffff;
	[tilespmem:s23+$0x460] =	vst v57;
	v37 =	vor.u32 v10, v22  }
0x1d8: {  	v21 =	vor.u32 v0, v21;
	v26 =	vld.idx.msk [tilespmem:v26+s15+$0x0], $0xffff;
	[tilespmem:s20+$0x400] =	vst v31  }
0x1d9: {  	v42 =	vor.u32 v6, v17;
	[tilespmem:s28+$0x30] =	vst v60;
	v25 =	vld.idx.msk [tilespmem:v58+s15+$0x0], $0xffff  }
0x1da: {  	v38 =	vor.u32 v10, v19;
	v28 =	vld.idx.msk [tilespmem:v62+s15+$0x0], $0xffff;
	[tilespmem:s26+$0x30] =	vst v59  }
0x1db: {  	v41 =	vor.u32 v10, v23;
	[tilespmem:s24+$0x40] =	vst v63;
	v39 =	vld.idx.msk [tilespmem:v61+s15+$0x0], $0xffff  }
0x1dc: {  	v40 =	vor.u32 v10, v24;
	[tilespmem:s21+$0x400] =	vst v32;
	v43 =	vld.idx.msk [tilespmem:v37+s15+$0x0], $0xffff  }
0x1dd: {  	v45 =	vor.u32 v9, v22;
	v21 =	vld.idx.msk [tilespmem:v21+s15+$0x0], $0xffff;
	[tilespmem:s19+$0x440] =	vst v27  }
0x1de: {  	v30 =	vld.idx.msk [tilespmem:v42+s15+$0x0], $0xffff;
	v52 =	vor.u32 v6, v18;
	[tilespmem:s25+$0x40] =	vst v25  }
0x1df: {  	v51 =	vor.u32 v1, v20;
	[tilespmem:s28+$0x40] =	vst v28;
	v44 =	vld.idx.msk [tilespmem:v38+s15+$0x0], $0xffff  }
0x1e0: {  	v46 =	vor.u32 v9, v19;
	v48 =	vld.idx.msk [tilespmem:v41+s15+$0x0], $0xffff;
	[tilespmem:s26+$0x40] =	vst v39  }
0x1e1: {  	v50 =	vor.u32 v9, v23;
	[tilespmem:s24+$0x50] =	vst v43;
	v47 =	vld.idx.msk [tilespmem:v40+s15+$0x0], $0xffff  }
0x1e2: {  	v49 =	vor.u32 v9, v24;
	[tilespmem:s22+$0x450] =	vst v26;
	v53 =	vld.idx.msk [tilespmem:v45+s15+$0x0], $0xffff  }
0x1e3: {  	[tilespmem:s23+$0x470] =	vst v21;
	v25 =	vld.idx.msk [tilespmem:v52+s15+$0x0], $0xffff  }
0x1e4: {  	v54 =	vor.u32 v8, v22;
	v59 =	vld.idx.msk [tilespmem:v51+s15+$0x0], $0xffff;
	[tilespmem:s25+$0x50] =	vst v44  }
0x1e5: {  	v52 =	vor.u32 v2, v16;
	[tilespmem:s28+$0x50] =	vst v48;
	v29 =	vld.idx.msk [tilespmem:v46+s15+$0x0], $0xffff  }
0x1e6: {  	v55 =	vor.u32 v8, v19;
	v57 =	vld.idx.msk [tilespmem:v50+s15+$0x0], $0xffff;
	[tilespmem:s26+$0x50] =	vst v47  }
0x1e7: {  	[tilespmem:s20+$0x410] =	vst v30;
	v60 =	vor.u32 v8, v23;
	v56 =	vld.idx.msk [tilespmem:v49+s15+$0x0], $0xffff  }
0x1e8: {  	v58 =	vor.u32 v8, v24;
	[tilespmem:s24+$0x60] =	vst v53  }
0x1e9: {  	v61 =	vor.u32 v5, v17;
	v63 =	vld.idx.msk [tilespmem:v54+s15+$0x0], $0xffff;
	[tilespmem:s22+$0x460] =	vst v59  }
0x1ea: {  	v36 =	vor.u32 v7, v22;
	v59 =	vld.idx.msk [tilespmem:v52+s15+$0x0], $0xffff;
	[tilespmem:s25+$0x60] =	vst v29  }
0x1eb: {  	v62 =	vor.u32 v0, v20;
	[tilespmem:s28+$0x60] =	vst v57;
	v28 =	vld.idx.msk [tilespmem:v55+s15+$0x0], $0xffff  }
0x1ec: {  	v37 =	vor.u32 v7, v19;
	v39 =	vld.idx.msk [tilespmem:v60+s15+$0x0], $0xffff;
	[tilespmem:s26+$0x60] =	vst v56  }
0x1ed: {  	v42 =	vor.u32 v7, v23;
	[tilespmem:s21+$0x410] =	vst v25;
	v38 =	vld.idx.msk [tilespmem:v58+s15+$0x0], $0xffff  }
0x1ee: {  	v41 =	vld.idx.msk [tilespmem:v61+s15+$0x0], $0xffff;
	v40 =	vor.u32 v7, v24;
	[tilespmem:s24+$0x70] =	vst v63  }
0x1ef: {  	v43 =	vor.u32 v5, v18;
	v45 =	vld.idx.msk [tilespmem:v36+s15+$0x0], $0xffff;
	[tilespmem:s19+$0x450] =	vst v59  }
0x1f0: {  	v20 =	vld.idx.msk [tilespmem:v62+s15+$0x0], $0xffff;
	v46 =	vor.u32 v6, v22;
	[tilespmem:s25+$0x70] =	vst v28  }
0x1f1: {  	v44 =	vor.u32 v4, v17;
	[tilespmem:s28+$0x70] =	vst v39;
	v27 =	vld.idx.msk [tilespmem:v37+s15+$0x0], $0xffff  }
0x1f2: {  	v47 =	vor.u32 v6, v19;
	v25 =	vld.idx.msk [tilespmem:v42+s15+$0x0], $0xffff;
	[tilespmem:s26+$0x70] =	vst v38  }
0x1f3: {  	v51 =	vor.u32 v6, v23;
	[tilespmem:s20+$0x420] =	vst v41;
	v48 =	vld.idx.msk [tilespmem:v40+s15+$0x0], $0xffff  }
0x1f4: {  	v50 =	vld.idx.msk [tilespmem:v43+s15+$0x0], $0xffff;
	v49 =	vor.u32 v6, v24;
	[tilespmem:s24+$0x400] =	vst v45  }
0x1f5: {  	v53 =	vor.u32 v4, v18;
	[tilespmem:s22+$0x470] =	vst v20;
	v54 =	vld.idx.msk [tilespmem:v46+s15+$0x0], $0xffff  }
0x1f6: {  	v29 =	vld.idx.msk [tilespmem:v44+s15+$0x0], $0xffff;
	v55 =	vor.u32 v5, v22;
	[tilespmem:s25+$0x400] =	vst v27  }
0x1f7: {  	v62 =	vor.u32 v1, v16;
	[tilespmem:s28+$0x400] =	vst v25;
	v21 =	vld.idx.msk [tilespmem:v47+s15+$0x0], $0xffff  }
0x1f8: {  	v56 =	vor.u32 v5, v19;
	v20 =	vld.idx.msk [tilespmem:v51+s15+$0x0], $0xffff;
	[tilespmem:s26+$0x400] =	vst v48  }
0x1f9: {  	[tilespmem:s21+$0x420] =	vst v50;
	v60 =	vor.u32 v5, v23;
	v57 =	vld.idx.msk [tilespmem:v49+s15+$0x0], $0xffff  }
0x1fa: {  	v28 =	vld.idx.msk [tilespmem:v53+s15+$0x0], $0xffff;
	v58 =	vor.u32 v5, v24;
	[tilespmem:s24+$0x410] =	vst v54  }
0x1fb: {  	v61 =	vor.u32 v3, v17;
	[tilespmem:s20+$0x430] =	vst v29;
	v33 =	vld.idx.msk [tilespmem:v55+s15+$0x0], $0xffff  }
0x1fc: {  	v63 =	vor.u32 v4, v22;
	v27 =	vld.idx.msk [tilespmem:v62+s15+$0x0], $0xffff;
	[tilespmem:s25+$0x410] =	vst v21  }
0x1fd: {  	v16 =	vor.u32 v0, v16;
	[tilespmem:s28+$0x410] =	vst v20;
	v26 =	vld.idx.msk [tilespmem:v56+s15+$0x0], $0xffff  }
0x1fe: {  	v36 =	vor.u32 v4, v19;
	v29 =	vld.idx.msk [tilespmem:v60+s15+$0x0], $0xffff;
	[tilespmem:s26+$0x410] =	vst v57  }
0x1ff: {  	v39 =	vor.u32 v4, v23;
	[tilespmem:s21+$0x430] =	vst v28;
	v30 =	vld.idx.msk [tilespmem:v58+s15+$0x0], $0xffff  }
0x200: {  	v37 =	vor.u32 v4, v24;
	v38 =	vld.idx.msk [tilespmem:v61+s15+$0x0], $0xffff;
	[tilespmem:s24+$0x420] =	vst v33  }
0x201: {  	v40 =	vor.u32 v3, v18;
	[tilespmem:s19+$0x460] =	vst v27;
	v21 =	vld.idx.msk [tilespmem:v63+s15+$0x0], $0xffff  }
0x202: {  	v41 =	vor.u32 v2, v17;
	v16 =	vld.idx.msk [tilespmem:v16+s15+$0x0], $0xffff;
	[tilespmem:s25+$0x420] =	vst v26  }
0x203: {  	v42 =	vor.u32 v3, v22;
	[tilespmem:s28+$0x420] =	vst v29;
	v25 =	vld.idx.msk [tilespmem:v36+s15+$0x0], $0xffff  }
0x204: {  	v43 =	vor.u32 v3, v19;
	v28 =	vld.idx.msk [tilespmem:v39+s15+$0x0], $0xffff;
	[tilespmem:s26+$0x420] =	vst v30  }
0x205: {  	v46 =	vor.u32 v3, v23;
	[tilespmem:s20+$0x440] =	vst v38;
	v20 =	vld.idx.msk [tilespmem:v37+s15+$0x0], $0xffff  }
0x206: {  	v44 =	vor.u32 v3, v24;
	v45 =	vld.idx.msk [tilespmem:v40+s15+$0x0], $0xffff;
	[tilespmem:s24+$0x430] =	vst v21  }
0x207: {  	v47 =	vld.idx.msk [tilespmem:v41+s15+$0x0], $0xffff;
	v48 =	vor.u32 v2, v18;
	[tilespmem:s19+$0x470] =	vst v16  }
0x208: {  	v53 =	vor.u32 v1, v17;
	v26 =	vld.idx.msk [tilespmem:v42+s15+$0x0], $0xffff;
	[tilespmem:s25+$0x430] =	vst v25  }
0x209: {  	v49 =	vor.u32 v2, v22;
	[tilespmem:s28+$0x430] =	vst v28;
	v30 =	vld.idx.msk [tilespmem:v43+s15+$0x0], $0xffff  }
0x20a: {  	v50 =	vor.u32 v2, v19;
	v27 =	vld.idx.msk [tilespmem:v46+s15+$0x0], $0xffff;
	[tilespmem:s26+$0x430] =	vst v20  }
0x20b: {  	v52 =	vor.u32 v2, v23;
	[tilespmem:s21+$0x440] =	vst v45;
	v29 =	vld.idx.msk [tilespmem:v44+s15+$0x0], $0xffff  }
0x20c: {  	v51 =	vor.u32 v2, v24;
	[tilespmem:s20+$0x450] =	vst v47;
	v21 =	vld.idx.msk [tilespmem:v48+s15+$0x0], $0xffff  }
0x20d: {  	v54 =	vor.u32 v1, v18;
	v57 =	vld.idx.msk [tilespmem:v53+s15+$0x0], $0xffff;
	[tilespmem:s24+$0x440] =	vst v26  }
0x20e: {  	v17 =	vor.u32 v0, v17;
	v25 =	vld.idx.msk [tilespmem:v49+s15+$0x0], $0xffff;
	[tilespmem:s25+$0x440] =	vst v30  }
0x20f: {  	v55 =	vor.u32 v1, v22;
	[tilespmem:s28+$0x440] =	vst v27;
	v20 =	vld.idx.msk [tilespmem:v50+s15+$0x0], $0xffff  }
0x210: {  	v56 =	vor.u32 v1, v19;
	v27 =	vld.idx.msk [tilespmem:v52+s15+$0x0], $0xffff;
	[tilespmem:s26+$0x440] =	vst v29  }
0x211: {  	v58 =	vor.u32 v1, v23;
	[tilespmem:s21+$0x450] =	vst v21;
	v28 =	vld.idx.msk [tilespmem:v51+s15+$0x0], $0xffff  }
0x212: {  	v16 =	vor.u32 v1, v24;
	[tilespmem:s20+$0x460] =	vst v57;
	v26 =	vld.idx.msk [tilespmem:v54+s15+$0x0], $0xffff  }
0x213: {  	v17 =	vld.idx.msk [tilespmem:v17+s15+$0x0], $0xffff;
	[tilespmem:s24+$0x450] =	vst v25  }
0x214: {  	v59 =	vor.u32 v0, v18;
	v25 =	vld.idx.msk [tilespmem:v55+s15+$0x0], $0xffff;
	[tilespmem:s25+$0x450] =	vst v20  }
0x215: {  	v60 =	vor.u32 v0, v22;
	[tilespmem:s28+$0x450] =	vst v27;
	v61 =	vld.idx.msk [tilespmem:v56+s15+$0x0], $0xffff  }
0x216: {  	v62 =	vor.u32 v0, v19;
	v21 =	vld.idx.msk [tilespmem:v58+s15+$0x0], $0xffff;
	[tilespmem:s26+$0x450] =	vst v28  }
0x217: {  	v63 =	vor.u32 v0, v23;
	[tilespmem:s21+$0x460] =	vst v26;
	v16 =	vld.idx.msk [tilespmem:v16+s15+$0x0], $0xffff  }
0x218: {  	v24 =	vor.u32 v0, v24;
	[tilespmem:s20+$0x470] =	vst v17  }
0x219: {  	v18 =	vld.idx.msk [tilespmem:v59+s15+$0x0], $0xffff;
	[tilespmem:s24+$0x460] =	vst v25  }
0x21a: {  	v20 =	vld.idx.msk [tilespmem:v60+s15+$0x0], $0xffff;
	[tilespmem:s25+$0x460] =	vst v61  }
0x21b: {  	[tilespmem:s28+$0x460] =	vst v21;
	v19 =	vld.idx.msk [tilespmem:v62+s15+$0x0], $0xffff  }
0x21c: {  	v17 =	vld.idx.msk [tilespmem:v63+s15+$0x0], $0xffff;
	[tilespmem:s26+$0x460] =	vst v16  }
0x21d: {  	v16 =	vld.idx.msk [tilespmem:v24+s15+$0x0], $0xffff  }
0x21e: {  	[tilespmem:s21+$0x470] =	vst v18  }
0x21f: {  	[tilespmem:s24+$0x470] =	vst v20  }
0x220: {  	[tilespmem:s25+$0x470] =	vst v19  }
0x221: {  	[tilespmem:s28+$0x470] =	vst v17  }
0x222: {  	s19 =	simm.s32 $0x0;
	s20 =	smov.u32 s11;
	[tilespmem:s26+$0x470] =	vst v16  }
0x223: {  	[hbm4b:s5+s19] =	stream.linear.scatter [tilespmem:s16], [sflag:$0x2], $0x8000, $0x38;
	[tilespmem:$0x1E900] =	vst v63  }
.LBB2_14:
0x224: {  	p0 =	sne.s32 s19, $0x59C00  }
.Ltmp6:
0x225: {  	_ = 	snop;
	(pc) =	sbr.rel @p0 .LBB2_14-.Ltmp6, $4  }
0x226: {  	s0 =	sshra.s32 s19, $0x2  }
0x227: {  	s0 =	sadd.s32 $0x100, s0  }
0x228: {  	[tilespmem:s0], [sflag:$0x1] =	stream.linear.gather [hbm4b:s20+s2], $0x100, $0x38;
	[tilespmem:$0x1E900] =	vst v63  }
0x229: {  	s19 =	sadd.s32 $0x400, s19;
	s20 =	sadd.s32 $0x1000, s20  }
0x22a: {  	_ =	swait.ge [sflag:s14], $0x100  }
0x22b: {  	s19 =	simm.s32 $0x167;
	[sflag:s14] =	ssyncset.done $0x0  }
.LBB2_16:
0x22c: {  	p0 =	sne.s32 s19, $0x1;
	s19 =	sadd.s32 $0xFFFFFFFF, s19;
	[sflag:s14] =	ssyncadd.s32 $0xFFFFFF00  }
.Ltmp7:
0x22d: {  	(pc) =	sbr.rel @p0 .LBB2_16-.Ltmp7, $3  }
0x22e: {  	_ =	sdelay $0x1  }
0x22f: {  	_ =	swait.ge [sflag:s14], $0x100  }
0x230: {  	[sflag:s14] =	ssyncset.done $0x0  }
0x231: {  	s0 =	simm.s32 $0x1  }
0x232: {  	v16 =	vmov s0  }
0x233: {  	v16 =	vand.u32 $0x7F, v16  }
0x234: {  	v23 =	vbroadcast v16, $0x0;
	_ =	sdelay $0x1  }
0x235: {  	s20 =	simm.s32 $0x0;
	v16 =	vor.u32 v15, v23  }
0x236: {  	[sflag:s14] =	ssyncadd.s32 $0xFFFFFF00;
	v17 =	vmov s20  }
0x237: {  	_ =	swait.ge [sflag:s17], $0x8000;
	v17 =	vand.u32 $0x7E, v17  }
0x238: {  	[sflag:s17] =	ssyncset.done $0x0;
	v21 =	vbroadcast v17, $0x0  }
0x239: {  	[sflag:s17] =	ssyncadd.s32 $0xFFFF8000  }
0x23a: {  	v17 =	vor.u32 v15, v21;
	v16 =	vld.idx.msk [tilespmem:v16+s15+$0x0], $0xffff  }
0x23b: {  	v18 =	vor.u32 v14, v23  }
0x23c: {  	s19 =	simm.s32 $0x80;
	s0 =	sand.u32 $0x7800, s20  }
0x23d: {  	s19 =	sand.u32 $0x380, s19;
	s0 =	sadd.s32 $0x16900, s0  }
0x23e: {  	s26 =	sadd.s32 s19, s0  }
0x23f: {  	v17 =	vld.idx.msk [tilespmem:v17+s15+$0x0], $0xffff;
	[tilespmem:s26+$0x0] =	vst v16  }
0x240: {  	v16 =	vor.u32 v14, v21;
	v18 =	vld.idx.msk [tilespmem:v18+s15+$0x0], $0xffff  }
0x241: {  	s21 =	simm.s32 $0x0;
	v19 =	vor.u32 v13, v23  }
0x242: {  	s19 =	sand.u32 $0x300, s21  }
0x243: {  	s23 =	sadd.s32 s19, s0  }
0x244: {  	[tilespmem:s23+$0x0] =	vst v17  }
0x245: {  	v16 =	vld.idx.msk [tilespmem:v16+s15+$0x0], $0xffff;
	[tilespmem:s26+$0x10] =	vst v18  }
0x246: {  	v17 =	vor.u32 v13, v21;
	v18 =	vld.idx.msk [tilespmem:v19+s15+$0x0], $0xffff  }
0x247: {  	v19 =	vor.u32 v12, v23;
	_ =	sdelay $0x2  }
0x248: {  	[tilespmem:s23+$0x10] =	vst v16  }
0x249: {  	s22 =	simm.s32 $0x3;
	v17 =	vld.idx.msk [tilespmem:v17+s15+$0x0], $0xffff;
	[tilespmem:s26+$0x20] =	vst v18  }
0x24a: {  	s24 =	simm.s32 $0x2;
	v16 =	vmov s22;
	v18 =	vor.u32 v12, v21;
	v19 =	vld.idx.msk [tilespmem:v19+s15+$0x0], $0xffff  }
0x24b: {  	v20 =	vmov s24;
	v22 =	vor.u32 v11, v23;
	v16 =	vand.u32 $0x7F, v16  }
0x24c: {  	v24 =	vand.u32 $0x7E, v20;
	v20 =	vbroadcast v16, $0x0  }
0x24d: {  	v16 =	vbroadcast v24, $0x0  }
0x24e: {  	[tilespmem:s23+$0x20] =	vst v17;
	v17 =	vor.u32 v15, v20  }
0x24f: {  	v24 =	vor.u32 v15, v16;
	v18 =	vld.idx.msk [tilespmem:v18+s15+$0x0], $0xffff;
	[tilespmem:s26+$0x30] =	vst v19  }
0x250: {  	v19 =	vor.u32 v11, v21;
	v22 =	vld.idx.msk [tilespmem:v22+s15+$0x0], $0xffff  }
0x251: {  	v25 =	vor.u32 v10, v23;
	_ =	sdelay $0x1  }
0x252: {  	v17 =	vld.idx.msk [tilespmem:v17+s15+$0x0], $0xffff  }
0x253: {  	s25 =	simm.s32 $0x200;
	v24 =	vld.idx.msk [tilespmem:v24+s15+$0x0], $0xffff;
	[tilespmem:s23+$0x30] =	vst v18;
	v18 =	vor.u32 v14, v20  }
0x254: {  	s31 =	simm.s32 $0x180;
	s0 =	sand.u32 $0x7800, s25;
	v19 =	vld.idx.msk [tilespmem:v19+s15+$0x0], $0xffff;
	[tilespmem:s26+$0x40] =	vst v22;
	v22 =	vor.u32 v14, v16  }
0x255: {  	s20 =	simm.s32 $0x100;
	s19 =	sand.u32 $0x380, s31;
	v26 =	vor.u32 v10, v21;
	s0 =	sadd.s32 $0x16900, s0;
	v25 =	vld.idx.msk [tilespmem:v25+s15+$0x0], $0xffff  }
0x256: {  	s20 =	sand.u32 $0x300, s20;
	v27 =	vor.u32 v9, v23;
	s22 =	sadd.s32 s19, s0  }
0x257: {  	s19 =	sadd.s32 s20, s0;
	[tilespmem:s22+$0x0] =	vst v17  }
0x258: {  	[tilespmem:s19+$0x0] =	vst v24;
	v17 =	vld.idx.msk [tilespmem:v18+s15+$0x0], $0xffff  }
0x259: {  	[tilespmem:s23+$0x40] =	vst v19;
	v19 =	vor.u32 v13, v20;
	v18 =	vld.idx.msk [tilespmem:v22+s15+$0x0], $0xffff  }
0x25a: {  	v24 =	vor.u32 v13, v16;
	v22 =	vld.idx.msk [tilespmem:v26+s15+$0x0], $0xffff;
	[tilespmem:s26+$0x50] =	vst v25  }
0x25b: {  	v25 =	vor.u32 v9, v21;
	v26 =	vld.idx.msk [tilespmem:v27+s15+$0x0], $0xffff  }
0x25c: {  	v27 =	vor.u32 v8, v23  }
0x25d: {  	[tilespmem:s22+$0x10] =	vst v17  }
0x25e: {  	v17 =	vld.idx.msk [tilespmem:v19+s15+$0x0], $0xffff;
	[tilespmem:s19+$0x10] =	vst v18  }
0x25f: {  	v19 =	vor.u32 v12, v20;
	[tilespmem:s23+$0x50] =	vst v22;
	v18 =	vld.idx.msk [tilespmem:v24+s15+$0x0], $0xffff  }
0x260: {  	v22 =	vld.idx.msk [tilespmem:v25+s15+$0x0], $0xffff;
	v24 =	vor.u32 v12, v16;
	[tilespmem:s26+$0x60] =	vst v26  }
0x261: {  	v25 =	vor.u32 v8, v21;
	v26 =	vld.idx.msk [tilespmem:v27+s15+$0x0], $0xffff  }
0x262: {  	v27 =	vor.u32 v7, v23  }
0x263: {  	[tilespmem:s22+$0x20] =	vst v17  }
0x264: {  	s21 =	simm.s32 $0x5;
	v19 =	vld.idx.msk [tilespmem:v19+s15+$0x0], $0xffff;
	[tilespmem:s19+$0x20] =	vst v18  }
0x265: {  	s24 =	simm.s32 $0x4;
	v17 =	vmov s21;
	[tilespmem:s23+$0x60] =	vst v22;
	v22 =	vld.idx.msk [tilespmem:v24+s15+$0x0], $0xffff;
	v24 =	vor.u32 v11, v20  }
0x266: {  	v17 =	vand.u32 $0x7F, v17;
	v18 =	vmov s24;
	v25 =	vld.idx.msk [tilespmem:v25+s15+$0x0], $0xffff;
	[tilespmem:s26+$0x70] =	vst v26;
	v26 =	vor.u32 v11, v16  }
0x267: {  	v28 =	vor.u32 v7, v21;
	v17 =	vbroadcast v17, $0x0;
	v18 =	vand.u32 $0x7E, v18;
	v27 =	vld.idx.msk [tilespmem:v27+s15+$0x0], $0xffff  }
0x268: {  	v29 =	vor.u32 v6, v23;
	v18 =	vbroadcast v18, $0x0  }
0x269: {  	v30 =	vor.u32 v15, v17;
	[tilespmem:s22+$0x30] =	vst v19  }
0x26a: {  	v19 =	vor.u32 v15, v18;
	[tilespmem:s19+$0x30] =	vst v22;
	v22 =	vld.idx.msk [tilespmem:v24+s15+$0x0], $0xffff  }
0x26b: {  	[tilespmem:s23+$0x70] =	vst v25;
	v25 =	vor.u32 v10, v20;
	v24 =	vld.idx.msk [tilespmem:v26+s15+$0x0], $0xffff  }
0x26c: {  	v26 =	vld.idx.msk [tilespmem:v28+s15+$0x0], $0xffff;
	[tilespmem:s26+$0x400] =	vst v27;
	v27 =	vor.u32 v10, v16  }
0x26d: {  	v28 =	vor.u32 v6, v21;
	v29 =	vld.idx.msk [tilespmem:v29+s15+$0x0], $0xffff  }
0x26e: {  	v31 =	vor.u32 v5, v23;
	v30 =	vld.idx.msk [tilespmem:v30+s15+$0x0], $0xffff  }
0x26f: {  	s25 =	simm.s32 $0x400;
	v32 =	vor.u32 v14, v17;
	v19 =	vld.idx.msk [tilespmem:v19+s15+$0x0], $0xffff;
	[tilespmem:s22+$0x40] =	vst v22  }
0x270: {  	s31 =	simm.s32 $0x280;
	s0 =	sand.u32 $0x7800, s25;
	v22 =	vor.u32 v14, v18;
	[tilespmem:s19+$0x40] =	vst v24;
	v24 =	vld.idx.msk [tilespmem:v25+s15+$0x0], $0xffff  }
0x271: {  	s20 =	sand.u32 $0x380, s31;
	s0 =	sadd.s32 $0x16900, s0;
	s21 =	simm.s32 $0x200;
	[tilespmem:s23+$0x400] =	vst v26;
	v26 =	vor.u32 v9, v20;
	v25 =	vld.idx.msk [tilespmem:v27+s15+$0x0], $0xffff  }
0x272: {  	s20 =	sadd.s32 s20, s0;
	s21 =	sand.u32 $0x300, s21;
	s24 =	simm.s32 $0x6;
	v27 =	vld.idx.msk [tilespmem:v28+s15+$0x0], $0xffff;
	v28 =	vor.u32 v9, v16;
	[tilespmem:s26+$0x410] =	vst v29  }
0x273: {  	s21 =	sadd.s32 s21, s0;
	[tilespmem:s20+$0x0] =	vst v30;
	v30 =	vmov s24;
	v29 =	vld.idx.msk [tilespmem:v31+s15+$0x0], $0xffff;
	v31 =	vor.u32 v5, v21  }
0x274: {  	v32 =	vld.idx.msk [tilespmem:v32+s15+$0x0], $0xffff;
	[tilespmem:s21+$0x0] =	vst v19;
	v19 =	vand.u32 $0x7E, v30;
	v30 =	vor.u32 v4, v23  }
0x275: {  	v33 =	vor.u32 v13, v17;
	v19 =	vbroadcast v19, $0x0;
	v22 =	vld.idx.msk [tilespmem:v22+s15+$0x0], $0xffff;
	[tilespmem:s22+$0x50] =	vst v24  }
0x276: {  	v24 =	vor.u32 v13, v18;
	[tilespmem:s19+$0x50] =	vst v25;
	v25 =	vld.idx.msk [tilespmem:v26+s15+$0x0], $0xffff  }
0x277: {  	v26 =	vor.u32 v15, v19;
	[tilespmem:s23+$0x410] =	vst v27;
	v28 =	vld.idx.msk [tilespmem:v28+s15+$0x0], $0xffff  }
0x278: {  	v27 =	vor.u32 v8, v20;
	v31 =	vld.idx.msk [tilespmem:v31+s15+$0x0], $0xffff;
	[tilespmem:s26+$0x420] =	vst v29  }
0x279: {  	[tilespmem:s20+$0x10] =	vst v32;
	v29 =	vor.u32 v8, v16;
	v30 =	vld.idx.msk [tilespmem:v30+s15+$0x0], $0xffff  }
0x27a: {  	v46 =	vor.u32 v4, v21;
	[tilespmem:s21+$0x10] =	vst v22;
	v22 =	vld.idx.msk [tilespmem:v33+s15+$0x0], $0xffff  }
0x27b: {  	v47 =	vor.u32 v3, v23;
	v24 =	vld.idx.msk [tilespmem:v24+s15+$0x0], $0xffff  }
0x27c: {  	v34 =	vor.u32 v12, v17;
	v26 =	vld.idx.msk [tilespmem:v26+s15+$0x0], $0xffff;
	[tilespmem:s22+$0x60] =	vst v25  }
0x27d: {  	v25 =	vor.u32 v12, v18;
	[tilespmem:s19+$0x60] =	vst v28;
	v27 =	vld.idx.msk [tilespmem:v27+s15+$0x0], $0xffff  }
0x27e: {  	s28 =	simm.s32 $0x600;
	s31 =	simm.s32 $0x300;
	v56 =	vor.u32 v14, v19;
	v28 =	vld.idx.msk [tilespmem:v29+s15+$0x0], $0xffff;
	[tilespmem:s23+$0x420] =	vst v31  }
0x27f: {  	s29 =	simm.s32 $0x380;
	s25 =	sand.u32 $0x7800, s28;
	s30 =	sand.u32 $0x300, s31;
	v29 =	vor.u32 v7, v20;
	v31 =	vld.idx.msk [tilespmem:v46+s15+$0x0], $0xffff;
	[tilespmem:s26+$0x430] =	vst v30  }
0x280: {  	s0 =	sadd.s32 $0x16900, s25;
	s25 =	sand.u32 $0x380, s29;
	s24 =	simm.s32 $0x7;
	v30 =	vor.u32 v7, v16;
	[tilespmem:s20+$0x20] =	vst v22;
	v48 =	vld.idx.msk [tilespmem:v47+s15+$0x0], $0xffff  }
0x281: {  	v49 =	vor.u32 v3, v21;
	v22 =	vmov s24;
	s24 =	sadd.s32 s25, s0;
	s25 =	sadd.s32 s30, s0;
	[tilespmem:s21+$0x20] =	vst v24;
	v24 =	vld.idx.msk [tilespmem:v34+s15+$0x0], $0xffff  }
0x282: {  	v50 =	vor.u32 v2, v23;
	v25 =	vld.idx.msk [tilespmem:v25+s15+$0x0], $0xffff;
	[tilespmem:s25+$0x0] =	vst v26  }
0x283: {  	v35 =	vor.u32 v11, v17;
	v22 =	vand.u32 $0x7F, v22;
	[tilespmem:s22+$0x70] =	vst v27;
	v58 =	vld.idx.msk [tilespmem:v56+s15+$0x0], $0xffff  }
0x284: {  	v22 =	vbroadcast v22, $0x0;
	v27 =	vor.u32 v11, v18;
	[tilespmem:s19+$0x70] =	vst v28;
	v28 =	vld.idx.msk [tilespmem:v29+s15+$0x0], $0xffff  }
0x285: {  	v29 =	vld.idx.msk [tilespmem:v30+s15+$0x0], $0xffff;
	[tilespmem:s23+$0x430] =	vst v31;
	v30 =	vor.u32 v6, v20  }
0x286: {  	v51 =	vor.u32 v15, v22;
	v31 =	vld.idx.msk [tilespmem:v49+s15+$0x0], $0xffff;
	[tilespmem:s26+$0x440] =	vst v48  }
0x287: {  	v52 =	vor.u32 v6, v16;
	[tilespmem:s20+$0x30] =	vst v24;
	v24 =	vld.idx.msk [tilespmem:v50+s15+$0x0], $0xffff  }
0x288: {  	v53 =	vor.u32 v1, v23;
	[tilespmem:s21+$0x30] =	vst v25;
	v25 =	vld.idx.msk [tilespmem:v35+s15+$0x0], $0xffff  }
0x289: {  	v54 =	vor.u32 v10, v17;
	v27 =	vld.idx.msk [tilespmem:v27+s15+$0x0], $0xffff;
	[tilespmem:s22+$0x400] =	vst v28  }
0x28a: {  	v55 =	vor.u32 v2, v21;
	v30 =	vld.idx.msk [tilespmem:v30+s15+$0x0], $0xffff;
	[tilespmem:s19+$0x400] =	vst v29  }
0x28b: {  	v28 =	vor.u32 v10, v18;
	v29 =	vld.idx.msk [tilespmem:v51+s15+$0x0], $0xffff;
	[tilespmem:s23+$0x440] =	vst v31  }
0x28c: {  	v36 =	vor.u32 v5, v20;
	v33 =	vld.idx.msk [tilespmem:v52+s15+$0x0], $0xffff;
	[tilespmem:s26+$0x450] =	vst v24  }
0x28d: {  	v24 =	vor.u32 v14, v22;
	[tilespmem:s20+$0x40] =	vst v25;
	v25 =	vld.idx.msk [tilespmem:v53+s15+$0x0], $0xffff  }
0x28e: {  	v31 =	vor.u32 v0, v23;
	[tilespmem:s21+$0x40] =	vst v27;
	v27 =	vld.idx.msk [tilespmem:v54+s15+$0x0], $0xffff  }
0x28f: {  	v26 =	vor.u32 v5, v16;
	v37 =	vld.idx.msk [tilespmem:v55+s15+$0x0], $0xffff;
	[tilespmem:s22+$0x410] =	vst v30  }
0x290: {  	s31 =	simm.s32 $0x8;
	v57 =	vor.u32 v9, v17;
	v28 =	vld.idx.msk [tilespmem:v28+s15+$0x0], $0xffff;
	[tilespmem:s24+$0x0] =	vst v29  }
0x291: {  	v23 =	vmov s31;
	v29 =	vor.u32 v9, v18;
	v30 =	vld.idx.msk [tilespmem:v36+s15+$0x0], $0xffff;
	[tilespmem:s19+$0x410] =	vst v33  }
0x292: {  	v59 =	vor.u32 v4, v20;
	v23 =	vand.u32 $0x7E, v23;
	v24 =	vld.idx.msk [tilespmem:v24+s15+$0x0], $0xffff;
	[tilespmem:s26+$0x460] =	vst v25  }
0x293: {  	v23 =	vbroadcast v23, $0x0;
	[tilespmem:s20+$0x50] =	vst v27;
	v27 =	vld.idx.msk [tilespmem:v31+s15+$0x0], $0xffff;
	v31 =	vor.u32 v13, v19  }
0x294: {  	[tilespmem:s25+$0x10] =	vst v58;
	v26 =	vld.idx.msk [tilespmem:v26+s15+$0x0], $0xffff;
	v25 =	vor.u32 v13, v22  }
0x295: {  	v60 =	vor.u32 v15, v23;
	[tilespmem:s21+$0x50] =	vst v28;
	v28 =	vld.idx.msk [tilespmem:v57+s15+$0x0], $0xffff  }
0x296: {  	v61 =	vor.u32 v8, v17;
	v29 =	vld.idx.msk [tilespmem:v29+s15+$0x0], $0xffff;
	[tilespmem:s22+$0x420] =	vst v30  }
0x297: {  	[tilespmem:s24+$0x10] =	vst v24;
	v24 =	vor.u32 v8, v18;
	v30 =	vld.idx.msk [tilespmem:v59+s15+$0x0], $0xffff  }
0x298: {  	v38 =	vld.idx.msk [tilespmem:v31+s15+$0x0], $0xffff;
	v31 =	vor.u32 v3, v20  }
0x299: {  	v63 =	vor.u32 v4, v16;
	v62 =	vld.idx.msk [tilespmem:v25+s15+$0x0], $0xffff;
	[tilespmem:s26+$0x470] =	vst v27  }
0x29a: {  	v25 =	vld.idx.msk [tilespmem:v60+s15+$0x0], $0xffff;
	v27 =	vor.u32 v12, v22;
	[tilespmem:s20+$0x60] =	vst v28  }
0x29b: {  	v39 =	vor.u32 v12, v19;
	[tilespmem:s21+$0x60] =	vst v29;
	v35 =	vld.idx.msk [tilespmem:v61+s15+$0x0], $0xffff  }
0x29c: {  	v36 =	vor.u32 v1, v21;
	v33 =	vld.idx.msk [tilespmem:v24+s15+$0x0], $0xffff;
	[tilespmem:s22+$0x430] =	vst v30  }
0x29d: {  	[tilespmem:s19+$0x420] =	vst v26;
	v29 =	vld.idx.msk [tilespmem:v31+s15+$0x0], $0xffff;
	v31 =	vor.u32 v7, v17  }
0x29e: {  	v32 =	vor.u32 v7, v18;
	v34 =	vld.idx.msk [tilespmem:v63+s15+$0x0], $0xffff;
	[tilespmem:s24+$0x20] =	vst v62  }
0x29f: {  	[tilespmem:s25+$0x20] =	vst v38;
	v28 =	vld.idx.msk [tilespmem:v27+s15+$0x0], $0xffff;
	v27 =	vor.u32 v3, v16  }
0x2a0: {  	s30 =	simm.s32 $0x9;
	[tilespmem:s23+$0x450] =	vst v37;
	v26 =	vor.u32 v2, v20;
	s26 =	simm.s32 $0xA;
	v30 =	vld.idx.msk [tilespmem:v39+s15+$0x0], $0xffff  }
.LBB2_18:
0x2a1: {  	p0 =	slt.u32 s26, $0x7E;
	v24 =	vmov s30;
	v37 =	vor.u32 v11, v22;
	[tilespmem:s20+$0x70] =	vst v35;
	v35 =	vld.idx.msk [tilespmem:v36+s15+$0x0], $0xffff  }
0x2a2: {  	v36 =	vor.u32 v11, v19;
	v24 =	vand.u32 $0x7F, v24;
	[tilespmem:s21+$0x70] =	vst v33;
	v31 =	vld.idx.msk [tilespmem:v31+s15+$0x0], $0xffff  }
0x2a3: {  	v33 =	vor.u32 v0, v21;
	v21 =	vmovc v16;
	v16 =	vmov v18;
	v24 =	vbroadcast v24, $0x0;
	v32 =	vld.idx.msk [tilespmem:v32+s15+$0x0], $0xffff;
	[tilespmem:s19+$0x430] =	vst v34  }
0x2a4: {  	v18 =	vmov v19;
	v19 =	vmov v23;
	v34 =	vor.u32 v6, v17;
	v27 =	vld.idx.msk [tilespmem:v27+s15+$0x0], $0xffff;
	[tilespmem:s22+$0x440] =	vst v29  }
0x2a5: {  	v23 =	vor.u32 v15, v24;
	[tilespmem:s24+$0x30] =	vst v28;
	v26 =	vld.idx.msk [tilespmem:v26+s15+$0x0], $0xffff  }
0x2a6: {  	v29 =	vor.u32 v6, v16;
	[tilespmem:s25+$0x30] =	vst v30;
	v28 =	vld.idx.msk [tilespmem:v37+s15+$0x0], $0xffff  }
0x2a7: {  	v30 =	vld.idx.msk [tilespmem:v36+s15+$0x0], $0xffff;
	v36 =	vor.u32 v1, v20;
	[tilespmem:s23+$0x460] =	vst v35  }
0x2a8: {  	v35 =	vor.u32 v10, v22;
	[tilespmem:s20+$0x400] =	vst v31;
	v31 =	vld.idx.msk [tilespmem:v33+s15+$0x0], $0xffff  }
0x2a9: {  	v33 =	vor.u32 v10, v18;
	[tilespmem:s21+$0x400] =	vst v32;
	v32 =	vld.idx.msk [tilespmem:v34+s15+$0x0], $0xffff  }
0x2aa: {  	v23 =	vld.idx.msk [tilespmem:v23+s15+$0x0], $0xffff;
	[tilespmem:s19+$0x440] =	vst v27;
	v27 =	vor.u32 v2, v21  }
0x2ab: {  	v34 =	vor.u32 v5, v17;
	v29 =	vld.idx.msk [tilespmem:v29+s15+$0x0], $0xffff;
	[tilespmem:s22+$0x450] =	vst v26  }
0x2ac: {  	s28 =	sadd.s32 $0x200, s28;
	v26 =	vor.u32 v14, v24;
	[tilespmem:s24+$0x40] =	vst v28;
	v28 =	vld.idx.msk [tilespmem:v36+s15+$0x0], $0xffff  }
0x2ad: {  	s29 =	sadd.s32 $0x100, s29;
	s0 =	sand.u32 $0x7800, s28;
	v36 =	vor.u32 v14, v19;
	[tilespmem:s25+$0x40] =	vst v30;
	v30 =	vld.idx.msk [tilespmem:v35+s15+$0x0], $0xffff  }
0x2ae: {  	s30 =	sadd.s32 $0xFFFFFF80, s29;
	s31 =	sand.u32 $0x380, s29;
	s0 =	sadd.s32 $0x16900, s0;
	v35 =	vor.u32 v0, v20;
	v20 =	vmovc v17;
	v17 =	vmov v22;
	v22 =	vmov v24;
	v33 =	vld.idx.msk [tilespmem:v33+s15+$0x0], $0xffff;
	[tilespmem:s23+$0x470] =	vst v31  }
0x2af: {  	s30 =	sand.u32 $0x300, s30;
	s31 =	sadd.s32 s31, s0;
	v24 =	vor.u32 v9, v17;
	s23 =	smov.u32 s19;
	[tilespmem:s20+$0x410] =	vst v32;
	v37 =	vld.idx.msk [tilespmem:v27+s15+$0x0], $0xffff  }
0x2b0: {  	s19 =	smov.u32 s21;
	s21 =	smov.u32 s25;
	s25 =	sadd.s32 s30, s0;
	v27 =	vor.u32 v9, v18;
	[tilespmem:s31+$0x0] =	vst v23;
	v31 =	vld.idx.msk [tilespmem:v34+s15+$0x0], $0xffff  }
0x2b1: {  	v23 =	vmov s26;
	[tilespmem:s25+$0x0] =	vst v25;
	v25 =	vld.idx.msk [tilespmem:v26+s15+$0x0], $0xffff;
	v26 =	vor.u32 v5, v16  }
0x2b2: {  	v34 =	vor.u32 v4, v20;
	v23 =	vand.u32 $0x7E, v23;
	v32 =	vld.idx.msk [tilespmem:v36+s15+$0x0], $0xffff;
	[tilespmem:s22+$0x460] =	vst v28  }
0x2b3: {  	v23 =	vbroadcast v23, $0x0;
	v28 =	vor.u32 v13, v22;
	[tilespmem:s24+$0x50] =	vst v30;
	v30 =	vld.idx.msk [tilespmem:v35+s15+$0x0], $0xffff  }
0x2b4: {  	v35 =	vor.u32 v13, v19;
	[tilespmem:s21+$0x50] =	vst v33;
	v24 =	vld.idx.msk [tilespmem:v24+s15+$0x0], $0xffff  }
0x2b5: {  	v33 =	vor.u32 v15, v23;
	v27 =	vld.idx.msk [tilespmem:v27+s15+$0x0], $0xffff;
	[tilespmem:s19+$0x410] =	vst v29  }
0x2b6: {  	v29 =	vor.u32 v8, v17;
	v26 =	vld.idx.msk [tilespmem:v26+s15+$0x0], $0xffff;
	[tilespmem:s20+$0x420] =	vst v31  }
0x2b7: {  	v31 =	vor.u32 v8, v18;
	[tilespmem:s31+$0x10] =	vst v25;
	v38 =	vld.idx.msk [tilespmem:v34+s15+$0x0], $0xffff  }
0x2b8: {  	[tilespmem:s25+$0x10] =	vst v32;
	v28 =	vld.idx.msk [tilespmem:v28+s15+$0x0], $0xffff;
	v32 =	vor.u32 v4, v16  }
0x2b9: {  	v40 =	vor.u32 v3, v20;
	v39 =	vld.idx.msk [tilespmem:v35+s15+$0x0], $0xffff;
	[tilespmem:s22+$0x470] =	vst v30;
	s22 =	smov.u32 s20;
	s20 =	smov.u32 s24;
	s24 =	smov.u32 s31  }
0x2ba: {  	v30 =	vor.u32 v12, v22;
	v25 =	vld.idx.msk [tilespmem:v33+s15+$0x0], $0xffff;
	[tilespmem:s20+$0x60] =	vst v24  }
0x2bb: {  	v24 =	vor.u32 v12, v19;
	[tilespmem:s21+$0x60] =	vst v27;
	v35 =	vld.idx.msk [tilespmem:v29+s15+$0x0], $0xffff  }
.Ltmp8:
0x2bc: {  	v36 =	vor.u32 v1, v21;
	v33 =	vld.idx.msk [tilespmem:v31+s15+$0x0], $0xffff;
	[tilespmem:s19+$0x420] =	vst v26;
	(pc) =	sbr.rel @p0 .LBB2_18-.Ltmp8, $4  }
0x2bd: {  	v31 =	vor.u32 v7, v17;
	v34 =	vld.idx.msk [tilespmem:v32+s15+$0x0], $0xffff;
	[tilespmem:s22+$0x430] =	vst v38  }
0x2be: {  	v32 =	vor.u32 v7, v18;
	[tilespmem:s24+$0x20] =	vst v28;
	v29 =	vld.idx.msk [tilespmem:v40+s15+$0x0], $0xffff  }
0x2bf: {  	v27 =	vor.u32 v3, v16;
	[tilespmem:s25+$0x20] =	vst v39;
	v28 =	vld.idx.msk [tilespmem:v30+s15+$0x0], $0xffff  }
0x2c0: {  	s30 =	sadd.s32 $0x1, s26;
	s26 =	sadd.s32 $0x2, s26;
	v26 =	vor.u32 v2, v20;
	v30 =	vld.idx.msk [tilespmem:v24+s15+$0x0], $0xffff;
	[tilespmem:s23+$0x450] =	vst v37  }
0x2c1: {  	v24 =	vmov s30  }
0x2c2: {  	v24 =	vand.u32 $0x7F, v24  }
0x2c3: {  	v24 =	vbroadcast v24, $0x0;
	_ =	sdelay $0x1  }
0x2c4: {  	v37 =	vor.u32 v15, v24;
	_ =	sdelay $0x4  }
0x2c5: {  	s0 =	sadd.s32 $0x200, s28;
	v39 =	vor.u32 v14, v23;
	s26 =	sadd.s32 $0x100, s29;
	v37 =	vld.idx.msk [tilespmem:v37+s15+$0x0], $0xffff  }
0x2c6: {  	s0 =	sand.u32 $0x7800, s0;
	s31 =	sadd.s32 $0xFFFFFF80, s26;
	v38 =	vor.u32 v14, v24  }
0x2c7: {  	s0 =	sadd.s32 $0x16900, s0;
	s28 =	sand.u32 $0x300, s31  }
0x2c8: {  	s26 =	sand.u32 $0x380, s26;
	s28 =	sadd.s32 s28, s0  }
0x2c9: {  	s26 =	sadd.s32 s26, s0;
	[tilespmem:s28+$0x0] =	vst v25  }
0x2ca: {  	v51 =	vld.idx.msk [tilespmem:v39+s15+$0x0], $0xffff;
	[tilespmem:s26+$0x0] =	vst v37  }
0x2cb: {  	v53 =	vor.u32 v13, v23;
	v50 =	vld.idx.msk [tilespmem:v38+s15+$0x0], $0xffff  }
0x2cc: {  	v52 =	vor.u32 v13, v24;
	_ =	sdelay $0x2  }
0x2cd: {  	[tilespmem:s28+$0x10] =	vst v51  }
0x2ce: {  	v37 =	vld.idx.msk [tilespmem:v53+s15+$0x0], $0xffff;
	[tilespmem:s26+$0x10] =	vst v50  }
0x2cf: {  	[tilespmem:s20+$0x70] =	vst v35;
	v55 =	vor.u32 v12, v23;
	v25 =	vld.idx.msk [tilespmem:v52+s15+$0x0], $0xffff  }
0x2d0: {  	[tilespmem:s21+$0x70] =	vst v33;
	v54 =	vor.u32 v12, v24  }
0x2d1: {  	v56 =	vor.u32 v11, v22;
	v57 =	vld.idx.msk [tilespmem:v36+s15+$0x0], $0xffff;
	[tilespmem:s19+$0x430] =	vst v34  }
0x2d2: {  	v31 =	vld.idx.msk [tilespmem:v31+s15+$0x0], $0xffff;
	[tilespmem:s22+$0x440] =	vst v29  }
0x2d3: {  	v32 =	vld.idx.msk [tilespmem:v32+s15+$0x0], $0xffff;
	[tilespmem:s28+$0x20] =	vst v37  }
0x2d4: {  	v58 =	vor.u32 v11, v19;
	v60 =	vld.idx.msk [tilespmem:v55+s15+$0x0], $0xffff;
	[tilespmem:s26+$0x20] =	vst v25  }
0x2d5: {  	v62 =	vor.u32 v11, v23;
	[tilespmem:s24+$0x30] =	vst v28;
	v59 =	vld.idx.msk [tilespmem:v54+s15+$0x0], $0xffff  }
0x2d6: {  	v61 =	vor.u32 v11, v24;
	[tilespmem:s25+$0x30] =	vst v30;
	v63 =	vld.idx.msk [tilespmem:v56+s15+$0x0], $0xffff  }
0x2d7: {  	v27 =	vld.idx.msk [tilespmem:v27+s15+$0x0], $0xffff;
	[tilespmem:s23+$0x460] =	vst v57;
	v37 =	vor.u32 v10, v22  }
0x2d8: {  	v21 =	vor.u32 v0, v21;
	v26 =	vld.idx.msk [tilespmem:v26+s15+$0x0], $0xffff;
	[tilespmem:s20+$0x400] =	vst v31  }
0x2d9: {  	v42 =	vor.u32 v6, v17;
	[tilespmem:s28+$0x30] =	vst v60;
	v25 =	vld.idx.msk [tilespmem:v58+s15+$0x0], $0xffff  }
0x2da: {  	v38 =	vor.u32 v10, v19;
	v28 =	vld.idx.msk [tilespmem:v62+s15+$0x0], $0xffff;
	[tilespmem:s26+$0x30] =	vst v59  }
0x2db: {  	v41 =	vor.u32 v10, v23;
	[tilespmem:s24+$0x40] =	vst v63;
	v39 =	vld.idx.msk [tilespmem:v61+s15+$0x0], $0xffff  }
0x2dc: {  	v40 =	vor.u32 v10, v24;
	[tilespmem:s21+$0x400] =	vst v32;
	v43 =	vld.idx.msk [tilespmem:v37+s15+$0x0], $0xffff  }
0x2dd: {  	v45 =	vor.u32 v9, v22;
	v21 =	vld.idx.msk [tilespmem:v21+s15+$0x0], $0xffff;
	[tilespmem:s19+$0x440] =	vst v27  }
0x2de: {  	v30 =	vld.idx.msk [tilespmem:v42+s15+$0x0], $0xffff;
	v52 =	vor.u32 v6, v18;
	[tilespmem:s25+$0x40] =	vst v25  }
0x2df: {  	v51 =	vor.u32 v1, v20;
	[tilespmem:s28+$0x40] =	vst v28;
	v44 =	vld.idx.msk [tilespmem:v38+s15+$0x0], $0xffff  }
0x2e0: {  	v46 =	vor.u32 v9, v19;
	v48 =	vld.idx.msk [tilespmem:v41+s15+$0x0], $0xffff;
	[tilespmem:s26+$0x40] =	vst v39  }
0x2e1: {  	v50 =	vor.u32 v9, v23;
	[tilespmem:s24+$0x50] =	vst v43;
	v47 =	vld.idx.msk [tilespmem:v40+s15+$0x0], $0xffff  }
0x2e2: {  	v49 =	vor.u32 v9, v24;
	[tilespmem:s22+$0x450] =	vst v26;
	v53 =	vld.idx.msk [tilespmem:v45+s15+$0x0], $0xffff  }
0x2e3: {  	[tilespmem:s23+$0x470] =	vst v21;
	v25 =	vld.idx.msk [tilespmem:v52+s15+$0x0], $0xffff  }
0x2e4: {  	v54 =	vor.u32 v8, v22;
	v59 =	vld.idx.msk [tilespmem:v51+s15+$0x0], $0xffff;
	[tilespmem:s25+$0x50] =	vst v44  }
0x2e5: {  	v52 =	vor.u32 v2, v16;
	[tilespmem:s28+$0x50] =	vst v48;
	v29 =	vld.idx.msk [tilespmem:v46+s15+$0x0], $0xffff  }
0x2e6: {  	v55 =	vor.u32 v8, v19;
	v57 =	vld.idx.msk [tilespmem:v50+s15+$0x0], $0xffff;
	[tilespmem:s26+$0x50] =	vst v47  }
0x2e7: {  	[tilespmem:s20+$0x410] =	vst v30;
	v60 =	vor.u32 v8, v23;
	v56 =	vld.idx.msk [tilespmem:v49+s15+$0x0], $0xffff  }
0x2e8: {  	v58 =	vor.u32 v8, v24;
	[tilespmem:s24+$0x60] =	vst v53  }
0x2e9: {  	v61 =	vor.u32 v5, v17;
	v63 =	vld.idx.msk [tilespmem:v54+s15+$0x0], $0xffff;
	[tilespmem:s22+$0x460] =	vst v59  }
0x2ea: {  	v36 =	vor.u32 v7, v22;
	v59 =	vld.idx.msk [tilespmem:v52+s15+$0x0], $0xffff;
	[tilespmem:s25+$0x60] =	vst v29  }
0x2eb: {  	v62 =	vor.u32 v0, v20;
	[tilespmem:s28+$0x60] =	vst v57;
	v28 =	vld.idx.msk [tilespmem:v55+s15+$0x0], $0xffff  }
0x2ec: {  	v37 =	vor.u32 v7, v19;
	v39 =	vld.idx.msk [tilespmem:v60+s15+$0x0], $0xffff;
	[tilespmem:s26+$0x60] =	vst v56  }
0x2ed: {  	v42 =	vor.u32 v7, v23;
	[tilespmem:s21+$0x410] =	vst v25;
	v38 =	vld.idx.msk [tilespmem:v58+s15+$0x0], $0xffff  }
0x2ee: {  	v41 =	vld.idx.msk [tilespmem:v61+s15+$0x0], $0xffff;
	v40 =	vor.u32 v7, v24;
	[tilespmem:s24+$0x70] =	vst v63  }
0x2ef: {  	v43 =	vor.u32 v5, v18;
	v45 =	vld.idx.msk [tilespmem:v36+s15+$0x0], $0xffff;
	[tilespmem:s19+$0x450] =	vst v59  }
0x2f0: {  	v20 =	vld.idx.msk [tilespmem:v62+s15+$0x0], $0xffff;
	v46 =	vor.u32 v6, v22;
	[tilespmem:s25+$0x70] =	vst v28  }
0x2f1: {  	v44 =	vor.u32 v4, v17;
	[tilespmem:s28+$0x70] =	vst v39;
	v27 =	vld.idx.msk [tilespmem:v37+s15+$0x0], $0xffff  }
0x2f2: {  	v47 =	vor.u32 v6, v19;
	v25 =	vld.idx.msk [tilespmem:v42+s15+$0x0], $0xffff;
	[tilespmem:s26+$0x70] =	vst v38  }
0x2f3: {  	v51 =	vor.u32 v6, v23;
	[tilespmem:s20+$0x420] =	vst v41;
	v48 =	vld.idx.msk [tilespmem:v40+s15+$0x0], $0xffff  }
0x2f4: {  	v50 =	vld.idx.msk [tilespmem:v43+s15+$0x0], $0xffff;
	v49 =	vor.u32 v6, v24;
	[tilespmem:s24+$0x400] =	vst v45  }
0x2f5: {  	v53 =	vor.u32 v4, v18;
	[tilespmem:s22+$0x470] =	vst v20;
	v54 =	vld.idx.msk [tilespmem:v46+s15+$0x0], $0xffff  }
0x2f6: {  	v29 =	vld.idx.msk [tilespmem:v44+s15+$0x0], $0xffff;
	v55 =	vor.u32 v5, v22;
	[tilespmem:s25+$0x400] =	vst v27  }
0x2f7: {  	v62 =	vor.u32 v1, v16;
	[tilespmem:s28+$0x400] =	vst v25;
	v21 =	vld.idx.msk [tilespmem:v47+s15+$0x0], $0xffff  }
0x2f8: {  	v56 =	vor.u32 v5, v19;
	v20 =	vld.idx.msk [tilespmem:v51+s15+$0x0], $0xffff;
	[tilespmem:s26+$0x400] =	vst v48  }
0x2f9: {  	[tilespmem:s21+$0x420] =	vst v50;
	v60 =	vor.u32 v5, v23;
	v57 =	vld.idx.msk [tilespmem:v49+s15+$0x0], $0xffff  }
0x2fa: {  	v28 =	vld.idx.msk [tilespmem:v53+s15+$0x0], $0xffff;
	v58 =	vor.u32 v5, v24;
	[tilespmem:s24+$0x410] =	vst v54  }
0x2fb: {  	v61 =	vor.u32 v3, v17;
	[tilespmem:s20+$0x430] =	vst v29;
	v33 =	vld.idx.msk [tilespmem:v55+s15+$0x0], $0xffff  }
0x2fc: {  	v63 =	vor.u32 v4, v22;
	v27 =	vld.idx.msk [tilespmem:v62+s15+$0x0], $0xffff;
	[tilespmem:s25+$0x410] =	vst v21  }
0x2fd: {  	v16 =	vor.u32 v0, v16;
	[tilespmem:s28+$0x410] =	vst v20;
	v26 =	vld.idx.msk [tilespmem:v56+s15+$0x0], $0xffff  }
0x2fe: {  	v36 =	vor.u32 v4, v19;
	v29 =	vld.idx.msk [tilespmem:v60+s15+$0x0], $0xffff;
	[tilespmem:s26+$0x410] =	vst v57  }
0x2ff: {  	v39 =	vor.u32 v4, v23;
	[tilespmem:s21+$0x430] =	vst v28;
	v30 =	vld.idx.msk [tilespmem:v58+s15+$0x0], $0xffff  }
0x300: {  	v37 =	vor.u32 v4, v24;
	v38 =	vld.idx.msk [tilespmem:v61+s15+$0x0], $0xffff;
	[tilespmem:s24+$0x420] =	vst v33  }
0x301: {  	v40 =	vor.u32 v3, v18;
	[tilespmem:s19+$0x460] =	vst v27;
	v21 =	vld.idx.msk [tilespmem:v63+s15+$0x0], $0xffff  }
0x302: {  	v41 =	vor.u32 v2, v17;
	v16 =	vld.idx.msk [tilespmem:v16+s15+$0x0], $0xffff;
	[tilespmem:s25+$0x420] =	vst v26  }
0x303: {  	v42 =	vor.u32 v3, v22;
	[tilespmem:s28+$0x420] =	vst v29;
	v25 =	vld.idx.msk [tilespmem:v36+s15+$0x0], $0xffff  }
0x304: {  	v43 =	vor.u32 v3, v19;
	v28 =	vld.idx.msk [tilespmem:v39+s15+$0x0], $0xffff;
	[tilespmem:s26+$0x420] =	vst v30  }
0x305: {  	v46 =	vor.u32 v3, v23;
	[tilespmem:s20+$0x440] =	vst v38;
	v20 =	vld.idx.msk [tilespmem:v37+s15+$0x0], $0xffff  }
0x306: {  	v44 =	vor.u32 v3, v24;
	v45 =	vld.idx.msk [tilespmem:v40+s15+$0x0], $0xffff;
	[tilespmem:s24+$0x430] =	vst v21  }
0x307: {  	v47 =	vld.idx.msk [tilespmem:v41+s15+$0x0], $0xffff;
	v48 =	vor.u32 v2, v18;
	[tilespmem:s19+$0x470] =	vst v16  }
0x308: {  	v53 =	vor.u32 v1, v17;
	v26 =	vld.idx.msk [tilespmem:v42+s15+$0x0], $0xffff;
	[tilespmem:s25+$0x430] =	vst v25  }
0x309: {  	v49 =	vor.u32 v2, v22;
	[tilespmem:s28+$0x430] =	vst v28;
	v30 =	vld.idx.msk [tilespmem:v43+s15+$0x0], $0xffff  }
0x30a: {  	v50 =	vor.u32 v2, v19;
	v27 =	vld.idx.msk [tilespmem:v46+s15+$0x0], $0xffff;
	[tilespmem:s26+$0x430] =	vst v20  }
0x30b: {  	v52 =	vor.u32 v2, v23;
	[tilespmem:s21+$0x440] =	vst v45;
	v29 =	vld.idx.msk [tilespmem:v44+s15+$0x0], $0xffff  }
0x30c: {  	v51 =	vor.u32 v2, v24;
	[tilespmem:s20+$0x450] =	vst v47;
	v21 =	vld.idx.msk [tilespmem:v48+s15+$0x0], $0xffff  }
0x30d: {  	v54 =	vor.u32 v1, v18;
	v57 =	vld.idx.msk [tilespmem:v53+s15+$0x0], $0xffff;
	[tilespmem:s24+$0x440] =	vst v26  }
0x30e: {  	v17 =	vor.u32 v0, v17;
	v25 =	vld.idx.msk [tilespmem:v49+s15+$0x0], $0xffff;
	[tilespmem:s25+$0x440] =	vst v30  }
0x30f: {  	v55 =	vor.u32 v1, v22;
	[tilespmem:s28+$0x440] =	vst v27;
	v20 =	vld.idx.msk [tilespmem:v50+s15+$0x0], $0xffff  }
0x310: {  	v56 =	vor.u32 v1, v19;
	v27 =	vld.idx.msk [tilespmem:v52+s15+$0x0], $0xffff;
	[tilespmem:s26+$0x440] =	vst v29  }
0x311: {  	v58 =	vor.u32 v1, v23;
	[tilespmem:s21+$0x450] =	vst v21;
	v28 =	vld.idx.msk [tilespmem:v51+s15+$0x0], $0xffff  }
0x312: {  	v16 =	vor.u32 v1, v24;
	[tilespmem:s20+$0x460] =	vst v57;
	v26 =	vld.idx.msk [tilespmem:v54+s15+$0x0], $0xffff  }
0x313: {  	v17 =	vld.idx.msk [tilespmem:v17+s15+$0x0], $0xffff;
	[tilespmem:s24+$0x450] =	vst v25  }
0x314: {  	v59 =	vor.u32 v0, v18;
	v25 =	vld.idx.msk [tilespmem:v55+s15+$0x0], $0xffff;
	[tilespmem:s25+$0x450] =	vst v20  }
0x315: {  	v60 =	vor.u32 v0, v22;
	[tilespmem:s28+$0x450] =	vst v27;
	v61 =	vld.idx.msk [tilespmem:v56+s15+$0x0], $0xffff  }
0x316: {  	v62 =	vor.u32 v0, v19;
	v21 =	vld.idx.msk [tilespmem:v58+s15+$0x0], $0xffff;
	[tilespmem:s26+$0x450] =	vst v28  }
0x317: {  	v63 =	vor.u32 v0, v23;
	[tilespmem:s21+$0x460] =	vst v26;
	v16 =	vld.idx.msk [tilespmem:v16+s15+$0x0], $0xffff  }
0x318: {  	v24 =	vor.u32 v0, v24;
	[tilespmem:s20+$0x470] =	vst v17  }
0x319: {  	v18 =	vld.idx.msk [tilespmem:v59+s15+$0x0], $0xffff;
	[tilespmem:s24+$0x460] =	vst v25  }
0x31a: {  	v20 =	vld.idx.msk [tilespmem:v60+s15+$0x0], $0xffff;
	[tilespmem:s25+$0x460] =	vst v61  }
0x31b: {  	[tilespmem:s28+$0x460] =	vst v21;
	v19 =	vld.idx.msk [tilespmem:v62+s15+$0x0], $0xffff  }
0x31c: {  	v17 =	vld.idx.msk [tilespmem:v63+s15+$0x0], $0xffff;
	[tilespmem:s26+$0x460] =	vst v16  }
0x31d: {  	v16 =	vld.idx.msk [tilespmem:v24+s15+$0x0], $0xffff  }
0x31e: {  	[tilespmem:s21+$0x470] =	vst v18  }
0x31f: {  	[tilespmem:s24+$0x470] =	vst v20  }
0x320: {  	[tilespmem:s25+$0x470] =	vst v19  }
0x321: {  	[tilespmem:s28+$0x470] =	vst v17  }
0x322: {  	s19 =	simm.s32 $0x0;
	s20 =	smov.u32 s12;
	[tilespmem:s26+$0x470] =	vst v16  }
0x323: {  	[hbm4b:s6+s19] =	stream.linear.scatter [tilespmem:s16], [sflag:$0x2], $0x8000, $0x38;
	[tilespmem:$0x1E900] =	vst v63  }
.LBB2_20:
0x324: {  	p0 =	sne.s32 s19, $0x59C00  }
.Ltmp9:
0x325: {  	_ = 	snop;
	(pc) =	sbr.rel @p0 .LBB2_20-.Ltmp9, $4  }
0x326: {  	s0 =	sshra.s32 s19, $0x2  }
0x327: {  	s0 =	sadd.s32 $0x100, s0  }
0x328: {  	[tilespmem:s0], [sflag:$0x1] =	stream.linear.gather [hbm4b:s20+s2], $0x100, $0x38;
	[tilespmem:$0x1E900] =	vst v63  }
0x329: {  	s19 =	sadd.s32 $0x400, s19;
	s20 =	sadd.s32 $0x1000, s20  }
0x32a: {  	_ =	swait.ge [sflag:s14], $0x100  }
0x32b: {  	s19 =	simm.s32 $0x167;
	[sflag:s14] =	ssyncset.done $0x0  }
.LBB2_22:
0x32c: {  	p0 =	sne.s32 s19, $0x1;
	s19 =	sadd.s32 $0xFFFFFFFF, s19;
	[sflag:s14] =	ssyncadd.s32 $0xFFFFFF00  }
.Ltmp10:
0x32d: {  	(pc) =	sbr.rel @p0 .LBB2_22-.Ltmp10, $3  }
0x32e: {  	_ =	sdelay $0x1  }
0x32f: {  	_ =	swait.ge [sflag:s14], $0x100  }
0x330: {  	[sflag:s14] =	ssyncset.done $0x0  }
0x331: {  	s0 =	simm.s32 $0x1  }
0x332: {  	v16 =	vmov s0  }
0x333: {  	v16 =	vand.u32 $0x7F, v16  }
0x334: {  	v23 =	vbroadcast v16, $0x0;
	_ =	sdelay $0x1  }
0x335: {  	s20 =	simm.s32 $0x0;
	v16 =	vor.u32 v15, v23  }
0x336: {  	[sflag:s14] =	ssyncadd.s32 $0xFFFFFF00;
	v17 =	vmov s20  }
0x337: {  	_ =	swait.ge [sflag:s17], $0x8000;
	v17 =	vand.u32 $0x7E, v17  }
0x338: {  	[sflag:s17] =	ssyncset.done $0x0;
	v21 =	vbroadcast v17, $0x0  }
0x339: {  	[sflag:s17] =	ssyncadd.s32 $0xFFFF8000  }
0x33a: {  	v17 =	vor.u32 v15, v21;
	v16 =	vld.idx.msk [tilespmem:v16+s15+$0x0], $0xffff  }
0x33b: {  	v18 =	vor.u32 v14, v23  }
0x33c: {  	s19 =	simm.s32 $0x80;
	s0 =	sand.u32 $0x7800, s20  }
0x33d: {  	s19 =	sand.u32 $0x380, s19;
	s0 =	sadd.s32 $0x16900, s0  }
0x33e: {  	s26 =	sadd.s32 s19, s0  }
0x33f: {  	v17 =	vld.idx.msk [tilespmem:v17+s15+$0x0], $0xffff;
	[tilespmem:s26+$0x0] =	vst v16  }
0x340: {  	v16 =	vor.u32 v14, v21;
	v18 =	vld.idx.msk [tilespmem:v18+s15+$0x0], $0xffff  }
0x341: {  	s21 =	simm.s32 $0x0;
	v19 =	vor.u32 v13, v23  }
0x342: {  	s19 =	sand.u32 $0x300, s21  }
0x343: {  	s23 =	sadd.s32 s19, s0  }
0x344: {  	[tilespmem:s23+$0x0] =	vst v17  }
0x345: {  	v16 =	vld.idx.msk [tilespmem:v16+s15+$0x0], $0xffff;
	[tilespmem:s26+$0x10] =	vst v18  }
0x346: {  	v17 =	vor.u32 v13, v21;
	v18 =	vld.idx.msk [tilespmem:v19+s15+$0x0], $0xffff  }
0x347: {  	v19 =	vor.u32 v12, v23;
	_ =	sdelay $0x2  }
0x348: {  	[tilespmem:s23+$0x10] =	vst v16  }
0x349: {  	s22 =	simm.s32 $0x3;
	v17 =	vld.idx.msk [tilespmem:v17+s15+$0x0], $0xffff;
	[tilespmem:s26+$0x20] =	vst v18  }
0x34a: {  	s24 =	simm.s32 $0x2;
	v16 =	vmov s22;
	v18 =	vor.u32 v12, v21;
	v19 =	vld.idx.msk [tilespmem:v19+s15+$0x0], $0xffff  }
0x34b: {  	v20 =	vmov s24;
	v22 =	vor.u32 v11, v23;
	v16 =	vand.u32 $0x7F, v16  }
0x34c: {  	v24 =	vand.u32 $0x7E, v20;
	v20 =	vbroadcast v16, $0x0  }
0x34d: {  	v16 =	vbroadcast v24, $0x0  }
0x34e: {  	[tilespmem:s23+$0x20] =	vst v17;
	v17 =	vor.u32 v15, v20  }
0x34f: {  	v24 =	vor.u32 v15, v16;
	v18 =	vld.idx.msk [tilespmem:v18+s15+$0x0], $0xffff;
	[tilespmem:s26+$0x30] =	vst v19  }
0x350: {  	v19 =	vor.u32 v11, v21;
	v22 =	vld.idx.msk [tilespmem:v22+s15+$0x0], $0xffff  }
0x351: {  	v25 =	vor.u32 v10, v23;
	_ =	sdelay $0x1  }
0x352: {  	v17 =	vld.idx.msk [tilespmem:v17+s15+$0x0], $0xffff  }
0x353: {  	s25 =	simm.s32 $0x200;
	v24 =	vld.idx.msk [tilespmem:v24+s15+$0x0], $0xffff;
	[tilespmem:s23+$0x30] =	vst v18;
	v18 =	vor.u32 v14, v20  }
0x354: {  	s31 =	simm.s32 $0x180;
	s0 =	sand.u32 $0x7800, s25;
	v19 =	vld.idx.msk [tilespmem:v19+s15+$0x0], $0xffff;
	[tilespmem:s26+$0x40] =	vst v22;
	v22 =	vor.u32 v14, v16  }
0x355: {  	s20 =	simm.s32 $0x100;
	s19 =	sand.u32 $0x380, s31;
	v26 =	vor.u32 v10, v21;
	s0 =	sadd.s32 $0x16900, s0;
	v25 =	vld.idx.msk [tilespmem:v25+s15+$0x0], $0xffff  }
0x356: {  	s20 =	sand.u32 $0x300, s20;
	v27 =	vor.u32 v9, v23;
	s22 =	sadd.s32 s19, s0  }
0x357: {  	s19 =	sadd.s32 s20, s0;
	[tilespmem:s22+$0x0] =	vst v17  }
0x358: {  	[tilespmem:s19+$0x0] =	vst v24;
	v17 =	vld.idx.msk [tilespmem:v18+s15+$0x0], $0xffff  }
0x359: {  	[tilespmem:s23+$0x40] =	vst v19;
	v19 =	vor.u32 v13, v20;
	v18 =	vld.idx.msk [tilespmem:v22+s15+$0x0], $0xffff  }
0x35a: {  	v24 =	vor.u32 v13, v16;
	v22 =	vld.idx.msk [tilespmem:v26+s15+$0x0], $0xffff;
	[tilespmem:s26+$0x50] =	vst v25  }
0x35b: {  	v25 =	vor.u32 v9, v21;
	v26 =	vld.idx.msk [tilespmem:v27+s15+$0x0], $0xffff  }
0x35c: {  	v27 =	vor.u32 v8, v23  }
0x35d: {  	[tilespmem:s22+$0x10] =	vst v17  }
0x35e: {  	v17 =	vld.idx.msk [tilespmem:v19+s15+$0x0], $0xffff;
	[tilespmem:s19+$0x10] =	vst v18  }
0x35f: {  	v19 =	vor.u32 v12, v20;
	[tilespmem:s23+$0x50] =	vst v22;
	v18 =	vld.idx.msk [tilespmem:v24+s15+$0x0], $0xffff  }
0x360: {  	v22 =	vld.idx.msk [tilespmem:v25+s15+$0x0], $0xffff;
	v24 =	vor.u32 v12, v16;
	[tilespmem:s26+$0x60] =	vst v26  }
0x361: {  	v25 =	vor.u32 v8, v21;
	v26 =	vld.idx.msk [tilespmem:v27+s15+$0x0], $0xffff  }
0x362: {  	v27 =	vor.u32 v7, v23  }
0x363: {  	[tilespmem:s22+$0x20] =	vst v17  }
0x364: {  	s21 =	simm.s32 $0x5;
	v19 =	vld.idx.msk [tilespmem:v19+s15+$0x0], $0xffff;
	[tilespmem:s19+$0x20] =	vst v18  }
0x365: {  	s24 =	simm.s32 $0x4;
	v17 =	vmov s21;
	[tilespmem:s23+$0x60] =	vst v22;
	v22 =	vld.idx.msk [tilespmem:v24+s15+$0x0], $0xffff;
	v24 =	vor.u32 v11, v20  }
0x366: {  	v17 =	vand.u32 $0x7F, v17;
	v18 =	vmov s24;
	v25 =	vld.idx.msk [tilespmem:v25+s15+$0x0], $0xffff;
	[tilespmem:s26+$0x70] =	vst v26;
	v26 =	vor.u32 v11, v16  }
0x367: {  	v28 =	vor.u32 v7, v21;
	v17 =	vbroadcast v17, $0x0;
	v18 =	vand.u32 $0x7E, v18;
	v27 =	vld.idx.msk [tilespmem:v27+s15+$0x0], $0xffff  }
0x368: {  	v29 =	vor.u32 v6, v23;
	v18 =	vbroadcast v18, $0x0  }
0x369: {  	v30 =	vor.u32 v15, v17;
	[tilespmem:s22+$0x30] =	vst v19  }
0x36a: {  	v19 =	vor.u32 v15, v18;
	[tilespmem:s19+$0x30] =	vst v22;
	v22 =	vld.idx.msk [tilespmem:v24+s15+$0x0], $0xffff  }
0x36b: {  	[tilespmem:s23+$0x70] =	vst v25;
	v25 =	vor.u32 v10, v20;
	v24 =	vld.idx.msk [tilespmem:v26+s15+$0x0], $0xffff  }
0x36c: {  	v26 =	vld.idx.msk [tilespmem:v28+s15+$0x0], $0xffff;
	[tilespmem:s26+$0x400] =	vst v27;
	v27 =	vor.u32 v10, v16  }
0x36d: {  	v28 =	vor.u32 v6, v21;
	v29 =	vld.idx.msk [tilespmem:v29+s15+$0x0], $0xffff  }
0x36e: {  	v31 =	vor.u32 v5, v23;
	v30 =	vld.idx.msk [tilespmem:v30+s15+$0x0], $0xffff  }
0x36f: {  	s25 =	simm.s32 $0x400;
	v32 =	vor.u32 v14, v17;
	v19 =	vld.idx.msk [tilespmem:v19+s15+$0x0], $0xffff;
	[tilespmem:s22+$0x40] =	vst v22  }
0x370: {  	s31 =	simm.s32 $0x280;
	s0 =	sand.u32 $0x7800, s25;
	v22 =	vor.u32 v14, v18;
	[tilespmem:s19+$0x40] =	vst v24;
	v24 =	vld.idx.msk [tilespmem:v25+s15+$0x0], $0xffff  }
0x371: {  	s20 =	sand.u32 $0x380, s31;
	s0 =	sadd.s32 $0x16900, s0;
	s21 =	simm.s32 $0x200;
	[tilespmem:s23+$0x400] =	vst v26;
	v26 =	vor.u32 v9, v20;
	v25 =	vld.idx.msk [tilespmem:v27+s15+$0x0], $0xffff  }
0x372: {  	s20 =	sadd.s32 s20, s0;
	s21 =	sand.u32 $0x300, s21;
	s24 =	simm.s32 $0x6;
	v27 =	vld.idx.msk [tilespmem:v28+s15+$0x0], $0xffff;
	v28 =	vor.u32 v9, v16;
	[tilespmem:s26+$0x410] =	vst v29  }
0x373: {  	s21 =	sadd.s32 s21, s0;
	[tilespmem:s20+$0x0] =	vst v30;
	v30 =	vmov s24;
	v29 =	vld.idx.msk [tilespmem:v31+s15+$0x0], $0xffff;
	v31 =	vor.u32 v5, v21  }
0x374: {  	v32 =	vld.idx.msk [tilespmem:v32+s15+$0x0], $0xffff;
	[tilespmem:s21+$0x0] =	vst v19;
	v19 =	vand.u32 $0x7E, v30;
	v30 =	vor.u32 v4, v23  }
0x375: {  	v33 =	vor.u32 v13, v17;
	v19 =	vbroadcast v19, $0x0;
	v22 =	vld.idx.msk [tilespmem:v22+s15+$0x0], $0xffff;
	[tilespmem:s22+$0x50] =	vst v24  }
0x376: {  	v24 =	vor.u32 v13, v18;
	[tilespmem:s19+$0x50] =	vst v25;
	v25 =	vld.idx.msk [tilespmem:v26+s15+$0x0], $0xffff  }
0x377: {  	v26 =	vor.u32 v15, v19;
	[tilespmem:s23+$0x410] =	vst v27;
	v28 =	vld.idx.msk [tilespmem:v28+s15+$0x0], $0xffff  }
0x378: {  	v27 =	vor.u32 v8, v20;
	v31 =	vld.idx.msk [tilespmem:v31+s15+$0x0], $0xffff;
	[tilespmem:s26+$0x420] =	vst v29  }
0x379: {  	[tilespmem:s20+$0x10] =	vst v32;
	v29 =	vor.u32 v8, v16;
	v30 =	vld.idx.msk [tilespmem:v30+s15+$0x0], $0xffff  }
0x37a: {  	v46 =	vor.u32 v4, v21;
	[tilespmem:s21+$0x10] =	vst v22;
	v22 =	vld.idx.msk [tilespmem:v33+s15+$0x0], $0xffff  }
0x37b: {  	v47 =	vor.u32 v3, v23;
	v24 =	vld.idx.msk [tilespmem:v24+s15+$0x0], $0xffff  }
0x37c: {  	v34 =	vor.u32 v12, v17;
	v26 =	vld.idx.msk [tilespmem:v26+s15+$0x0], $0xffff;
	[tilespmem:s22+$0x60] =	vst v25  }
0x37d: {  	v25 =	vor.u32 v12, v18;
	[tilespmem:s19+$0x60] =	vst v28;
	v27 =	vld.idx.msk [tilespmem:v27+s15+$0x0], $0xffff  }
0x37e: {  	s28 =	simm.s32 $0x600;
	s31 =	simm.s32 $0x300;
	v56 =	vor.u32 v14, v19;
	v28 =	vld.idx.msk [tilespmem:v29+s15+$0x0], $0xffff;
	[tilespmem:s23+$0x420] =	vst v31  }
0x37f: {  	s29 =	simm.s32 $0x380;
	s25 =	sand.u32 $0x7800, s28;
	s30 =	sand.u32 $0x300, s31;
	v29 =	vor.u32 v7, v20;
	v31 =	vld.idx.msk [tilespmem:v46+s15+$0x0], $0xffff;
	[tilespmem:s26+$0x430] =	vst v30  }
0x380: {  	s0 =	sadd.s32 $0x16900, s25;
	s25 =	sand.u32 $0x380, s29;
	s24 =	simm.s32 $0x7;
	v30 =	vor.u32 v7, v16;
	[tilespmem:s20+$0x20] =	vst v22;
	v48 =	vld.idx.msk [tilespmem:v47+s15+$0x0], $0xffff  }
0x381: {  	v49 =	vor.u32 v3, v21;
	v22 =	vmov s24;
	s24 =	sadd.s32 s25, s0;
	s25 =	sadd.s32 s30, s0;
	[tilespmem:s21+$0x20] =	vst v24;
	v24 =	vld.idx.msk [tilespmem:v34+s15+$0x0], $0xffff  }
0x382: {  	v50 =	vor.u32 v2, v23;
	v25 =	vld.idx.msk [tilespmem:v25+s15+$0x0], $0xffff;
	[tilespmem:s25+$0x0] =	vst v26  }
0x383: {  	v35 =	vor.u32 v11, v17;
	v22 =	vand.u32 $0x7F, v22;
	[tilespmem:s22+$0x70] =	vst v27;
	v58 =	vld.idx.msk [tilespmem:v56+s15+$0x0], $0xffff  }
0x384: {  	v22 =	vbroadcast v22, $0x0;
	v27 =	vor.u32 v11, v18;
	[tilespmem:s19+$0x70] =	vst v28;
	v28 =	vld.idx.msk [tilespmem:v29+s15+$0x0], $0xffff  }
0x385: {  	v29 =	vld.idx.msk [tilespmem:v30+s15+$0x0], $0xffff;
	[tilespmem:s23+$0x430] =	vst v31;
	v30 =	vor.u32 v6, v20  }
0x386: {  	v51 =	vor.u32 v15, v22;
	v31 =	vld.idx.msk [tilespmem:v49+s15+$0x0], $0xffff;
	[tilespmem:s26+$0x440] =	vst v48  }
0x387: {  	v52 =	vor.u32 v6, v16;
	[tilespmem:s20+$0x30] =	vst v24;
	v24 =	vld.idx.msk [tilespmem:v50+s15+$0x0], $0xffff  }
0x388: {  	v53 =	vor.u32 v1, v23;
	[tilespmem:s21+$0x30] =	vst v25;
	v25 =	vld.idx.msk [tilespmem:v35+s15+$0x0], $0xffff  }
0x389: {  	v54 =	vor.u32 v10, v17;
	v27 =	vld.idx.msk [tilespmem:v27+s15+$0x0], $0xffff;
	[tilespmem:s22+$0x400] =	vst v28  }
0x38a: {  	v55 =	vor.u32 v2, v21;
	v30 =	vld.idx.msk [tilespmem:v30+s15+$0x0], $0xffff;
	[tilespmem:s19+$0x400] =	vst v29  }
0x38b: {  	v28 =	vor.u32 v10, v18;
	v29 =	vld.idx.msk [tilespmem:v51+s15+$0x0], $0xffff;
	[tilespmem:s23+$0x440] =	vst v31  }
0x38c: {  	v36 =	vor.u32 v5, v20;
	v33 =	vld.idx.msk [tilespmem:v52+s15+$0x0], $0xffff;
	[tilespmem:s26+$0x450] =	vst v24  }
0x38d: {  	v24 =	vor.u32 v14, v22;
	[tilespmem:s20+$0x40] =	vst v25;
	v25 =	vld.idx.msk [tilespmem:v53+s15+$0x0], $0xffff  }
0x38e: {  	v31 =	vor.u32 v0, v23;
	[tilespmem:s21+$0x40] =	vst v27;
	v27 =	vld.idx.msk [tilespmem:v54+s15+$0x0], $0xffff  }
0x38f: {  	v26 =	vor.u32 v5, v16;
	v37 =	vld.idx.msk [tilespmem:v55+s15+$0x0], $0xffff;
	[tilespmem:s22+$0x410] =	vst v30  }
0x390: {  	s31 =	simm.s32 $0x8;
	v57 =	vor.u32 v9, v17;
	v28 =	vld.idx.msk [tilespmem:v28+s15+$0x0], $0xffff;
	[tilespmem:s24+$0x0] =	vst v29  }
0x391: {  	v23 =	vmov s31;
	v29 =	vor.u32 v9, v18;
	v30 =	vld.idx.msk [tilespmem:v36+s15+$0x0], $0xffff;
	[tilespmem:s19+$0x410] =	vst v33  }
0x392: {  	v59 =	vor.u32 v4, v20;
	v23 =	vand.u32 $0x7E, v23;
	v24 =	vld.idx.msk [tilespmem:v24+s15+$0x0], $0xffff;
	[tilespmem:s26+$0x460] =	vst v25  }
0x393: {  	v23 =	vbroadcast v23, $0x0;
	[tilespmem:s20+$0x50] =	vst v27;
	v27 =	vld.idx.msk [tilespmem:v31+s15+$0x0], $0xffff;
	v31 =	vor.u32 v13, v19  }
0x394: {  	[tilespmem:s25+$0x10] =	vst v58;
	v26 =	vld.idx.msk [tilespmem:v26+s15+$0x0], $0xffff;
	v25 =	vor.u32 v13, v22  }
0x395: {  	v60 =	vor.u32 v15, v23;
	[tilespmem:s21+$0x50] =	vst v28;
	v28 =	vld.idx.msk [tilespmem:v57+s15+$0x0], $0xffff  }
0x396: {  	v61 =	vor.u32 v8, v17;
	v29 =	vld.idx.msk [tilespmem:v29+s15+$0x0], $0xffff;
	[tilespmem:s22+$0x420] =	vst v30  }
0x397: {  	[tilespmem:s24+$0x10] =	vst v24;
	v24 =	vor.u32 v8, v18;
	v30 =	vld.idx.msk [tilespmem:v59+s15+$0x0], $0xffff  }
0x398: {  	v38 =	vld.idx.msk [tilespmem:v31+s15+$0x0], $0xffff;
	v31 =	vor.u32 v3, v20  }
0x399: {  	v63 =	vor.u32 v4, v16;
	v62 =	vld.idx.msk [tilespmem:v25+s15+$0x0], $0xffff;
	[tilespmem:s26+$0x470] =	vst v27  }
0x39a: {  	v25 =	vld.idx.msk [tilespmem:v60+s15+$0x0], $0xffff;
	v27 =	vor.u32 v12, v22;
	[tilespmem:s20+$0x60] =	vst v28  }
0x39b: {  	v39 =	vor.u32 v12, v19;
	[tilespmem:s21+$0x60] =	vst v29;
	v35 =	vld.idx.msk [tilespmem:v61+s15+$0x0], $0xffff  }
0x39c: {  	v36 =	vor.u32 v1, v21;
	v33 =	vld.idx.msk [tilespmem:v24+s15+$0x0], $0xffff;
	[tilespmem:s22+$0x430] =	vst v30  }
0x39d: {  	[tilespmem:s19+$0x420] =	vst v26;
	v29 =	vld.idx.msk [tilespmem:v31+s15+$0x0], $0xffff;
	v31 =	vor.u32 v7, v17  }
0x39e: {  	v32 =	vor.u32 v7, v18;
	v34 =	vld.idx.msk [tilespmem:v63+s15+$0x0], $0xffff;
	[tilespmem:s24+$0x20] =	vst v62  }
0x39f: {  	[tilespmem:s25+$0x20] =	vst v38;
	v28 =	vld.idx.msk [tilespmem:v27+s15+$0x0], $0xffff;
	v27 =	vor.u32 v3, v16  }
0x3a0: {  	s30 =	simm.s32 $0x9;
	[tilespmem:s23+$0x450] =	vst v37;
	v26 =	vor.u32 v2, v20;
	s26 =	simm.s32 $0xA;
	v30 =	vld.idx.msk [tilespmem:v39+s15+$0x0], $0xffff  }
.LBB2_24:
0x3a1: {  	p0 =	slt.u32 s26, $0x7E;
	v24 =	vmov s30;
	v37 =	vor.u32 v11, v22;
	[tilespmem:s20+$0x70] =	vst v35;
	v35 =	vld.idx.msk [tilespmem:v36+s15+$0x0], $0xffff  }
0x3a2: {  	v36 =	vor.u32 v11, v19;
	v24 =	vand.u32 $0x7F, v24;
	[tilespmem:s21+$0x70] =	vst v33;
	v31 =	vld.idx.msk [tilespmem:v31+s15+$0x0], $0xffff  }
0x3a3: {  	v33 =	vor.u32 v0, v21;
	v21 =	vmovc v16;
	v16 =	vmov v18;
	v24 =	vbroadcast v24, $0x0;
	v32 =	vld.idx.msk [tilespmem:v32+s15+$0x0], $0xffff;
	[tilespmem:s19+$0x430] =	vst v34  }
0x3a4: {  	v18 =	vmov v19;
	v19 =	vmov v23;
	v34 =	vor.u32 v6, v17;
	v27 =	vld.idx.msk [tilespmem:v27+s15+$0x0], $0xffff;
	[tilespmem:s22+$0x440] =	vst v29  }
0x3a5: {  	v23 =	vor.u32 v15, v24;
	[tilespmem:s24+$0x30] =	vst v28;
	v26 =	vld.idx.msk [tilespmem:v26+s15+$0x0], $0xffff  }
0x3a6: {  	v29 =	vor.u32 v6, v16;
	[tilespmem:s25+$0x30] =	vst v30;
	v28 =	vld.idx.msk [tilespmem:v37+s15+$0x0], $0xffff  }
0x3a7: {  	v30 =	vld.idx.msk [tilespmem:v36+s15+$0x0], $0xffff;
	v36 =	vor.u32 v1, v20;
	[tilespmem:s23+$0x460] =	vst v35  }
0x3a8: {  	v35 =	vor.u32 v10, v22;
	[tilespmem:s20+$0x400] =	vst v31;
	v31 =	vld.idx.msk [tilespmem:v33+s15+$0x0], $0xffff  }
0x3a9: {  	v33 =	vor.u32 v10, v18;
	[tilespmem:s21+$0x400] =	vst v32;
	v32 =	vld.idx.msk [tilespmem:v34+s15+$0x0], $0xffff  }
0x3aa: {  	v23 =	vld.idx.msk [tilespmem:v23+s15+$0x0], $0xffff;
	[tilespmem:s19+$0x440] =	vst v27;
	v27 =	vor.u32 v2, v21  }
0x3ab: {  	v34 =	vor.u32 v5, v17;
	v29 =	vld.idx.msk [tilespmem:v29+s15+$0x0], $0xffff;
	[tilespmem:s22+$0x450] =	vst v26  }
0x3ac: {  	s28 =	sadd.s32 $0x200, s28;
	v26 =	vor.u32 v14, v24;
	[tilespmem:s24+$0x40] =	vst v28;
	v28 =	vld.idx.msk [tilespmem:v36+s15+$0x0], $0xffff  }
0x3ad: {  	s29 =	sadd.s32 $0x100, s29;
	s0 =	sand.u32 $0x7800, s28;
	v36 =	vor.u32 v14, v19;
	[tilespmem:s25+$0x40] =	vst v30;
	v30 =	vld.idx.msk [tilespmem:v35+s15+$0x0], $0xffff  }
0x3ae: {  	s30 =	sadd.s32 $0xFFFFFF80, s29;
	s31 =	sand.u32 $0x380, s29;
	s0 =	sadd.s32 $0x16900, s0;
	v35 =	vor.u32 v0, v20;
	v20 =	vmovc v17;
	v17 =	vmov v22;
	v22 =	vmov v24;
	v33 =	vld.idx.msk [tilespmem:v33+s15+$0x0], $0xffff;
	[tilespmem:s23+$0x470] =	vst v31  }
0x3af: {  	s30 =	sand.u32 $0x300, s30;
	s31 =	sadd.s32 s31, s0;
	v24 =	vor.u32 v9, v17;
	s23 =	smov.u32 s19;
	[tilespmem:s20+$0x410] =	vst v32;
	v37 =	vld.idx.msk [tilespmem:v27+s15+$0x0], $0xffff  }
0x3b0: {  	s19 =	smov.u32 s21;
	s21 =	smov.u32 s25;
	s25 =	sadd.s32 s30, s0;
	v27 =	vor.u32 v9, v18;
	[tilespmem:s31+$0x0] =	vst v23;
	v31 =	vld.idx.msk [tilespmem:v34+s15+$0x0], $0xffff  }
0x3b1: {  	v23 =	vmov s26;
	[tilespmem:s25+$0x0] =	vst v25;
	v25 =	vld.idx.msk [tilespmem:v26+s15+$0x0], $0xffff;
	v26 =	vor.u32 v5, v16  }
0x3b2: {  	v34 =	vor.u32 v4, v20;
	v23 =	vand.u32 $0x7E, v23;
	v32 =	vld.idx.msk [tilespmem:v36+s15+$0x0], $0xffff;
	[tilespmem:s22+$0x460] =	vst v28  }
0x3b3: {  	v23 =	vbroadcast v23, $0x0;
	v28 =	vor.u32 v13, v22;
	[tilespmem:s24+$0x50] =	vst v30;
	v30 =	vld.idx.msk [tilespmem:v35+s15+$0x0], $0xffff  }
0x3b4: {  	v35 =	vor.u32 v13, v19;
	[tilespmem:s21+$0x50] =	vst v33;
	v24 =	vld.idx.msk [tilespmem:v24+s15+$0x0], $0xffff  }
0x3b5: {  	v33 =	vor.u32 v15, v23;
	v27 =	vld.idx.msk [tilespmem:v27+s15+$0x0], $0xffff;
	[tilespmem:s19+$0x410] =	vst v29  }
0x3b6: {  	v29 =	vor.u32 v8, v17;
	v26 =	vld.idx.msk [tilespmem:v26+s15+$0x0], $0xffff;
	[tilespmem:s20+$0x420] =	vst v31  }
0x3b7: {  	v31 =	vor.u32 v8, v18;
	[tilespmem:s31+$0x10] =	vst v25;
	v38 =	vld.idx.msk [tilespmem:v34+s15+$0x0], $0xffff  }
0x3b8: {  	[tilespmem:s25+$0x10] =	vst v32;
	v28 =	vld.idx.msk [tilespmem:v28+s15+$0x0], $0xffff;
	v32 =	vor.u32 v4, v16  }
0x3b9: {  	v40 =	vor.u32 v3, v20;
	v39 =	vld.idx.msk [tilespmem:v35+s15+$0x0], $0xffff;
	[tilespmem:s22+$0x470] =	vst v30;
	s22 =	smov.u32 s20;
	s20 =	smov.u32 s24;
	s24 =	smov.u32 s31  }
0x3ba: {  	v30 =	vor.u32 v12, v22;
	v25 =	vld.idx.msk [tilespmem:v33+s15+$0x0], $0xffff;
	[tilespmem:s20+$0x60] =	vst v24  }
0x3bb: {  	v24 =	vor.u32 v12, v19;
	[tilespmem:s21+$0x60] =	vst v27;
	v35 =	vld.idx.msk [tilespmem:v29+s15+$0x0], $0xffff  }
.Ltmp11:
0x3bc: {  	v36 =	vor.u32 v1, v21;
	v33 =	vld.idx.msk [tilespmem:v31+s15+$0x0], $0xffff;
	[tilespmem:s19+$0x420] =	vst v26;
	(pc) =	sbr.rel @p0 .LBB2_24-.Ltmp11, $4  }
0x3bd: {  	v31 =	vor.u32 v7, v17;
	v34 =	vld.idx.msk [tilespmem:v32+s15+$0x0], $0xffff;
	[tilespmem:s22+$0x430] =	vst v38  }
0x3be: {  	v32 =	vor.u32 v7, v18;
	[tilespmem:s24+$0x20] =	vst v28;
	v29 =	vld.idx.msk [tilespmem:v40+s15+$0x0], $0xffff  }
0x3bf: {  	v27 =	vor.u32 v3, v16;
	[tilespmem:s25+$0x20] =	vst v39;
	v28 =	vld.idx.msk [tilespmem:v30+s15+$0x0], $0xffff  }
0x3c0: {  	s30 =	sadd.s32 $0x1, s26;
	s26 =	sadd.s32 $0x2, s26;
	v26 =	vor.u32 v2, v20;
	v30 =	vld.idx.msk [tilespmem:v24+s15+$0x0], $0xffff;
	[tilespmem:s23+$0x450] =	vst v37  }
0x3c1: {  	v24 =	vmov s30  }
0x3c2: {  	v24 =	vand.u32 $0x7F, v24  }
0x3c3: {  	v24 =	vbroadcast v24, $0x0;
	_ =	sdelay $0x1  }
0x3c4: {  	v15 =	vor.u32 v15, v24;
	_ =	sdelay $0x3  }
0x3c5: {  	s0 =	sadd.s32 $0x200, s28;
	v42 =	vor.u32 v14, v23;
	s26 =	sadd.s32 $0x100, s29  }
0x3c6: {  	s0 =	sand.u32 $0x7800, s0;
	s31 =	sadd.s32 $0xFFFFFF80, s26;
	v15 =	vld.idx.msk [tilespmem:v15+s15+$0x0], $0xffff  }
0x3c7: {  	s0 =	sadd.s32 $0x16900, s0;
	s28 =	sand.u32 $0x300, s31;
	v37 =	vor.u32 v14, v24  }
0x3c8: {  	s28 =	sadd.s32 s28, s0  }
0x3c9: {  	s26 =	sand.u32 $0x380, s26;
	[tilespmem:s28+$0x0] =	vst v25  }
0x3ca: {  	s26 =	sadd.s32 s26, s0;
	v14 =	vld.idx.msk [tilespmem:v42+s15+$0x0], $0xffff  }
0x3cb: {  	v44 =	vor.u32 v13, v23;
	[tilespmem:s26+$0x0] =	vst v15  }
0x3cc: {  	v15 =	vld.idx.msk [tilespmem:v37+s15+$0x0], $0xffff  }
0x3cd: {  	v43 =	vor.u32 v13, v24;
	_ =	sdelay $0x1  }
0x3ce: {  	[tilespmem:s28+$0x10] =	vst v14  }
0x3cf: {  	v13 =	vld.idx.msk [tilespmem:v44+s15+$0x0], $0xffff  }
0x3d0: {  	v47 =	vor.u32 v12, v23;
	[tilespmem:s26+$0x10] =	vst v15  }
0x3d1: {  	v45 =	vld.idx.msk [tilespmem:v43+s15+$0x0], $0xffff  }
0x3d2: {  	[tilespmem:s20+$0x70] =	vst v35;
	v46 =	vor.u32 v12, v24  }
0x3d3: {  	[tilespmem:s21+$0x70] =	vst v33  }
0x3d4: {  	[tilespmem:s28+$0x20] =	vst v13  }
0x3d5: {  	v48 =	vor.u32 v11, v22;
	[tilespmem:s19+$0x430] =	vst v34;
	v12 =	vld.idx.msk [tilespmem:v47+s15+$0x0], $0xffff  }
0x3d6: {  	v49 =	vld.idx.msk [tilespmem:v36+s15+$0x0], $0xffff;
	v54 =	vor.u32 v11, v23;
	[tilespmem:s26+$0x20] =	vst v45  }
0x3d7: {  	v50 =	vor.u32 v11, v19;
	[tilespmem:s22+$0x440] =	vst v29;
	v51 =	vld.idx.msk [tilespmem:v46+s15+$0x0], $0xffff  }
0x3d8: {  	v53 =	vld.idx.msk [tilespmem:v31+s15+$0x0], $0xffff;
	[tilespmem:s24+$0x30] =	vst v28;
	v52 =	vor.u32 v11, v24  }
0x3d9: {  	v55 =	vld.idx.msk [tilespmem:v32+s15+$0x0], $0xffff;
	[tilespmem:s25+$0x30] =	vst v30  }
0x3da: {  	v25 =	vld.idx.msk [tilespmem:v48+s15+$0x0], $0xffff;
	[tilespmem:s28+$0x30] =	vst v12  }
0x3db: {  	v56 =	vor.u32 v10, v22;
	[tilespmem:s23+$0x460] =	vst v49;
	v11 =	vld.idx.msk [tilespmem:v54+s15+$0x0], $0xffff  }
0x3dc: {  	v60 =	vor.u32 v10, v23;
	v14 =	vld.idx.msk [tilespmem:v50+s15+$0x0], $0xffff;
	[tilespmem:s26+$0x30] =	vst v51  }
0x3dd: {  	v57 =	vor.u32 v10, v19;
	[tilespmem:s20+$0x400] =	vst v53;
	v58 =	vld.idx.msk [tilespmem:v52+s15+$0x0], $0xffff  }
0x3de: {  	v27 =	vld.idx.msk [tilespmem:v27+s15+$0x0], $0xffff;
	v59 =	vor.u32 v10, v24;
	[tilespmem:s21+$0x400] =	vst v55  }
0x3df: {  	v21 =	vor.u32 v0, v21;
	v26 =	vld.idx.msk [tilespmem:v26+s15+$0x0], $0xffff;
	[tilespmem:s24+$0x40] =	vst v25  }
0x3e0: {  	v35 =	vor.u32 v1, v20;
	v62 =	vld.idx.msk [tilespmem:v56+s15+$0x0], $0xffff;
	[tilespmem:s28+$0x40] =	vst v11  }
0x3e1: {  	v63 =	vor.u32 v9, v22;
	[tilespmem:s25+$0x40] =	vst v14;
	v10 =	vld.idx.msk [tilespmem:v60+s15+$0x0], $0xffff  }
0x3e2: {  	v34 =	vor.u32 v9, v23;
	v13 =	vld.idx.msk [tilespmem:v57+s15+$0x0], $0xffff;
	[tilespmem:s26+$0x40] =	vst v58  }
0x3e3: {  	v31 =	vor.u32 v9, v19;
	[tilespmem:s19+$0x440] =	vst v27;
	v32 =	vld.idx.msk [tilespmem:v59+s15+$0x0], $0xffff  }
0x3e4: {  	v33 =	vor.u32 v9, v24;
	v21 =	vld.idx.msk [tilespmem:v21+s15+$0x0], $0xffff;
	[tilespmem:s22+$0x450] =	vst v26  }
0x3e5: {  	v36 =	vor.u32 v6, v18;
	v42 =	vld.idx.msk [tilespmem:v35+s15+$0x0], $0xffff;
	[tilespmem:s24+$0x50] =	vst v62  }
0x3e6: {  	v61 =	vor.u32 v6, v17;
	v37 =	vld.idx.msk [tilespmem:v63+s15+$0x0], $0xffff;
	[tilespmem:s28+$0x50] =	vst v10  }
0x3e7: {  	v38 =	vor.u32 v8, v22;
	[tilespmem:s25+$0x50] =	vst v13;
	v9 =	vld.idx.msk [tilespmem:v34+s15+$0x0], $0xffff  }
0x3e8: {  	v43 =	vor.u32 v8, v23;
	v12 =	vld.idx.msk [tilespmem:v31+s15+$0x0], $0xffff;
	[tilespmem:s26+$0x50] =	vst v32  }
0x3e9: {  	v39 =	vor.u32 v8, v19;
	[tilespmem:s23+$0x470] =	vst v21;
	v40 =	vld.idx.msk [tilespmem:v33+s15+$0x0], $0xffff  }
0x3ea: {  	v41 =	vor.u32 v8, v24;
	[tilespmem:s22+$0x460] =	vst v42;
	v14 =	vld.idx.msk [tilespmem:v36+s15+$0x0], $0xffff  }
0x3eb: {  	v53 =	vor.u32 v5, v18;
	v25 =	vld.idx.msk [tilespmem:v61+s15+$0x0], $0xffff;
	[tilespmem:s24+$0x60] =	vst v37  }
0x3ec: {  	v45 =	vor.u32 v0, v20;
	v46 =	vld.idx.msk [tilespmem:v38+s15+$0x0], $0xffff;
	[tilespmem:s28+$0x60] =	vst v9  }
0x3ed: {  	v47 =	vor.u32 v7, v22;
	[tilespmem:s25+$0x60] =	vst v12;
	v8 =	vld.idx.msk [tilespmem:v43+s15+$0x0], $0xffff  }
0x3ee: {  	v11 =	vld.idx.msk [tilespmem:v39+s15+$0x0], $0xffff;
	v52 =	vor.u32 v7, v23;
	[tilespmem:s26+$0x60] =	vst v40  }
0x3ef: {  	v48 =	vor.u32 v7, v19;
	[tilespmem:s21+$0x410] =	vst v14;
	v49 =	vld.idx.msk [tilespmem:v41+s15+$0x0], $0xffff  }
0x3f0: {  	v50 =	vor.u32 v7, v24;
	[tilespmem:s20+$0x410] =	vst v25;
	v14 =	vld.idx.msk [tilespmem:v53+s15+$0x0], $0xffff  }
0x3f1: {  	v44 =	vor.u32 v5, v17;
	v13 =	vld.idx.msk [tilespmem:v45+s15+$0x0], $0xffff;
	[tilespmem:s24+$0x70] =	vst v46  }
0x3f2: {  	v62 =	vor.u32 v4, v18;
	v55 =	vld.idx.msk [tilespmem:v47+s15+$0x0], $0xffff;
	[tilespmem:s28+$0x70] =	vst v8  }
0x3f3: {  	v56 =	vor.u32 v6, v22;
	[tilespmem:s25+$0x70] =	vst v11;
	v7 =	vld.idx.msk [tilespmem:v52+s15+$0x0], $0xffff  }
0x3f4: {  	v60 =	vor.u32 v6, v23;
	v10 =	vld.idx.msk [tilespmem:v48+s15+$0x0], $0xffff;
	[tilespmem:s26+$0x70] =	vst v49  }
0x3f5: {  	v57 =	vor.u32 v6, v19;
	[tilespmem:s21+$0x420] =	vst v14;
	v58 =	vld.idx.msk [tilespmem:v50+s15+$0x0], $0xffff  }
0x3f6: {  	v51 =	vld.idx.msk [tilespmem:v44+s15+$0x0], $0xffff;
	[tilespmem:s22+$0x470] =	vst v13;
	v59 =	vor.u32 v6, v24  }
0x3f7: {  	v61 =	vor.u32 v2, v16;
	v11 =	vld.idx.msk [tilespmem:v62+s15+$0x0], $0xffff;
	[tilespmem:s24+$0x400] =	vst v55  }
0x3f8: {  	v54 =	vor.u32 v4, v17;
	v63 =	vld.idx.msk [tilespmem:v56+s15+$0x0], $0xffff;
	[tilespmem:s28+$0x400] =	vst v7  }
0x3f9: {  	v25 =	vor.u32 v5, v22;
	[tilespmem:s25+$0x400] =	vst v10;
	v6 =	vld.idx.msk [tilespmem:v60+s15+$0x0], $0xffff  }
0x3fa: {  	v29 =	vor.u32 v5, v23;
	v9 =	vld.idx.msk [tilespmem:v57+s15+$0x0], $0xffff;
	[tilespmem:s26+$0x400] =	vst v58  }
0x3fb: {  	v26 =	vor.u32 v5, v19;
	[tilespmem:s20+$0x420] =	vst v51;
	v27 =	vld.idx.msk [tilespmem:v59+s15+$0x0], $0xffff  }
0x3fc: {  	v28 =	vor.u32 v5, v24;
	v13 =	vld.idx.msk [tilespmem:v61+s15+$0x0], $0xffff;
	[tilespmem:s21+$0x430] =	vst v11  }
0x3fd: {  	v37 =	vor.u32 v3, v18;
	v12 =	vld.idx.msk [tilespmem:v54+s15+$0x0], $0xffff;
	[tilespmem:s24+$0x410] =	vst v63  }
0x3fe: {  	v31 =	vor.u32 v1, v16;
	v32 =	vld.idx.msk [tilespmem:v25+s15+$0x0], $0xffff;
	[tilespmem:s28+$0x410] =	vst v6  }
0x3ff: {  	[tilespmem:s25+$0x410] =	vst v9;
	v33 =	vor.u32 v4, v22;
	v5 =	vld.idx.msk [tilespmem:v29+s15+$0x0], $0xffff  }
0x400: {  	v36 =	vor.u32 v4, v23;
	v8 =	vld.idx.msk [tilespmem:v26+s15+$0x0], $0xffff;
	[tilespmem:s26+$0x410] =	vst v27  }
0x401: {  	v34 =	vor.u32 v4, v19;
	[tilespmem:s19+$0x450] =	vst v13;
	v14 =	vld.idx.msk [tilespmem:v28+s15+$0x0], $0xffff  }
0x402: {  	v35 =	vor.u32 v4, v24;
	v11 =	vld.idx.msk [tilespmem:v37+s15+$0x0], $0xffff;
	[tilespmem:s20+$0x430] =	vst v12  }
0x403: {  	v30 =	vor.u32 v3, v17;
	v10 =	vld.idx.msk [tilespmem:v31+s15+$0x0], $0xffff;
	[tilespmem:s24+$0x420] =	vst v32  }
0x404: {  	v43 =	vor.u32 v0, v16;
	v9 =	vld.idx.msk [tilespmem:v33+s15+$0x0], $0xffff;
	[tilespmem:s28+$0x420] =	vst v5  }
0x405: {  	v39 =	vor.u32 v3, v22;
	[tilespmem:s25+$0x420] =	vst v8;
	v4 =	vld.idx.msk [tilespmem:v36+s15+$0x0], $0xffff  }
0x406: {  	v42 =	vor.u32 v3, v23;
	v7 =	vld.idx.msk [tilespmem:v34+s15+$0x0], $0xffff;
	[tilespmem:s26+$0x420] =	vst v14  }
0x407: {  	[tilespmem:s21+$0x440] =	vst v11;
	v40 =	vor.u32 v3, v19;
	v6 =	vld.idx.msk [tilespmem:v35+s15+$0x0], $0xffff  }
0x408: {  	v12 =	vld.idx.msk [tilespmem:v30+s15+$0x0], $0xffff;
	[tilespmem:s19+$0x460] =	vst v10;
	v41 =	vor.u32 v3, v24  }
0x409: {  	v38 =	vor.u32 v2, v17;
	v10 =	vld.idx.msk [tilespmem:v43+s15+$0x0], $0xffff;
	[tilespmem:s24+$0x430] =	vst v9  }
0x40a: {  	v44 =	vor.u32 v2, v18;
	v8 =	vld.idx.msk [tilespmem:v39+s15+$0x0], $0xffff;
	[tilespmem:s28+$0x430] =	vst v4  }
0x40b: {  	v45 =	vor.u32 v2, v22;
	[tilespmem:s25+$0x430] =	vst v7;
	v3 =	vld.idx.msk [tilespmem:v42+s15+$0x0], $0xffff  }
0x40c: {  	v49 =	vor.u32 v2, v23;
	v46 =	vld.idx.msk [tilespmem:v40+s15+$0x0], $0xffff;
	[tilespmem:s26+$0x430] =	vst v6  }
0x40d: {  	v47 =	vor.u32 v2, v19;
	[tilespmem:s20+$0x440] =	vst v12;
	v5 =	vld.idx.msk [tilespmem:v41+s15+$0x0], $0xffff  }
0x40e: {  	v48 =	vor.u32 v2, v24;
	v12 =	vld.idx.msk [tilespmem:v38+s15+$0x0], $0xffff;
	[tilespmem:s19+$0x470] =	vst v10  }
0x40f: {  	v9 =	vld.idx.msk [tilespmem:v44+s15+$0x0], $0xffff;
	v50 =	vor.u32 v1, v17;
	[tilespmem:s24+$0x440] =	vst v8  }
0x410: {  	v51 =	vor.u32 v1, v18;
	v7 =	vld.idx.msk [tilespmem:v45+s15+$0x0], $0xffff;
	[tilespmem:s28+$0x440] =	vst v3  }
0x411: {  	v52 =	vor.u32 v1, v22;
	[tilespmem:s25+$0x440] =	vst v46;
	v2 =	vld.idx.msk [tilespmem:v49+s15+$0x0], $0xffff  }
0x412: {  	v56 =	vor.u32 v1, v23;
	v6 =	vld.idx.msk [tilespmem:v47+s15+$0x0], $0xffff;
	[tilespmem:s26+$0x440] =	vst v5  }
0x413: {  	v53 =	vor.u32 v1, v19;
	[tilespmem:s20+$0x450] =	vst v12;
	v4 =	vld.idx.msk [tilespmem:v48+s15+$0x0], $0xffff  }
0x414: {  	v54 =	vor.u32 v1, v24;
	[tilespmem:s21+$0x450] =	vst v9;
	v55 =	vld.idx.msk [tilespmem:v50+s15+$0x0], $0xffff  }
0x415: {  	v57 =	vor.u32 v0, v17;
	v8 =	vld.idx.msk [tilespmem:v51+s15+$0x0], $0xffff;
	[tilespmem:s24+$0x450] =	vst v7  }
0x416: {  	v58 =	vor.u32 v0, v18;
	v59 =	vld.idx.msk [tilespmem:v52+s15+$0x0], $0xffff;
	[tilespmem:s28+$0x450] =	vst v2  }
0x417: {  	v60 =	vor.u32 v0, v22;
	v1 =	vld.idx.msk [tilespmem:v56+s15+$0x0], $0xffff;
	[tilespmem:s25+$0x450] =	vst v6  }
0x418: {  	v63 =	vor.u32 v0, v23;
	v5 =	vld.idx.msk [tilespmem:v53+s15+$0x0], $0xffff;
	[tilespmem:s26+$0x450] =	vst v4  }
0x419: {  	v61 =	vor.u32 v0, v19;
	[tilespmem:s20+$0x460] =	vst v55;
	v3 =	vld.idx.msk [tilespmem:v54+s15+$0x0], $0xffff  }
0x41a: {  	v62 =	vor.u32 v0, v24;
	[tilespmem:s21+$0x460] =	vst v8;
	v9 =	vld.idx.msk [tilespmem:v57+s15+$0x0], $0xffff  }
0x41b: {  	v7 =	vld.idx.msk [tilespmem:v58+s15+$0x0], $0xffff;
	[tilespmem:s24+$0x460] =	vst v59  }
0x41c: {  	v6 =	vld.idx.msk [tilespmem:v60+s15+$0x0], $0xffff;
	[tilespmem:s28+$0x460] =	vst v1  }
0x41d: {  	v0 =	vld.idx.msk [tilespmem:v63+s15+$0x0], $0xffff;
	[tilespmem:s25+$0x460] =	vst v5  }
0x41e: {  	v4 =	vld.idx.msk [tilespmem:v61+s15+$0x0], $0xffff;
	[tilespmem:s26+$0x460] =	vst v3  }
0x41f: {  	[tilespmem:s20+$0x470] =	vst v9;
	v2 =	vld.idx.msk [tilespmem:v62+s15+$0x0], $0xffff  }
0x420: {  	[tilespmem:s21+$0x470] =	vst v7  }
0x421: {  	[tilespmem:s24+$0x470] =	vst v6  }
0x422: {  	s18 =	sadd.s32 $0x1, s18;
	[tilespmem:s28+$0x470] =	vst v0  }
0x423: {  	p0 =	sne.s32 s18, s8;
	[tilespmem:s25+$0x470] =	vst v4  }
.Ltmp12:
0x424: {  	[tilespmem:s26+$0x470] =	vst v2;
	(pc) =	sbr.rel @p0 .LBB2_1-.Ltmp12, $4  }
0x425: {  	[hbm4b:s7+s2] =	stream.linear.scatter [tilespmem:s16], [sflag:$0x2], $0x8000, $0x38;
	[tilespmem:$0x1E900] =	vst v63  }
0x426: {  	_ =	swait.ge [sflag:s17], $0x8000  }
0x427: {  	[sflag:s17] =	ssyncset.done $0x0  }
0x428: {  	[sflag:s17] =	ssyncadd.s32 $0xFFFF8000  }
0x429: {  	_ =	sfence.sel $0x180000  }
0x42a: {  	[bflag:$0x0] =	sbarrier.arrive $0xFFFF  }
0x42b: {  	_ =	strace $0x90000047  }
0x42c: {  	[bflag:$0x2] =	sbarrier.arrive $0xFFFF  }
0x42d: {  	p0 =	sne.s32 s3, $0x0;
	s0 =	rddreg [dreg:$0x3]  }
0x42e: {  	s0 =	sadd.s32 @!p0 $0x100000, s0  }
0x42f: {  	[sflag:s0] =	ssyncadd.tile.s32 @!p0 $0x1;
	_ =	shalt  }
.Lfunc_end2:
_tile_overlayer_lowered:
.L_overlay_start_2:
0x430: {  	(tag) =	ssettag $0x2  }
0x431: {  	s0 =	rddreg [dreg:$0x0];
	s2 =	stileid.u32  }
0x432: {  	s1 =	rddreg [dreg:$0x1];
	p0 =	sne.s32 s2, $0x0  }
0x433: {  	s3 =	rddreg [dreg:$0x2];
	[bflag:$0x3] =	sbarrier.arrive $0xFFFF;
	s2 =	simm.s32 @!p0 $0x1C03  }
0x434: {  	[timem:s3], [sflag:s2] =	dma.local @!p0 [hbm:s0], s1  }
0x435: {  	s0 =	simm.s32 @!p0 $0x3  }
0x436: {  	_ =	swait.ge @!p0 [sflag:s0], s1  }
0x437: {  	s1 =	ssub.s32 @!p0 $0x0, s1;
	[sflag:s0] =	ssyncset.done @!p0 $0x0  }
0x438: {  	[sflag:s0] =	ssyncadd.s32 @!p0 s1  }
0x439: {  	[bflag:$0x3] =	sbarrier.arrive $0xFFFF  }
0x43a: {  	_ =	shalt  }

</sc_bundles>
